<compile_context>
chip_gen: v7x
topology: tpu7x:2x2x1
jax: 0.10.2.dev20260603
libtpu: 0.0.44.dev20260713+nightly
codegen_flags: <defaults>
</compile_context>

<pallas_src>
import functools

import jax
import jax.numpy as jnp
from jax import lax
from jax.experimental import pallas as pl
from jax.experimental.pallas import tpu as pltpu
from jax.experimental.pallas import tpu_sc as plsc

_K = 8192
_D = 64
_BM = 256
_NT = 16384
_GRID = _NT // _BM
_COMMITMENT_COST = 0.25


def _vq_body(x_ref, et_ref, s1_ref, s2_ref,
             enc_ref, idx_ref, counts_ref, dsum_ref):
    i = pl.program_id(0)
    mm2 = jnp.dot(x_ref[...], et_ref[...], preferred_element_type=jnp.float32)
    d = (s1_ref[...] + s2_ref[...]) - mm2
    _NCK = _K // 128
    runmin = d[:, 0:128]
    runidx = jnp.zeros((_BM, 128), jnp.float32)
    for c in range(1, _NCK):
        dc = d[:, c * 128:(c + 1) * 128]
        m = dc < runmin
        runidx = jnp.where(m, float(c), runidx)
        runmin = jnp.where(m, dc, runmin)
    lane = lax.broadcasted_iota(jnp.int32, (_BM, 128), 1).astype(jnp.float32)
    code = runidx * 128.0 + lane
    minval = jnp.min(runmin, axis=1, keepdims=True)
    idxf = jnp.min(jnp.where(runmin == minval, code, float(_K)), axis=1)
    idx_ref[0, 0, :] = idxf.astype(jnp.int32)

    @pl.when(i == 0)
    def _init():
        counts_ref[...] = jnp.zeros_like(counts_ref)
        dsum_ref[...] = jnp.zeros_like(dsum_ref)

    idxc = idxf[:, None]
    for c in range(_NCK):
        ohc = (lane == (idxc - 128.0 * c)).astype(jnp.float32)
        enc_ref[:, c * 128:(c + 1) * 128] = ohc
        counts_ref[0, c * 128:(c + 1) * 128] += jnp.sum(ohc, axis=0)

    dsum_ref[...] += jnp.sum(minval, axis=0, keepdims=True)


_vq_call = pl.pallas_call(
    _vq_body,
    grid=(_GRID,),
    in_specs=[
        pl.BlockSpec((_BM, _D), lambda i: (i, 0)),
        pl.BlockSpec((_D, _K), lambda i: (0, 0)),
        pl.BlockSpec((_BM, 1), lambda i: (i, 0)),
        pl.BlockSpec((1, _K), lambda i: (0, 0)),
    ],
    out_specs=[
        pl.BlockSpec((_BM, _K), lambda i: (i, 0)),
        pl.BlockSpec((1, 1, _BM), lambda i: (i, 0, 0)),
        pl.BlockSpec((1, _K), lambda i: (0, 0)),
        pl.BlockSpec((1, 1), lambda i: (0, 0)),
    ],
    out_shape=[
        jax.ShapeDtypeStruct((_NT, _K), jnp.float32),
        jax.ShapeDtypeStruct((_GRID, 1, _BM), jnp.int32),
        jax.ShapeDtypeStruct((1, _K), jnp.float32),
        jax.ShapeDtypeStruct((1, 1), jnp.float32),
    ],
)

_NW = 32
_CH = 128
_NCH = _NT // _NW // _CH
_DP = 128


def _gather_body(table_hbm, idx_hbm, out_hbm, idx_v, rows_v, sem):
    wid = lax.axis_index("s") * 2 + lax.axis_index("c")
    pltpu.sync_copy(idx_hbm.at[wid], idx_v)
    copies = [pltpu.async_copy(table_hbm.at[idx_v.at[j]], rows_v.at[j], sem)
              for j in range(_NCH)]
    for c in copies:
        c.wait()
    pltpu.sync_copy(rows_v, out_hbm.at[wid])


_gather_call = functools.partial(
    pl.kernel,
    mesh=plsc.VectorSubcoreMesh(core_axis_name="c", subcore_axis_name="s"),
    out_type=jax.ShapeDtypeStruct((_NW, _NCH, _CH, _DP), jnp.float32),
    scratch_types=[
        pltpu.VMEM((_NCH, _CH), jnp.int32),
        pltpu.VMEM((_NCH, _CH, _DP), jnp.float32),
        pltpu.SemaphoreType.DMA,
    ],
)(_gather_body)


def kernel(inputs, embedding_weight):
    x = jnp.transpose(inputs, (0, 2, 3, 1))
    input_shape = x.shape
    flat = x.reshape(-1, _D)
    s1 = jnp.sum(flat ** 2, axis=1, keepdims=True)
    s2 = jnp.sum(embedding_weight ** 2, axis=1).reshape(1, _K)
    et2 = embedding_weight.T * 2.0

    enc, idx3, counts, dsum = _vq_call(flat, et2, s1, s2)

    idx_w = idx3.reshape(_NW, _NCH, _CH)
    table = jnp.pad(embedding_weight, ((0, 0), (0, _DP - _D)))
    q = _gather_call(table, idx_w).reshape(_NT, _DP)[:, :_D]

    quantized_out = jnp.transpose(q.reshape(input_shape), (0, 3, 1, 2))
    loss = _COMMITMENT_COST * (dsum[0, 0] / (_NT * _D))
    avg_probs = counts.reshape(_K) / _NT
    perplexity = jnp.exp(-jnp.sum(avg_probs * jnp.log(avg_probs + 1e-10)))
    return loss, quantized_out, perplexity, enc

# --- scband reference (transcript-rebuilt; emitter-appended) ---
"""Pipeline reference for scband-vector-quantizer-ema-317827580711 (READ-ONLY COPY).

The authoritative reference and input builder live on the scoring server;
editing this copy changes nothing except your own understanding.
"""

import jax, jax.numpy as jnp
import numpy as np

NUM_EMBEDDINGS = 8192
EMBEDDING_DIM = 64
COMMITMENT_COST = 0.25


def setup_inputs(seed: int = 0) -> dict:
    key = jax.random.key(seed)
    k1, k2 = jax.random.split(key)
    inputs = jax.random.normal(k1, (16, 64, 32, 32), dtype=jnp.float32)
    embedding_weight = jax.random.normal(k2, (NUM_EMBEDDINGS, EMBEDDING_DIM), dtype=jnp.float32)
    return {"inputs": inputs, "embedding_weight": embedding_weight}


def reference(inputs, embedding_weight):
    # inputs: [B, C, H, W] -> [B, H, W, C]
    x = jnp.transpose(inputs, (0, 2, 3, 1))
    input_shape = x.shape
    flat_input = x.reshape(-1, EMBEDDING_DIM)
    # squared L2 distances to each codebook entry
    distances = (jnp.sum(flat_input ** 2, axis=1, keepdims=True)
                 + jnp.sum(embedding_weight ** 2, axis=1)
                 - 2.0 * jnp.matmul(flat_input, embedding_weight.T))
    encoding_indices = jnp.argmin(distances, axis=1)
    encodings = jax.nn.one_hot(encoding_indices, NUM_EMBEDDINGS, dtype=flat_input.dtype)
    quantized = jnp.matmul(encodings, embedding_weight).reshape(input_shape)
    # eval mode: EMA codebook update branch is skipped (self.training == False)
    e_latent_loss = jnp.mean((jax.lax.stop_gradient(quantized) - x) ** 2)
    loss = COMMITMENT_COST * e_latent_loss
    # straight-through estimator
    quantized = x + jax.lax.stop_gradient(quantized - x)
    avg_probs = jnp.mean(encodings, axis=0)
    perplexity = jnp.exp(-jnp.sum(avg_probs * jnp.log(avg_probs + 1e-10)))
    quantized_out = jnp.transpose(quantized, (0, 3, 1, 2))
    return (loss, quantized_out, perplexity, encodings)

if __name__ == "__main__":
    import jax
    _d = setup_inputs()
    print(jax.jit(kernel)(*tuple(_d.values())))

</pallas_src>

<mosaic_0001>
#map = affine_map<(d0, d1) -> (0, 0)>
#map1 = affine_map<(d0, d1) -> (0, 0, 0)>
#map2 = affine_map<(d0, d1) -> (0, 0, 0, 0)>
module attributes {stable_mosaic.version = 14 : i64} {
  func.func @_gather_body(%arg0: i32, %arg1: i32, %arg2: memref<8192x128xf32, #tpu.memory_space<hbm>>, %arg3: memref<32x4x128xi32, #tpu.memory_space<hbm>>, %arg4: memref<32x4x128x128xf32, #tpu.memory_space<hbm>>, %arg5: memref<4x128xi32, #tpu.memory_space<vmem>>, %arg6: memref<4x128x128xf32, #tpu.memory_space<vmem>>, %arg7: memref<!tpu.dma_semaphore, #tpu.memory_space<semaphore_mem>>) attributes {dimension_semantics = [#tpu.dimension_semantics<core_parallel>, #tpu.dimension_semantics<subcore_parallel>], iteration_bounds = array<i64: 2, 16>, scalar_prefetch = 0 : i64, scratch_operands = 3 : i64, tpu.core_type = #tpu.core_type<sc_vector_subcore>, window_params = [{transform_indices = #map}, {transform_indices = #map1}, {transform_indices = #map2}]} {
    %mul3A = arith.constant 2 : i32
    %mul3A_0 = arith.muli %arg1, %mul3A : i32
    %add3A = arith.addi %mul3A_0, %arg0 : i32
    "tpu.region"() ({
      %run_scoped3A = tpu.sem_alloc : memref<!tpu.dma_semaphore, #tpu.memory_space<semaphore_mem>>
      %dma_start3A_95 = arith.constant 0 : i32
      %dma_start3A_96 = arith.constant 0 : i32
      %dma_start3A_97 = tpu.memref_slice %arg3[%add3A, %dma_start3A_95, %dma_start3A_96] : memref<32x4x128xi32, #tpu.memory_space<hbm>> -> memref<1x4x128xi32, #tpu.memory_space<hbm>>
      %dma_start3A_98 = tpu.memref_squeeze %dma_start3A_97 : memref<1x4x128xi32, #tpu.memory_space<hbm>> -> memref<4x128xi32, #tpu.memory_space<hbm>>
      %dma_start3A_99 = arith.constant 0 : i32
      %dma_start3A_100 = arith.constant 0 : i32
      %dma_start3A_101 = tpu.memref_slice %arg3[%add3A, %dma_start3A_99, %dma_start3A_100] : memref<32x4x128xi32, #tpu.memory_space<hbm>> -> memref<1x4x128xi32, #tpu.memory_space<hbm>>
      %dma_start3A_102 = tpu.memref_squeeze %dma_start3A_101 : memref<1x4x128xi32, #tpu.memory_space<hbm>> -> memref<4x128xi32, #tpu.memory_space<hbm>>
      tpu.enqueue_dma source(%dma_start3A_102 : memref<4x128xi32, #tpu.memory_space<hbm>>) target(%arg5 : memref<4x128xi32, #tpu.memory_space<vmem>>) target_semaphore(%run_scoped3A : memref<!tpu.dma_semaphore, #tpu.memory_space<semaphore_mem>>)
      %dma_wait3A_103 = arith.constant 0 : i32
      %dma_wait3A_104 = arith.constant 0 : i32
      %dma_wait3A_105 = tpu.memref_slice %arg3[%add3A, %dma_wait3A_103, %dma_wait3A_104] : memref<32x4x128xi32, #tpu.memory_space<hbm>> -> memref<1x4x128xi32, #tpu.memory_space<hbm>>
      %dma_wait3A_106 = tpu.memref_squeeze %dma_wait3A_105 : memref<1x4x128xi32, #tpu.memory_space<hbm>> -> memref<4x128xi32, #tpu.memory_space<hbm>>
      %dma_wait3A_107 = arith.constant 0 : i32
      %dma_wait3A_108 = arith.constant 0 : i32
      %dma_wait3A_109 = tpu.memref_slice %arg3[%add3A, %dma_wait3A_107, %dma_wait3A_108] : memref<32x4x128xi32, #tpu.memory_space<hbm>> -> memref<1x4x128xi32, #tpu.memory_space<hbm>>
      %dma_wait3A_110 = tpu.memref_squeeze %dma_wait3A_109 : memref<1x4x128xi32, #tpu.memory_space<hbm>> -> memref<4x128xi32, #tpu.memory_space<hbm>>
      tpu.wait_dma2 semaphore(%run_scoped3A : memref<!tpu.dma_semaphore, #tpu.memory_space<semaphore_mem>>) src(%dma_wait3A_110 : memref<4x128xi32, #tpu.memory_space<hbm>>) dst(%arg5 : memref<4x128xi32, #tpu.memory_space<vmem>>)
      tpu.yield
    }) : () -> ()
    %dma_start3A = arith.constant 0 : i32
    %dma_start3A_1 = arith.constant 0 : i32
    %dma_start3A_2 = arith.constant 0 : i32
    %dma_start3A_3 = arith.constant 0 : i32
    %dma_start3A_4 = tpu.memref_slice %arg6[%dma_start3A_1, %dma_start3A_2, %dma_start3A_3] : memref<4x128x128xf32, #tpu.memory_space<vmem>> -> memref<1x128x128xf32, #tpu.memory_space<vmem>>
    %dma_start3A_5 = tpu.memref_squeeze %dma_start3A_4 : memref<1x128x128xf32, #tpu.memory_space<vmem>> -> memref<128x128xf32, #tpu.memory_space<vmem>>
    %dma_start3A_6 = arith.constant 0 : i32
    %dma_start3A_7 = tpu.memref_slice %arg5[%dma_start3A, %dma_start3A_6] : memref<4x128xi32, #tpu.memory_space<vmem>> -> memref<1x128xi32, #tpu.memory_space<vmem>>
    %dma_start3A_8 = tpu.memref_squeeze %dma_start3A_7 : memref<1x128xi32, #tpu.memory_space<vmem>> -> memref<128xi32, #tpu.memory_space<vmem>>
    %dma_start3A_9 = arith.constant 0 : i32
    %dma_start3A_10 = arith.constant 0 : i32
    %dma_start3A_11 = tpu.memref_slice %arg2[%dma_start3A_9, %dma_start3A_10] : memref<8192x128xf32, #tpu.memory_space<hbm>> -> memref<8192x128xf32, #tpu.memory_space<hbm>>
    tpu.enqueue_indirect_dma source(%dma_start3A_11 : memref<8192x128xf32, #tpu.memory_space<hbm>>) target(%dma_start3A_5 : memref<128x128xf32, #tpu.memory_space<vmem>>) offsets(%dma_start3A_8 : memref<128xi32, #tpu.memory_space<vmem>>) semaphore(%arg7 : memref<!tpu.dma_semaphore, #tpu.memory_space<semaphore_mem>>)
    %dma_start3A_12 = arith.constant 1 : i32
    %dma_start3A_13 = arith.constant 1 : i32
    %dma_start3A_14 = arith.constant 0 : i32
    %dma_start3A_15 = arith.constant 0 : i32
    %dma_start3A_16 = tpu.memref_slice %arg6[%dma_start3A_13, %dma_start3A_14, %dma_start3A_15] : memref<4x128x128xf32, #tpu.memory_space<vmem>> -> memref<1x128x128xf32, #tpu.memory_space<vmem>>
    %dma_start3A_17 = tpu.memref_squeeze %dma_start3A_16 : memref<1x128x128xf32, #tpu.memory_space<vmem>> -> memref<128x128xf32, #tpu.memory_space<vmem>>
    %dma_start3A_18 = arith.constant 0 : i32
    %dma_start3A_19 = tpu.memref_slice %arg5[%dma_start3A_12, %dma_start3A_18] : memref<4x128xi32, #tpu.memory_space<vmem>> -> memref<1x128xi32, #tpu.memory_space<vmem>>
    %dma_start3A_20 = tpu.memref_squeeze %dma_start3A_19 : memref<1x128xi32, #tpu.memory_space<vmem>> -> memref<128xi32, #tpu.memory_space<vmem>>
    %dma_start3A_21 = arith.constant 0 : i32
    %dma_start3A_22 = arith.constant 0 : i32
    %dma_start3A_23 = tpu.memref_slice %arg2[%dma_start3A_21, %dma_start3A_22] : memref<8192x128xf32, #tpu.memory_space<hbm>> -> memref<8192x128xf32, #tpu.memory_space<hbm>>
    tpu.enqueue_indirect_dma source(%dma_start3A_23 : memref<8192x128xf32, #tpu.memory_space<hbm>>) target(%dma_start3A_17 : memref<128x128xf32, #tpu.memory_space<vmem>>) offsets(%dma_start3A_20 : memref<128xi32, #tpu.memory_space<vmem>>) semaphore(%arg7 : memref<!tpu.dma_semaphore, #tpu.memory_space<semaphore_mem>>)
    %dma_start3A_24 = arith.constant 2 : i32
    %dma_start3A_25 = arith.constant 2 : i32
    %dma_start3A_26 = arith.constant 0 : i32
    %dma_start3A_27 = arith.constant 0 : i32
    %dma_start3A_28 = tpu.memref_slice %arg6[%dma_start3A_25, %dma_start3A_26, %dma_start3A_27] : memref<4x128x128xf32, #tpu.memory_space<vmem>> -> memref<1x128x128xf32, #tpu.memory_space<vmem>>
    %dma_start3A_29 = tpu.memref_squeeze %dma_start3A_28 : memref<1x128x128xf32, #tpu.memory_space<vmem>> -> memref<128x128xf32, #tpu.memory_space<vmem>>
    %dma_start3A_30 = arith.constant 0 : i32
    %dma_start3A_31 = tpu.memref_slice %arg5[%dma_start3A_24, %dma_start3A_30] : memref<4x128xi32, #tpu.memory_space<vmem>> -> memref<1x128xi32, #tpu.memory_space<vmem>>
    %dma_start3A_32 = tpu.memref_squeeze %dma_start3A_31 : memref<1x128xi32, #tpu.memory_space<vmem>> -> memref<128xi32, #tpu.memory_space<vmem>>
    %dma_start3A_33 = arith.constant 0 : i32
    %dma_start3A_34 = arith.constant 0 : i32
    %dma_start3A_35 = tpu.memref_slice %arg2[%dma_start3A_33, %dma_start3A_34] : memref<8192x128xf32, #tpu.memory_space<hbm>> -> memref<8192x128xf32, #tpu.memory_space<hbm>>
    tpu.enqueue_indirect_dma source(%dma_start3A_35 : memref<8192x128xf32, #tpu.memory_space<hbm>>) target(%dma_start3A_29 : memref<128x128xf32, #tpu.memory_space<vmem>>) offsets(%dma_start3A_32 : memref<128xi32, #tpu.memory_space<vmem>>) semaphore(%arg7 : memref<!tpu.dma_semaphore, #tpu.memory_space<semaphore_mem>>)
    %dma_start3A_36 = arith.constant 3 : i32
    %dma_start3A_37 = arith.constant 3 : i32
    %dma_start3A_38 = arith.constant 0 : i32
    %dma_start3A_39 = arith.constant 0 : i32
    %dma_start3A_40 = tpu.memref_slice %arg6[%dma_start3A_37, %dma_start3A_38, %dma_start3A_39] : memref<4x128x128xf32, #tpu.memory_space<vmem>> -> memref<1x128x128xf32, #tpu.memory_space<vmem>>
    %dma_start3A_41 = tpu.memref_squeeze %dma_start3A_40 : memref<1x128x128xf32, #tpu.memory_space<vmem>> -> memref<128x128xf32, #tpu.memory_space<vmem>>
    %dma_start3A_42 = arith.constant 0 : i32
    %dma_start3A_43 = tpu.memref_slice %arg5[%dma_start3A_36, %dma_start3A_42] : memref<4x128xi32, #tpu.memory_space<vmem>> -> memref<1x128xi32, #tpu.memory_space<vmem>>
    %dma_start3A_44 = tpu.memref_squeeze %dma_start3A_43 : memref<1x128xi32, #tpu.memory_space<vmem>> -> memref<128xi32, #tpu.memory_space<vmem>>
    %dma_start3A_45 = arith.constant 0 : i32
    %dma_start3A_46 = arith.constant 0 : i32
    %dma_start3A_47 = tpu.memref_slice %arg2[%dma_start3A_45, %dma_start3A_46] : memref<8192x128xf32, #tpu.memory_space<hbm>> -> memref<8192x128xf32, #tpu.memory_space<hbm>>
    tpu.enqueue_indirect_dma source(%dma_start3A_47 : memref<8192x128xf32, #tpu.memory_space<hbm>>) target(%dma_start3A_41 : memref<128x128xf32, #tpu.memory_space<vmem>>) offsets(%dma_start3A_44 : memref<128xi32, #tpu.memory_space<vmem>>) semaphore(%arg7 : memref<!tpu.dma_semaphore, #tpu.memory_space<semaphore_mem>>)
    %dma_wait3A = arith.constant 0 : i32
    %dma_wait3A_48 = arith.constant 0 : i32
    %dma_wait3A_49 = arith.constant 0 : i32
    %dma_wait3A_50 = arith.constant 0 : i32
    %dma_wait3A_51 = tpu.memref_slice %arg6[%dma_wait3A_48, %dma_wait3A_49, %dma_wait3A_50] : memref<4x128x128xf32, #tpu.memory_space<vmem>> -> memref<1x128x128xf32, #tpu.memory_space<vmem>>
    %dma_wait3A_52 = tpu.memref_squeeze %dma_wait3A_51 : memref<1x128x128xf32, #tpu.memory_space<vmem>> -> memref<128x128xf32, #tpu.memory_space<vmem>>
    %dma_wait3A_53 = arith.constant 0 : i32
    %dma_wait3A_54 = tpu.memref_slice %arg5[%dma_wait3A, %dma_wait3A_53] : memref<4x128xi32, #tpu.memory_space<vmem>> -> memref<1x128xi32, #tpu.memory_space<vmem>>
    %dma_wait3A_55 = tpu.memref_squeeze %dma_wait3A_54 : memref<1x128xi32, #tpu.memory_space<vmem>> -> memref<128xi32, #tpu.memory_space<vmem>>
    %dma_wait3A_56 = arith.constant 0 : i32
    %dma_wait3A_57 = arith.constant 0 : i32
    %dma_wait3A_58 = tpu.memref_slice %arg2[%dma_wait3A_56, %dma_wait3A_57] : memref<8192x128xf32, #tpu.memory_space<hbm>> -> memref<8192x128xf32, #tpu.memory_space<hbm>>
    tpu.wait_indirect_dma semaphore(%arg7 : memref<!tpu.dma_semaphore, #tpu.memory_space<semaphore_mem>>) src(%dma_wait3A_58 : memref<8192x128xf32, #tpu.memory_space<hbm>>) dst(%dma_wait3A_52 : memref<128x128xf32, #tpu.memory_space<vmem>>)
    %dma_wait3A_59 = arith.constant 1 : i32
    %dma_wait3A_60 = arith.constant 1 : i32
    %dma_wait3A_61 = arith.constant 0 : i32
    %dma_wait3A_62 = arith.constant 0 : i32
    %dma_wait3A_63 = tpu.memref_slice %arg6[%dma_wait3A_60, %dma_wait3A_61, %dma_wait3A_62] : memref<4x128x128xf32, #tpu.memory_space<vmem>> -> memref<1x128x128xf32, #tpu.memory_space<vmem>>
    %dma_wait3A_64 = tpu.memref_squeeze %dma_wait3A_63 : memref<1x128x128xf32, #tpu.memory_space<vmem>> -> memref<128x128xf32, #tpu.memory_space<vmem>>
    %dma_wait3A_65 = arith.constant 0 : i32
    %dma_wait3A_66 = tpu.memref_slice %arg5[%dma_wait3A_59, %dma_wait3A_65] : memref<4x128xi32, #tpu.memory_space<vmem>> -> memref<1x128xi32, #tpu.memory_space<vmem>>
    %dma_wait3A_67 = tpu.memref_squeeze %dma_wait3A_66 : memref<1x128xi32, #tpu.memory_space<vmem>> -> memref<128xi32, #tpu.memory_space<vmem>>
    %dma_wait3A_68 = arith.constant 0 : i32
    %dma_wait3A_69 = arith.constant 0 : i32
    %dma_wait3A_70 = tpu.memref_slice %arg2[%dma_wait3A_68, %dma_wait3A_69] : memref<8192x128xf32, #tpu.memory_space<hbm>> -> memref<8192x128xf32, #tpu.memory_space<hbm>>
    tpu.wait_indirect_dma semaphore(%arg7 : memref<!tpu.dma_semaphore, #tpu.memory_space<semaphore_mem>>) src(%dma_wait3A_70 : memref<8192x128xf32, #tpu.memory_space<hbm>>) dst(%dma_wait3A_64 : memref<128x128xf32, #tpu.memory_space<vmem>>)
    %dma_wait3A_71 = arith.constant 2 : i32
    %dma_wait3A_72 = arith.constant 2 : i32
    %dma_wait3A_73 = arith.constant 0 : i32
    %dma_wait3A_74 = arith.constant 0 : i32
    %dma_wait3A_75 = tpu.memref_slice %arg6[%dma_wait3A_72, %dma_wait3A_73, %dma_wait3A_74] : memref<4x128x128xf32, #tpu.memory_space<vmem>> -> memref<1x128x128xf32, #tpu.memory_space<vmem>>
    %dma_wait3A_76 = tpu.memref_squeeze %dma_wait3A_75 : memref<1x128x128xf32, #tpu.memory_space<vmem>> -> memref<128x128xf32, #tpu.memory_space<vmem>>
    %dma_wait3A_77 = arith.constant 0 : i32
    %dma_wait3A_78 = tpu.memref_slice %arg5[%dma_wait3A_71, %dma_wait3A_77] : memref<4x128xi32, #tpu.memory_space<vmem>> -> memref<1x128xi32, #tpu.memory_space<vmem>>
    %dma_wait3A_79 = tpu.memref_squeeze %dma_wait3A_78 : memref<1x128xi32, #tpu.memory_space<vmem>> -> memref<128xi32, #tpu.memory_space<vmem>>
    %dma_wait3A_80 = arith.constant 0 : i32
    %dma_wait3A_81 = arith.constant 0 : i32
    %dma_wait3A_82 = tpu.memref_slice %arg2[%dma_wait3A_80, %dma_wait3A_81] : memref<8192x128xf32, #tpu.memory_space<hbm>> -> memref<8192x128xf32, #tpu.memory_space<hbm>>
    tpu.wait_indirect_dma semaphore(%arg7 : memref<!tpu.dma_semaphore, #tpu.memory_space<semaphore_mem>>) src(%dma_wait3A_82 : memref<8192x128xf32, #tpu.memory_space<hbm>>) dst(%dma_wait3A_76 : memref<128x128xf32, #tpu.memory_space<vmem>>)
    %dma_wait3A_83 = arith.constant 3 : i32
    %dma_wait3A_84 = arith.constant 3 : i32
    %dma_wait3A_85 = arith.constant 0 : i32
    %dma_wait3A_86 = arith.constant 0 : i32
    %dma_wait3A_87 = tpu.memref_slice %arg6[%dma_wait3A_84, %dma_wait3A_85, %dma_wait3A_86] : memref<4x128x128xf32, #tpu.memory_space<vmem>> -> memref<1x128x128xf32, #tpu.memory_space<vmem>>
    %dma_wait3A_88 = tpu.memref_squeeze %dma_wait3A_87 : memref<1x128x128xf32, #tpu.memory_space<vmem>> -> memref<128x128xf32, #tpu.memory_space<vmem>>
    %dma_wait3A_89 = arith.constant 0 : i32
    %dma_wait3A_90 = tpu.memref_slice %arg5[%dma_wait3A_83, %dma_wait3A_89] : memref<4x128xi32, #tpu.memory_space<vmem>> -> memref<1x128xi32, #tpu.memory_space<vmem>>
    %dma_wait3A_91 = tpu.memref_squeeze %dma_wait3A_90 : memref<1x128xi32, #tpu.memory_space<vmem>> -> memref<128xi32, #tpu.memory_space<vmem>>
    %dma_wait3A_92 = arith.constant 0 : i32
    %dma_wait3A_93 = arith.constant 0 : i32
    %dma_wait3A_94 = tpu.memref_slice %arg2[%dma_wait3A_92, %dma_wait3A_93] : memref<8192x128xf32, #tpu.memory_space<hbm>> -> memref<8192x128xf32, #tpu.memory_space<hbm>>
    tpu.wait_indirect_dma semaphore(%arg7 : memref<!tpu.dma_semaphore, #tpu.memory_space<semaphore_mem>>) src(%dma_wait3A_94 : memref<8192x128xf32, #tpu.memory_space<hbm>>) dst(%dma_wait3A_88 : memref<128x128xf32, #tpu.memory_space<vmem>>)
    "tpu.region"() ({
      %run_scoped3A = tpu.sem_alloc : memref<!tpu.dma_semaphore, #tpu.memory_space<semaphore_mem>>
      %dma_start3A_95 = arith.constant 0 : i32
      %dma_start3A_96 = arith.constant 0 : i32
      %dma_start3A_97 = arith.constant 0 : i32
      %dma_start3A_98 = tpu.memref_slice %arg4[%add3A, %dma_start3A_95, %dma_start3A_96, %dma_start3A_97] : memref<32x4x128x128xf32, #tpu.memory_space<hbm>> -> memref<1x4x128x128xf32, #tpu.memory_space<hbm>>
      %dma_start3A_99 = tpu.memref_squeeze %dma_start3A_98 : memref<1x4x128x128xf32, #tpu.memory_space<hbm>> -> memref<4x128x128xf32, #tpu.memory_space<hbm>>
      %dma_start3A_100 = arith.constant 0 : i32
      %dma_start3A_101 = arith.constant 0 : i32
      %dma_start3A_102 = arith.constant 0 : i32
      %dma_start3A_103 = tpu.memref_slice %arg4[%add3A, %dma_start3A_100, %dma_start3A_101, %dma_start3A_102] : memref<32x4x128x128xf32, #tpu.memory_space<hbm>> -> memref<1x4x128x128xf32, #tpu.memory_space<hbm>>
      %dma_start3A_104 = tpu.memref_squeeze %dma_start3A_103 : memref<1x4x128x128xf32, #tpu.memory_space<hbm>> -> memref<4x128x128xf32, #tpu.memory_space<hbm>>
      tpu.enqueue_dma source(%arg6 : memref<4x128x128xf32, #tpu.memory_space<vmem>>) target(%dma_start3A_104 : memref<4x128x128xf32, #tpu.memory_space<hbm>>) target_semaphore(%run_scoped3A : memref<!tpu.dma_semaphore, #tpu.memory_space<semaphore_mem>>)
      %dma_wait3A_105 = arith.constant 0 : i32
      %dma_wait3A_106 = arith.constant 0 : i32
      %dma_wait3A_107 = arith.constant 0 : i32
      %dma_wait3A_108 = tpu.memref_slice %arg4[%add3A, %dma_wait3A_105, %dma_wait3A_106, %dma_wait3A_107] : memref<32x4x128x128xf32, #tpu.memory_space<hbm>> -> memref<1x4x128x128xf32, #tpu.memory_space<hbm>>
      %dma_wait3A_109 = tpu.memref_squeeze %dma_wait3A_108 : memref<1x4x128x128xf32, #tpu.memory_space<hbm>> -> memref<4x128x128xf32, #tpu.memory_space<hbm>>
      %dma_wait3A_110 = arith.constant 0 : i32
      %dma_wait3A_111 = arith.constant 0 : i32
      %dma_wait3A_112 = arith.constant 0 : i32
      %dma_wait3A_113 = tpu.memref_slice %arg4[%add3A, %dma_wait3A_110, %dma_wait3A_111, %dma_wait3A_112] : memref<32x4x128x128xf32, #tpu.memory_space<hbm>> -> memref<1x4x128x128xf32, #tpu.memory_space<hbm>>
      %dma_wait3A_114 = tpu.memref_squeeze %dma_wait3A_113 : memref<1x4x128x128xf32, #tpu.memory_space<hbm>> -> memref<4x128x128xf32, #tpu.memory_space<hbm>>
      tpu.wait_dma2 semaphore(%run_scoped3A : memref<!tpu.dma_semaphore, #tpu.memory_space<semaphore_mem>>) src(%arg6 : memref<4x128x128xf32, #tpu.memory_space<vmem>>) dst(%dma_wait3A_114 : memref<4x128x128xf32, #tpu.memory_space<hbm>>)
      tpu.yield
    }) : () -> ()
    return
  }
}

module attributes {stable_mosaic.version = 14 : i64} {
  func.func @_vq_body(%arg0: i32, %arg1: memref<256x64xf32, #tpu.memory_space<vmem>>, %arg2: memref<64x8192xf32, #tpu.memory_space<vmem>>, %arg3: memref<256x1xf32, #tpu.memory_space<vmem>>, %arg4: memref<1x8192xf32, #tpu.memory_space<vmem>>, %arg5: memref<256x8192xf32, #tpu.memory_space<vmem>>, %arg6: memref<1x1x256xi32, #tpu.memory_space<vmem>>, %arg7: memref<1x8192xf32, #tpu.memory_space<vmem>>, %arg8: memref<1x1xf32, #tpu.memory_space<vmem>>) attributes {dimension_semantics = [#tpu.dimension_semantics<arbitrary>], iteration_bounds = array<i64: 64>, scalar_prefetch = 0 : i64, scratch_operands = 0 : i64, tpu.core_type = #tpu.core_type<tc>, window_params = [{transform_indices = @transform_0, window_bounds = array<i64: 256, 64>}, {pipeline_mode = #tpu.pipeline_mode<synchronous>, transform_indices = @transform_1, window_bounds = array<i64: 64, 8192>}, {transform_indices = @transform_2, window_bounds = array<i64: 256, 1>}, {pipeline_mode = #tpu.pipeline_mode<synchronous>, transform_indices = @transform_3, window_bounds = array<i64: 1, 8192>}, {transform_indices = @transform_4, window_bounds = array<i64: 256, 8192>}, {transform_indices = @transform_5, window_bounds = array<i64: 1, 1, 256>}, {pipeline_mode = #tpu.pipeline_mode<synchronous>, transform_indices = @transform_6, window_bounds = array<i64: 1, 8192>}, {pipeline_mode = #tpu.pipeline_mode<synchronous>, transform_indices = @transform_7, window_bounds = array<i64: 1, 1>}]} {
    %get3A = arith.constant 0 : index
    %get3A_0 = arith.constant 0 : index
    %get3A_1 = vector.load %arg1[%get3A, %get3A_0] : memref<256x64xf32, #tpu.memory_space<vmem>>, vector<256x64xf32>
    %get3A_2 = arith.constant 0 : index
    %get3A_3 = arith.constant 0 : index
    %get3A_4 = vector.load %arg2[%get3A_2, %get3A_3] : memref<64x8192xf32, #tpu.memory_space<vmem>>, vector<64x8192xf32>
    %dot_general3A = arith.constant dense<0.000000e+00> : vector<256x8192xf32>
    %dot_general3A_5 = tpu.matmul %get3A_1, %get3A_4, %dot_general3A {dimension_numbers = #tpu.dot_dimension_numbers<[1], [0], [0], [1], [0, 0, 1, 1], [], []>, transpose_lhs_hint = false} : vector<256x64xf32>, vector<64x8192xf32>, vector<256x8192xf32> -> vector<256x8192xf32>
    %get3A_6 = arith.constant 0 : index
    %get3A_7 = arith.constant 0 : index
    %get3A_8 = vector.load %arg3[%get3A_6, %get3A_7] : memref<256x1xf32, #tpu.memory_space<vmem>>, vector<256x1xf32>
    %get3A_9 = arith.constant 0 : index
    %get3A_10 = arith.constant 0 : index
    %get3A_11 = vector.load %arg4[%get3A_9, %get3A_10] : memref<1x8192xf32, #tpu.memory_space<vmem>>, vector<1x8192xf32>
    %add3A = vector.broadcast %get3A_8 : vector<256x1xf32> to vector<256x8192xf32>
    %add3A_12 = vector.broadcast %get3A_11 : vector<1x8192xf32> to vector<256x8192xf32>
    %add3A_13 = arith.addf %add3A, %add3A_12 : vector<256x8192xf32>
    %sub3A = arith.subf %add3A_13, %dot_general3A_5 : vector<256x8192xf32>
    %slice3A = vector.extract_strided_slice %sub3A {offsets = [0, 0], sizes = [256, 128], strides = [1, 1]} : vector<256x8192xf32> to vector<256x128xf32>
    %broadcast_in_dim3A = arith.constant 0.000000e+00 : f32
    %broadcast_in_dim3A_14 = vector.broadcast %broadcast_in_dim3A : f32 to vector<256x128xf32>
    %slice3A_15 = vector.extract_strided_slice %sub3A {offsets = [0, 128], sizes = [256, 128], strides = [1, 1]} : vector<256x8192xf32> to vector<256x128xf32>
    %lt3A = arith.cmpf olt, %slice3A_15, %slice3A : vector<256x128xf32>
    %jit3A = arith.constant 1.000000e+00 : f32
    %broadcast_in_dim3A_16 = vector.broadcast %jit3A : f32 to vector<256x128xf32>
    %select_n3A = arith.select %lt3A, %broadcast_in_dim3A_16, %broadcast_in_dim3A_14 : vector<256x128xi1>, vector<256x128xf32>
    %select_n3A_17 = arith.select %lt3A, %slice3A_15, %slice3A : vector<256x128xi1>, vector<256x128xf32>
    %slice3A_18 = vector.extract_strided_slice %sub3A {offsets = [0, 256], sizes = [256, 128], strides = [1, 1]} : vector<256x8192xf32> to vector<256x128xf32>
    %lt3A_19 = arith.cmpf olt, %slice3A_18, %select_n3A_17 : vector<256x128xf32>
    %jit3A_20 = arith.constant 2.000000e+00 : f32
    %broadcast_in_dim3A_21 = vector.broadcast %jit3A_20 : f32 to vector<256x128xf32>
    %select_n3A_22 = arith.select %lt3A_19, %broadcast_in_dim3A_21, %select_n3A : vector<256x128xi1>, vector<256x128xf32>
    %select_n3A_23 = arith.select %lt3A_19, %slice3A_18, %select_n3A_17 : vector<256x128xi1>, vector<256x128xf32>
    %slice3A_24 = vector.extract_strided_slice %sub3A {offsets = [0, 384], sizes = [256, 128], strides = [1, 1]} : vector<256x8192xf32> to vector<256x128xf32>
    %lt3A_25 = arith.cmpf olt, %slice3A_24, %select_n3A_23 : vector<256x128xf32>
    %jit3A_26 = arith.constant 3.000000e+00 : f32
    %broadcast_in_dim3A_27 = vector.broadcast %jit3A_26 : f32 to vector<256x128xf32>
    %select_n3A_28 = arith.select %lt3A_25, %broadcast_in_dim3A_27, %select_n3A_22 : vector<256x128xi1>, vector<256x128xf32>
    %select_n3A_29 = arith.select %lt3A_25, %slice3A_24, %select_n3A_23 : vector<256x128xi1>, vector<256x128xf32>
    %slice3A_30 = vector.extract_strided_slice %sub3A {offsets = [0, 512], sizes = [256, 128], strides = [1, 1]} : vector<256x8192xf32> to vector<256x128xf32>
    %lt3A_31 = arith.cmpf olt, %slice3A_30, %select_n3A_29 : vector<256x128xf32>
    %jit3A_32 = arith.constant 4.000000e+00 : f32
    %broadcast_in_dim3A_33 = vector.broadcast %jit3A_32 : f32 to vector<256x128xf32>
    %select_n3A_34 = arith.select %lt3A_31, %broadcast_in_dim3A_33, %select_n3A_28 : vector<256x128xi1>, vector<256x128xf32>
    %select_n3A_35 = arith.select %lt3A_31, %slice3A_30, %select_n3A_29 : vector<256x128xi1>, vector<256x128xf32>
    %slice3A_36 = vector.extract_strided_slice %sub3A {offsets = [0, 640], sizes = [256, 128], strides = [1, 1]} : vector<256x8192xf32> to vector<256x128xf32>
    %lt3A_37 = arith.cmpf olt, %slice3A_36, %select_n3A_35 : vector<256x128xf32>
    %jit3A_38 = arith.constant 5.000000e+00 : f32
    %broadcast_in_dim3A_39 = vector.broadcast %jit3A_38 : f32 to vector<256x128xf32>
    %select_n3A_40 = arith.select %lt3A_37, %broadcast_in_dim3A_39, %select_n3A_34 : vector<256x128xi1>, vector<256x128xf32>
    %select_n3A_41 = arith.select %lt3A_37, %slice3A_36, %select_n3A_35 : vector<256x128xi1>, vector<256x128xf32>
    %slice3A_42 = vector.extract_strided_slice %sub3A {offsets = [0, 768], sizes = [256, 128], strides = [1, 1]} : vector<256x8192xf32> to vector<256x128xf32>
    %lt3A_43 = arith.cmpf olt, %slice3A_42, %select_n3A_41 : vector<256x128xf32>
    %jit3A_44 = arith.constant 6.000000e+00 : f32
    %broadcast_in_dim3A_45 = vector.broadcast %jit3A_44 : f32 to vector<256x128xf32>
    %select_n3A_46 = arith.select %lt3A_43, %broadcast_in_dim3A_45, %select_n3A_40 : vector<256x128xi1>, vector<256x128xf32>
    %select_n3A_47 = arith.select %lt3A_43, %slice3A_42, %select_n3A_41 : vector<256x128xi1>, vector<256x128xf32>
    %slice3A_48 = vector.extract_strided_slice %sub3A {offsets = [0, 896], sizes = [256, 128], strides = [1, 1]} : vector<256x8192xf32> to vector<256x128xf32>
    %lt3A_49 = arith.cmpf olt, %slice3A_48, %select_n3A_47 : vector<256x128xf32>
    %jit3A_50 = arith.constant 7.000000e+00 : f32
    %broadcast_in_dim3A_51 = vector.broadcast %jit3A_50 : f32 to vector<256x128xf32>
    %select_n3A_52 = arith.select %lt3A_49, %broadcast_in_dim3A_51, %select_n3A_46 : vector<256x128xi1>, vector<256x128xf32>
    %select_n3A_53 = arith.select %lt3A_49, %slice3A_48, %select_n3A_47 : vector<256x128xi1>, vector<256x128xf32>
    %slice3A_54 = vector.extract_strided_slice %sub3A {offsets = [0, 1024], sizes = [256, 128], strides = [1, 1]} : vector<256x8192xf32> to vector<256x128xf32>
    %lt3A_55 = arith.cmpf olt, %slice3A_54, %select_n3A_53 : vector<256x128xf32>
    %jit3A_56 = arith.constant 8.000000e+00 : f32
    %broadcast_in_dim3A_57 = vector.broadcast %jit3A_56 : f32 to vector<256x128xf32>
    %select_n3A_58 = arith.select %lt3A_55, %broadcast_in_dim3A_57, %select_n3A_52 : vector<256x128xi1>, vector<256x128xf32>
    %select_n3A_59 = arith.select %lt3A_55, %slice3A_54, %select_n3A_53 : vector<256x128xi1>, vector<256x128xf32>
    %slice3A_60 = vector.extract_strided_slice %sub3A {offsets = [0, 1152], sizes = [256, 128], strides = [1, 1]} : vector<256x8192xf32> to vector<256x128xf32>
    %lt3A_61 = arith.cmpf olt, %slice3A_60, %select_n3A_59 : vector<256x128xf32>
    %jit3A_62 = arith.constant 9.000000e+00 : f32
    %broadcast_in_dim3A_63 = vector.broadcast %jit3A_62 : f32 to vector<256x128xf32>
    %select_n3A_64 = arith.select %lt3A_61, %broadcast_in_dim3A_63, %select_n3A_58 : vector<256x128xi1>, vector<256x128xf32>
    %select_n3A_65 = arith.select %lt3A_61, %slice3A_60, %select_n3A_59 : vector<256x128xi1>, vector<256x128xf32>
    %slice3A_66 = vector.extract_strided_slice %sub3A {offsets = [0, 1280], sizes = [256, 128], strides = [1, 1]} : vector<256x8192xf32> to vector<256x128xf32>
    %lt3A_67 = arith.cmpf olt, %slice3A_66, %select_n3A_65 : vector<256x128xf32>
    %jit3A_68 = arith.constant 1.000000e+01 : f32
    %broadcast_in_dim3A_69 = vector.broadcast %jit3A_68 : f32 to vector<256x128xf32>
    %select_n3A_70 = arith.select %lt3A_67, %broadcast_in_dim3A_69, %select_n3A_64 : vector<256x128xi1>, vector<256x128xf32>
    %select_n3A_71 = arith.select %lt3A_67, %slice3A_66, %select_n3A_65 : vector<256x128xi1>, vector<256x128xf32>
    %slice3A_72 = vector.extract_strided_slice %sub3A {offsets = [0, 1408], sizes = [256, 128], strides = [1, 1]} : vector<256x8192xf32> to vector<256x128xf32>
    %lt3A_73 = arith.cmpf olt, %slice3A_72, %select_n3A_71 : vector<256x128xf32>
    %jit3A_74 = arith.constant 1.100000e+01 : f32
    %broadcast_in_dim3A_75 = vector.broadcast %jit3A_74 : f32 to vector<256x128xf32>
    %select_n3A_76 = arith.select %lt3A_73, %broadcast_in_dim3A_75, %select_n3A_70 : vector<256x128xi1>, vector<256x128xf32>
    %select_n3A_77 = arith.select %lt3A_73, %slice3A_72, %select_n3A_71 : vector<256x128xi1>, vector<256x128xf32>
    %slice3A_78 = vector.extract_strided_slice %sub3A {offsets = [0, 1536], sizes = [256, 128], strides = [1, 1]} : vector<256x8192xf32> to vector<256x128xf32>
    %lt3A_79 = arith.cmpf olt, %slice3A_78, %select_n3A_77 : vector<256x128xf32>
    %jit3A_80 = arith.constant 1.200000e+01 : f32
    %broadcast_in_dim3A_81 = vector.broadcast %jit3A_80 : f32 to vector<256x128xf32>
    %select_n3A_82 = arith.select %lt3A_79, %broadcast_in_dim3A_81, %select_n3A_76 : vector<256x128xi1>, vector<256x128xf32>
    %select_n3A_83 = arith.select %lt3A_79, %slice3A_78, %select_n3A_77 : vector<256x128xi1>, vector<256x128xf32>
    %slice3A_84 = vector.extract_strided_slice %sub3A {offsets = [0, 1664], sizes = [256, 128], strides = [1, 1]} : vector<256x8192xf32> to vector<256x128xf32>
    %lt3A_85 = arith.cmpf olt, %slice3A_84, %select_n3A_83 : vector<256x128xf32>
    %jit3A_86 = arith.constant 1.300000e+01 : f32
    %broadcast_in_dim3A_87 = vector.broadcast %jit3A_86 : f32 to vector<256x128xf32>
    %select_n3A_88 = arith.select %lt3A_85, %broadcast_in_dim3A_87, %select_n3A_82 : vector<256x128xi1>, vector<256x128xf32>
    %select_n3A_89 = arith.select %lt3A_85, %slice3A_84, %select_n3A_83 : vector<256x128xi1>, vector<256x128xf32>
    %slice3A_90 = vector.extract_strided_slice %sub3A {offsets = [0, 1792], sizes = [256, 128], strides = [1, 1]} : vector<256x8192xf32> to vector<256x128xf32>
    %lt3A_91 = arith.cmpf olt, %slice3A_90, %select_n3A_89 : vector<256x128xf32>
    %jit3A_92 = arith.constant 1.400000e+01 : f32
    %broadcast_in_dim3A_93 = vector.broadcast %jit3A_92 : f32 to vector<256x128xf32>
    %select_n3A_94 = arith.select %lt3A_91, %broadcast_in_dim3A_93, %select_n3A_88 : vector<256x128xi1>, vector<256x128xf32>
    %select_n3A_95 = arith.select %lt3A_91, %slice3A_90, %select_n3A_89 : vector<256x128xi1>, vector<256x128xf32>
    %slice3A_96 = vector.extract_strided_slice %sub3A {offsets = [0, 1920], sizes = [256, 128], strides = [1, 1]} : vector<256x8192xf32> to vector<256x128xf32>
    %lt3A_97 = arith.cmpf olt, %slice3A_96, %select_n3A_95 : vector<256x128xf32>
    %jit3A_98 = arith.constant 1.500000e+01 : f32
    %broadcast_in_dim3A_99 = vector.broadcast %jit3A_98 : f32 to vector<256x128xf32>
    %select_n3A_100 = arith.select %lt3A_97, %broadcast_in_dim3A_99, %select_n3A_94 : vector<256x128xi1>, vector<256x128xf32>
    %select_n3A_101 = arith.select %lt3A_97, %slice3A_96, %select_n3A_95 : vector<256x128xi1>, vector<256x128xf32>
    %slice3A_102 = vector.extract_strided_slice %sub3A {offsets = [0, 2048], sizes = [256, 128], strides = [1, 1]} : vector<256x8192xf32> to vector<256x128xf32>
    %lt3A_103 = arith.cmpf olt, %slice3A_102, %select_n3A_101 : vector<256x128xf32>
    %jit3A_104 = arith.constant 1.600000e+01 : f32
    %broadcast_in_dim3A_105 = vector.broadcast %jit3A_104 : f32 to vector<256x128xf32>
    %select_n3A_106 = arith.select %lt3A_103, %broadcast_in_dim3A_105, %select_n3A_100 : vector<256x128xi1>, vector<256x128xf32>
    %select_n3A_107 = arith.select %lt3A_103, %slice3A_102, %select_n3A_101 : vector<256x128xi1>, vector<256x128xf32>
    %slice3A_108 = vector.extract_strided_slice %sub3A {offsets = [0, 2176], sizes = [256, 128], strides = [1, 1]} : vector<256x8192xf32> to vector<256x128xf32>
    %lt3A_109 = arith.cmpf olt, %slice3A_108, %select_n3A_107 : vector<256x128xf32>
    %jit3A_110 = arith.constant 1.700000e+01 : f32
    %broadcast_in_dim3A_111 = vector.broadcast %jit3A_110 : f32 to vector<256x128xf32>
    %select_n3A_112 = arith.select %lt3A_109, %broadcast_in_dim3A_111, %select_n3A_106 : vector<256x128xi1>, vector<256x128xf32>
    %select_n3A_113 = arith.select %lt3A_109, %slice3A_108, %select_n3A_107 : vector<256x128xi1>, vector<256x128xf32>
    %slice3A_114 = vector.extract_strided_slice %sub3A {offsets = [0, 2304], sizes = [256, 128], strides = [1, 1]} : vector<256x8192xf32> to vector<256x128xf32>
    %lt3A_115 = arith.cmpf olt, %slice3A_114, %select_n3A_113 : vector<256x128xf32>
    %jit3A_116 = arith.constant 1.800000e+01 : f32
    %broadcast_in_dim3A_117 = vector.broadcast %jit3A_116 : f32 to vector<256x128xf32>
    %select_n3A_118 = arith.select %lt3A_115, %broadcast_in_dim3A_117, %select_n3A_112 : vector<256x128xi1>, vector<256x128xf32>
    %select_n3A_119 = arith.select %lt3A_115, %slice3A_114, %select_n3A_113 : vector<256x128xi1>, vector<256x128xf32>
    %slice3A_120 = vector.extract_strided_slice %sub3A {offsets = [0, 2432], sizes = [256, 128], strides = [1, 1]} : vector<256x8192xf32> to vector<256x128xf32>
    %lt3A_121 = arith.cmpf olt, %slice3A_120, %select_n3A_119 : vector<256x128xf32>
    %jit3A_122 = arith.constant 1.900000e+01 : f32
    %broadcast_in_dim3A_123 = vector.broadcast %jit3A_122 : f32 to vector<256x128xf32>
    %select_n3A_124 = arith.select %lt3A_121, %broadcast_in_dim3A_123, %select_n3A_118 : vector<256x128xi1>, vector<256x128xf32>
    %select_n3A_125 = arith.select %lt3A_121, %slice3A_120, %select_n3A_119 : vector<256x128xi1>, vector<256x128xf32>
    %slice3A_126 = vector.extract_strided_slice %sub3A {offsets = [0, 2560], sizes = [256, 128], strides = [1, 1]} : vector<256x8192xf32> to vector<256x128xf32>
    %lt3A_127 = arith.cmpf olt, %slice3A_126, %select_n3A_125 : vector<256x128xf32>
    %jit3A_128 = arith.constant 2.000000e+01 : f32
    %broadcast_in_dim3A_129 = vector.broadcast %jit3A_128 : f32 to vector<256x128xf32>
    %select_n3A_130 = arith.select %lt3A_127, %broadcast_in_dim3A_129, %select_n3A_124 : vector<256x128xi1>, vector<256x128xf32>
    %select_n3A_131 = arith.select %lt3A_127, %slice3A_126, %select_n3A_125 : vector<256x128xi1>, vector<256x128xf32>
    %slice3A_132 = vector.extract_strided_slice %sub3A {offsets = [0, 2688], sizes = [256, 128], strides = [1, 1]} : vector<256x8192xf32> to vector<256x128xf32>
    %lt3A_133 = arith.cmpf olt, %slice3A_132, %select_n3A_131 : vector<256x128xf32>
    %jit3A_134 = arith.constant 2.100000e+01 : f32
    %broadcast_in_dim3A_135 = vector.broadcast %jit3A_134 : f32 to vector<256x128xf32>
    %select_n3A_136 = arith.select %lt3A_133, %broadcast_in_dim3A_135, %select_n3A_130 : vector<256x128xi1>, vector<256x128xf32>
    %select_n3A_137 = arith.select %lt3A_133, %slice3A_132, %select_n3A_131 : vector<256x128xi1>, vector<256x128xf32>
    %slice3A_138 = vector.extract_strided_slice %sub3A {offsets = [0, 2816], sizes = [256, 128], strides = [1, 1]} : vector<256x8192xf32> to vector<256x128xf32>
    %lt3A_139 = arith.cmpf olt, %slice3A_138, %select_n3A_137 : vector<256x128xf32>
    %jit3A_140 = arith.constant 2.200000e+01 : f32
    %broadcast_in_dim3A_141 = vector.broadcast %jit3A_140 : f32 to vector<256x128xf32>
    %select_n3A_142 = arith.select %lt3A_139, %broadcast_in_dim3A_141, %select_n3A_136 : vector<256x128xi1>, vector<256x128xf32>
    %select_n3A_143 = arith.select %lt3A_139, %slice3A_138, %select_n3A_137 : vector<256x128xi1>, vector<256x128xf32>
    %slice3A_144 = vector.extract_strided_slice %sub3A {offsets = [0, 2944], sizes = [256, 128], strides = [1, 1]} : vector<256x8192xf32> to vector<256x128xf32>
    %lt3A_145 = arith.cmpf olt, %slice3A_144, %select_n3A_143 : vector<256x128xf32>
    %jit3A_146 = arith.constant 2.300000e+01 : f32
    %broadcast_in_dim3A_147 = vector.broadcast %jit3A_146 : f32 to vector<256x128xf32>
    %select_n3A_148 = arith.select %lt3A_145, %broadcast_in_dim3A_147, %select_n3A_142 : vector<256x128xi1>, vector<256x128xf32>
    %select_n3A_149 = arith.select %lt3A_145, %slice3A_144, %select_n3A_143 : vector<256x128xi1>, vector<256x128xf32>
    %slice3A_150 = vector.extract_strided_slice %sub3A {offsets = [0, 3072], sizes = [256, 128], strides = [1, 1]} : vector<256x8192xf32> to vector<256x128xf32>
    %lt3A_151 = arith.cmpf olt, %slice3A_150, %select_n3A_149 : vector<256x128xf32>
    %jit3A_152 = arith.constant 2.400000e+01 : f32
    %broadcast_in_dim3A_153 = vector.broadcast %jit3A_152 : f32 to vector<256x128xf32>
    %select_n3A_154 = arith.select %lt3A_151, %broadcast_in_dim3A_153, %select_n3A_148 : vector<256x128xi1>, vector<256x128xf32>
    %select_n3A_155 = arith.select %lt3A_151, %slice3A_150, %select_n3A_149 : vector<256x128xi1>, vector<256x128xf32>
    %slice3A_156 = vector.extract_strided_slice %sub3A {offsets = [0, 3200], sizes = [256, 128], strides = [1, 1]} : vector<256x8192xf32> to vector<256x128xf32>
    %lt3A_157 = arith.cmpf olt, %slice3A_156, %select_n3A_155 : vector<256x128xf32>
    %jit3A_158 = arith.constant 2.500000e+01 : f32
    %broadcast_in_dim3A_159 = vector.broadcast %jit3A_158 : f32 to vector<256x128xf32>
    %select_n3A_160 = arith.select %lt3A_157, %broadcast_in_dim3A_159, %select_n3A_154 : vector<256x128xi1>, vector<256x128xf32>
    %select_n3A_161 = arith.select %lt3A_157, %slice3A_156, %select_n3A_155 : vector<256x128xi1>, vector<256x128xf32>
    %slice3A_162 = vector.extract_strided_slice %sub3A {offsets = [0, 3328], sizes = [256, 128], strides = [1, 1]} : vector<256x8192xf32> to vector<256x128xf32>
    %lt3A_163 = arith.cmpf olt, %slice3A_162, %select_n3A_161 : vector<256x128xf32>
    %jit3A_164 = arith.constant 2.600000e+01 : f32
    %broadcast_in_dim3A_165 = vector.broadcast %jit3A_164 : f32 to vector<256x128xf32>
    %select_n3A_166 = arith.select %lt3A_163, %broadcast_in_dim3A_165, %select_n3A_160 : vector<256x128xi1>, vector<256x128xf32>
    %select_n3A_167 = arith.select %lt3A_163, %slice3A_162, %select_n3A_161 : vector<256x128xi1>, vector<256x128xf32>
    %slice3A_168 = vector.extract_strided_slice %sub3A {offsets = [0, 3456], sizes = [256, 128], strides = [1, 1]} : vector<256x8192xf32> to vector<256x128xf32>
    %lt3A_169 = arith.cmpf olt, %slice3A_168, %select_n3A_167 : vector<256x128xf32>
    %jit3A_170 = arith.constant 2.700000e+01 : f32
    %broadcast_in_dim3A_171 = vector.broadcast %jit3A_170 : f32 to vector<256x128xf32>
    %select_n3A_172 = arith.select %lt3A_169, %broadcast_in_dim3A_171, %select_n3A_166 : vector<256x128xi1>, vector<256x128xf32>
    %select_n3A_173 = arith.select %lt3A_169, %slice3A_168, %select_n3A_167 : vector<256x128xi1>, vector<256x128xf32>
    %slice3A_174 = vector.extract_strided_slice %sub3A {offsets = [0, 3584], sizes = [256, 128], strides = [1, 1]} : vector<256x8192xf32> to vector<256x128xf32>
    %lt3A_175 = arith.cmpf olt, %slice3A_174, %select_n3A_173 : vector<256x128xf32>
    %jit3A_176 = arith.constant 2.800000e+01 : f32
    %broadcast_in_dim3A_177 = vector.broadcast %jit3A_176 : f32 to vector<256x128xf32>
    %select_n3A_178 = arith.select %lt3A_175, %broadcast_in_dim3A_177, %select_n3A_172 : vector<256x128xi1>, vector<256x128xf32>
    %select_n3A_179 = arith.select %lt3A_175, %slice3A_174, %select_n3A_173 : vector<256x128xi1>, vector<256x128xf32>
    %slice3A_180 = vector.extract_strided_slice %sub3A {offsets = [0, 3712], sizes = [256, 128], strides = [1, 1]} : vector<256x8192xf32> to vector<256x128xf32>
    %lt3A_181 = arith.cmpf olt, %slice3A_180, %select_n3A_179 : vector<256x128xf32>
    %jit3A_182 = arith.constant 2.900000e+01 : f32
    %broadcast_in_dim3A_183 = vector.broadcast %jit3A_182 : f32 to vector<256x128xf32>
    %select_n3A_184 = arith.select %lt3A_181, %broadcast_in_dim3A_183, %select_n3A_178 : vector<256x128xi1>, vector<256x128xf32>
    %select_n3A_185 = arith.select %lt3A_181, %slice3A_180, %select_n3A_179 : vector<256x128xi1>, vector<256x128xf32>
    %slice3A_186 = vector.extract_strided_slice %sub3A {offsets = [0, 3840], sizes = [256, 128], strides = [1, 1]} : vector<256x8192xf32> to vector<256x128xf32>
    %lt3A_187 = arith.cmpf olt, %slice3A_186, %select_n3A_185 : vector<256x128xf32>
    %jit3A_188 = arith.constant 3.000000e+01 : f32
    %broadcast_in_dim3A_189 = vector.broadcast %jit3A_188 : f32 to vector<256x128xf32>
    %select_n3A_190 = arith.select %lt3A_187, %broadcast_in_dim3A_189, %select_n3A_184 : vector<256x128xi1>, vector<256x128xf32>
    %select_n3A_191 = arith.select %lt3A_187, %slice3A_186, %select_n3A_185 : vector<256x128xi1>, vector<256x128xf32>
    %slice3A_192 = vector.extract_strided_slice %sub3A {offsets = [0, 3968], sizes = [256, 128], strides = [1, 1]} : vector<256x8192xf32> to vector<256x128xf32>
    %lt3A_193 = arith.cmpf olt, %slice3A_192, %select_n3A_191 : vector<256x128xf32>
    %jit3A_194 = arith.constant 3.100000e+01 : f32
    %broadcast_in_dim3A_195 = vector.broadcast %jit3A_194 : f32 to vector<256x128xf32>
    %select_n3A_196 = arith.select %lt3A_193, %broadcast_in_dim3A_195, %select_n3A_190 : vector<256x128xi1>, vector<256x128xf32>
    %select_n3A_197 = arith.select %lt3A_193, %slice3A_192, %select_n3A_191 : vector<256x128xi1>, vector<256x128xf32>
    %slice3A_198 = vector.extract_strided_slice %sub3A {offsets = [0, 4096], sizes = [256, 128], strides = [1, 1]} : vector<256x8192xf32> to vector<256x128xf32>
    %lt3A_199 = arith.cmpf olt, %slice3A_198, %select_n3A_197 : vector<256x128xf32>
    %jit3A_200 = arith.constant 3.200000e+01 : f32
    %broadcast_in_dim3A_201 = vector.broadcast %jit3A_200 : f32 to vector<256x128xf32>
    %select_n3A_202 = arith.select %lt3A_199, %broadcast_in_dim3A_201, %select_n3A_196 : vector<256x128xi1>, vector<256x128xf32>
    %select_n3A_203 = arith.select %lt3A_199, %slice3A_198, %select_n3A_197 : vector<256x128xi1>, vector<256x128xf32>
    %slice3A_204 = vector.extract_strided_slice %sub3A {offsets = [0, 4224], sizes = [256, 128], strides = [1, 1]} : vector<256x8192xf32> to vector<256x128xf32>
    %lt3A_205 = arith.cmpf olt, %slice3A_204, %select_n3A_203 : vector<256x128xf32>
    %jit3A_206 = arith.constant 3.300000e+01 : f32
    %broadcast_in_dim3A_207 = vector.broadcast %jit3A_206 : f32 to vector<256x128xf32>
    %select_n3A_208 = arith.select %lt3A_205, %broadcast_in_dim3A_207, %select_n3A_202 : vector<256x128xi1>, vector<256x128xf32>
    %select_n3A_209 = arith.select %lt3A_205, %slice3A_204, %select_n3A_203 : vector<256x128xi1>, vector<256x128xf32>
    %slice3A_210 = vector.extract_strided_slice %sub3A {offsets = [0, 4352], sizes = [256, 128], strides = [1, 1]} : vector<256x8192xf32> to vector<256x128xf32>
    %lt3A_211 = arith.cmpf olt, %slice3A_210, %select_n3A_209 : vector<256x128xf32>
    %jit3A_212 = arith.constant 3.400000e+01 : f32
    %broadcast_in_dim3A_213 = vector.broadcast %jit3A_212 : f32 to vector<256x128xf32>
    %select_n3A_214 = arith.select %lt3A_211, %broadcast_in_dim3A_213, %select_n3A_208 : vector<256x128xi1>, vector<256x128xf32>
    %select_n3A_215 = arith.select %lt3A_211, %slice3A_210, %select_n3A_209 : vector<256x128xi1>, vector<256x128xf32>
    %slice3A_216 = vector.extract_strided_slice %sub3A {offsets = [0, 4480], sizes = [256, 128], strides = [1, 1]} : vector<256x8192xf32> to vector<256x128xf32>
    %lt3A_217 = arith.cmpf olt, %slice3A_216, %select_n3A_215 : vector<256x128xf32>
    %jit3A_218 = arith.constant 3.500000e+01 : f32
    %broadcast_in_dim3A_219 = vector.broadcast %jit3A_218 : f32 to vector<256x128xf32>
    %select_n3A_220 = arith.select %lt3A_217, %broadcast_in_dim3A_219, %select_n3A_214 : vector<256x128xi1>, vector<256x128xf32>
    %select_n3A_221 = arith.select %lt3A_217, %slice3A_216, %select_n3A_215 : vector<256x128xi1>, vector<256x128xf32>
    %slice3A_222 = vector.extract_strided_slice %sub3A {offsets = [0, 4608], sizes = [256, 128], strides = [1, 1]} : vector<256x8192xf32> to vector<256x128xf32>
    %lt3A_223 = arith.cmpf olt, %slice3A_222, %select_n3A_221 : vector<256x128xf32>
    %jit3A_224 = arith.constant 3.600000e+01 : f32
    %broadcast_in_dim3A_225 = vector.broadcast %jit3A_224 : f32 to vector<256x128xf32>
    %select_n3A_226 = arith.select %lt3A_223, %broadcast_in_dim3A_225, %select_n3A_220 : vector<256x128xi1>, vector<256x128xf32>
    %select_n3A_227 = arith.select %lt3A_223, %slice3A_222, %select_n3A_221 : vector<256x128xi1>, vector<256x128xf32>
    %slice3A_228 = vector.extract_strided_slice %sub3A {offsets = [0, 4736], sizes = [256, 128], strides = [1, 1]} : vector<256x8192xf32> to vector<256x128xf32>
    %lt3A_229 = arith.cmpf olt, %slice3A_228, %select_n3A_227 : vector<256x128xf32>
    %jit3A_230 = arith.constant 3.700000e+01 : f32
    %broadcast_in_dim3A_231 = vector.broadcast %jit3A_230 : f32 to vector<256x128xf32>
    %select_n3A_232 = arith.select %lt3A_229, %broadcast_in_dim3A_231, %select_n3A_226 : vector<256x128xi1>, vector<256x128xf32>
    %select_n3A_233 = arith.select %lt3A_229, %slice3A_228, %select_n3A_227 : vector<256x128xi1>, vector<256x128xf32>
    %slice3A_234 = vector.extract_strided_slice %sub3A {offsets = [0, 4864], sizes = [256, 128], strides = [1, 1]} : vector<256x8192xf32> to vector<256x128xf32>
    %lt3A_235 = arith.cmpf olt, %slice3A_234, %select_n3A_233 : vector<256x128xf32>
    %jit3A_236 = arith.constant 3.800000e+01 : f32
    %broadcast_in_dim3A_237 = vector.broadcast %jit3A_236 : f32 to vector<256x128xf32>
    %select_n3A_238 = arith.select %lt3A_235, %broadcast_in_dim3A_237, %select_n3A_232 : vector<256x128xi1>, vector<256x128xf32>
    %select_n3A_239 = arith.select %lt3A_235, %slice3A_234, %select_n3A_233 : vector<256x128xi1>, vector<256x128xf32>
    %slice3A_240 = vector.extract_strided_slice %sub3A {offsets = [0, 4992], sizes = [256, 128], strides = [1, 1]} : vector<256x8192xf32> to vector<256x128xf32>
    %lt3A_241 = arith.cmpf olt, %slice3A_240, %select_n3A_239 : vector<256x128xf32>
    %jit3A_242 = arith.constant 3.900000e+01 : f32
    %broadcast_in_dim3A_243 = vector.broadcast %jit3A_242 : f32 to vector<256x128xf32>
    %select_n3A_244 = arith.select %lt3A_241, %broadcast_in_dim3A_243, %select_n3A_238 : vector<256x128xi1>, vector<256x128xf32>
    %select_n3A_245 = arith.select %lt3A_241, %slice3A_240, %select_n3A_239 : vector<256x128xi1>, vector<256x128xf32>
    %slice3A_246 = vector.extract_strided_slice %sub3A {offsets = [0, 5120], sizes = [256, 128], strides = [1, 1]} : vector<256x8192xf32> to vector<256x128xf32>
    %lt3A_247 = arith.cmpf olt, %slice3A_246, %select_n3A_245 : vector<256x128xf32>
    %jit3A_248 = arith.constant 4.000000e+01 : f32
    %broadcast_in_dim3A_249 = vector.broadcast %jit3A_248 : f32 to vector<256x128xf32>
    %select_n3A_250 = arith.select %lt3A_247, %broadcast_in_dim3A_249, %select_n3A_244 : vector<256x128xi1>, vector<256x128xf32>
    %select_n3A_251 = arith.select %lt3A_247, %slice3A_246, %select_n3A_245 : vector<256x128xi1>, vector<256x128xf32>
    %slice3A_252 = vector.extract_strided_slice %sub3A {offsets = [0, 5248], sizes = [256, 128], strides = [1, 1]} : vector<256x8192xf32> to vector<256x128xf32>
    %lt3A_253 = arith.cmpf olt, %slice3A_252, %select_n3A_251 : vector<256x128xf32>
    %jit3A_254 = arith.constant 4.100000e+01 : f32
    %broadcast_in_dim3A_255 = vector.broadcast %jit3A_254 : f32 to vector<256x128xf32>
    %select_n3A_256 = arith.select %lt3A_253, %broadcast_in_dim3A_255, %select_n3A_250 : vector<256x128xi1>, vector<256x128xf32>
    %select_n3A_257 = arith.select %lt3A_253, %slice3A_252, %select_n3A_251 : vector<256x128xi1>, vector<256x128xf32>
    %slice3A_258 = vector.extract_strided_slice %sub3A {offsets = [0, 5376], sizes = [256, 128], strides = [1, 1]} : vector<256x8192xf32> to vector<256x128xf32>
    %lt3A_259 = arith.cmpf olt, %slice3A_258, %select_n3A_257 : vector<256x128xf32>
    %jit3A_260 = arith.constant 4.200000e+01 : f32
    %broadcast_in_dim3A_261 = vector.broadcast %jit3A_260 : f32 to vector<256x128xf32>
    %select_n3A_262 = arith.select %lt3A_259, %broadcast_in_dim3A_261, %select_n3A_256 : vector<256x128xi1>, vector<256x128xf32>
    %select_n3A_263 = arith.select %lt3A_259, %slice3A_258, %select_n3A_257 : vector<256x128xi1>, vector<256x128xf32>
    %slice3A_264 = vector.extract_strided_slice %sub3A {offsets = [0, 5504], sizes = [256, 128], strides = [1, 1]} : vector<256x8192xf32> to vector<256x128xf32>
    %lt3A_265 = arith.cmpf olt, %slice3A_264, %select_n3A_263 : vector<256x128xf32>
    %jit3A_266 = arith.constant 4.300000e+01 : f32
    %broadcast_in_dim3A_267 = vector.broadcast %jit3A_266 : f32 to vector<256x128xf32>
    %select_n3A_268 = arith.select %lt3A_265, %broadcast_in_dim3A_267, %select_n3A_262 : vector<256x128xi1>, vector<256x128xf32>
    %select_n3A_269 = arith.select %lt3A_265, %slice3A_264, %select_n3A_263 : vector<256x128xi1>, vector<256x128xf32>
    %slice3A_270 = vector.extract_strided_slice %sub3A {offsets = [0, 5632], sizes = [256, 128], strides = [1, 1]} : vector<256x8192xf32> to vector<256x128xf32>
    %lt3A_271 = arith.cmpf olt, %slice3A_270, %select_n3A_269 : vector<256x128xf32>
    %jit3A_272 = arith.constant 4.400000e+01 : f32
    %broadcast_in_dim3A_273 = vector.broadcast %jit3A_272 : f32 to vector<256x128xf32>
    %select_n3A_274 = arith.select %lt3A_271, %broadcast_in_dim3A_273, %select_n3A_268 : vector<256x128xi1>, vector<256x128xf32>
    %select_n3A_275 = arith.select %lt3A_271, %slice3A_270, %select_n3A_269 : vector<256x128xi1>, vector<256x128xf32>
    %slice3A_276 = vector.extract_strided_slice %sub3A {offsets = [0, 5760], sizes = [256, 128], strides = [1, 1]} : vector<256x8192xf32> to vector<256x128xf32>
    %lt3A_277 = arith.cmpf olt, %slice3A_276, %select_n3A_275 : vector<256x128xf32>
    %jit3A_278 = arith.constant 4.500000e+01 : f32
    %broadcast_in_dim3A_279 = vector.broadcast %jit3A_278 : f32 to vector<256x128xf32>
    %select_n3A_280 = arith.select %lt3A_277, %broadcast_in_dim3A_279, %select_n3A_274 : vector<256x128xi1>, vector<256x128xf32>
    %select_n3A_281 = arith.select %lt3A_277, %slice3A_276, %select_n3A_275 : vector<256x128xi1>, vector<256x128xf32>
    %slice3A_282 = vector.extract_strided_slice %sub3A {offsets = [0, 5888], sizes = [256, 128], strides = [1, 1]} : vector<256x8192xf32> to vector<256x128xf32>
    %lt3A_283 = arith.cmpf olt, %slice3A_282, %select_n3A_281 : vector<256x128xf32>
    %jit3A_284 = arith.constant 4.600000e+01 : f32
    %broadcast_in_dim3A_285 = vector.broadcast %jit3A_284 : f32 to vector<256x128xf32>
    %select_n3A_286 = arith.select %lt3A_283, %broadcast_in_dim3A_285, %select_n3A_280 : vector<256x128xi1>, vector<256x128xf32>
    %select_n3A_287 = arith.select %lt3A_283, %slice3A_282, %select_n3A_281 : vector<256x128xi1>, vector<256x128xf32>
    %slice3A_288 = vector.extract_strided_slice %sub3A {offsets = [0, 6016], sizes = [256, 128], strides = [1, 1]} : vector<256x8192xf32> to vector<256x128xf32>
    %lt3A_289 = arith.cmpf olt, %slice3A_288, %select_n3A_287 : vector<256x128xf32>
    %jit3A_290 = arith.constant 4.700000e+01 : f32
    %broadcast_in_dim3A_291 = vector.broadcast %jit3A_290 : f32 to vector<256x128xf32>
    %select_n3A_292 = arith.select %lt3A_289, %broadcast_in_dim3A_291, %select_n3A_286 : vector<256x128xi1>, vector<256x128xf32>
    %select_n3A_293 = arith.select %lt3A_289, %slice3A_288, %select_n3A_287 : vector<256x128xi1>, vector<256x128xf32>
    %slice3A_294 = vector.extract_strided_slice %sub3A {offsets = [0, 6144], sizes = [256, 128], strides = [1, 1]} : vector<256x8192xf32> to vector<256x128xf32>
    %lt3A_295 = arith.cmpf olt, %slice3A_294, %select_n3A_293 : vector<256x128xf32>
    %jit3A_296 = arith.constant 4.800000e+01 : f32
    %broadcast_in_dim3A_297 = vector.broadcast %jit3A_296 : f32 to vector<256x128xf32>
    %select_n3A_298 = arith.select %lt3A_295, %broadcast_in_dim3A_297, %select_n3A_292 : vector<256x128xi1>, vector<256x128xf32>
    %select_n3A_299 = arith.select %lt3A_295, %slice3A_294, %select_n3A_293 : vector<256x128xi1>, vector<256x128xf32>
    %slice3A_300 = vector.extract_strided_slice %sub3A {offsets = [0, 6272], sizes = [256, 128], strides = [1, 1]} : vector<256x8192xf32> to vector<256x128xf32>
    %lt3A_301 = arith.cmpf olt, %slice3A_300, %select_n3A_299 : vector<256x128xf32>
    %jit3A_302 = arith.constant 4.900000e+01 : f32
    %broadcast_in_dim3A_303 = vector.broadcast %jit3A_302 : f32 to vector<256x128xf32>
    %select_n3A_304 = arith.select %lt3A_301, %broadcast_in_dim3A_303, %select_n3A_298 : vector<256x128xi1>, vector<256x128xf32>
    %select_n3A_305 = arith.select %lt3A_301, %slice3A_300, %select_n3A_299 : vector<256x128xi1>, vector<256x128xf32>
    %slice3A_306 = vector.extract_strided_slice %sub3A {offsets = [0, 6400], sizes = [256, 128], strides = [1, 1]} : vector<256x8192xf32> to vector<256x128xf32>
    %lt3A_307 = arith.cmpf olt, %slice3A_306, %select_n3A_305 : vector<256x128xf32>
    %jit3A_308 = arith.constant 5.000000e+01 : f32
    %broadcast_in_dim3A_309 = vector.broadcast %jit3A_308 : f32 to vector<256x128xf32>
    %select_n3A_310 = arith.select %lt3A_307, %broadcast_in_dim3A_309, %select_n3A_304 : vector<256x128xi1>, vector<256x128xf32>
    %select_n3A_311 = arith.select %lt3A_307, %slice3A_306, %select_n3A_305 : vector<256x128xi1>, vector<256x128xf32>
    %slice3A_312 = vector.extract_strided_slice %sub3A {offsets = [0, 6528], sizes = [256, 128], strides = [1, 1]} : vector<256x8192xf32> to vector<256x128xf32>
    %lt3A_313 = arith.cmpf olt, %slice3A_312, %select_n3A_311 : vector<256x128xf32>
    %jit3A_314 = arith.constant 5.100000e+01 : f32
    %broadcast_in_dim3A_315 = vector.broadcast %jit3A_314 : f32 to vector<256x128xf32>
    %select_n3A_316 = arith.select %lt3A_313, %broadcast_in_dim3A_315, %select_n3A_310 : vector<256x128xi1>, vector<256x128xf32>
    %select_n3A_317 = arith.select %lt3A_313, %slice3A_312, %select_n3A_311 : vector<256x128xi1>, vector<256x128xf32>
    %slice3A_318 = vector.extract_strided_slice %sub3A {offsets = [0, 6656], sizes = [256, 128], strides = [1, 1]} : vector<256x8192xf32> to vector<256x128xf32>
    %lt3A_319 = arith.cmpf olt, %slice3A_318, %select_n3A_317 : vector<256x128xf32>
    %jit3A_320 = arith.constant 5.200000e+01 : f32
    %broadcast_in_dim3A_321 = vector.broadcast %jit3A_320 : f32 to vector<256x128xf32>
    %select_n3A_322 = arith.select %lt3A_319, %broadcast_in_dim3A_321, %select_n3A_316 : vector<256x128xi1>, vector<256x128xf32>
    %select_n3A_323 = arith.select %lt3A_319, %slice3A_318, %select_n3A_317 : vector<256x128xi1>, vector<256x128xf32>
    %slice3A_324 = vector.extract_strided_slice %sub3A {offsets = [0, 6784], sizes = [256, 128], strides = [1, 1]} : vector<256x8192xf32> to vector<256x128xf32>
    %lt3A_325 = arith.cmpf olt, %slice3A_324, %select_n3A_323 : vector<256x128xf32>
    %jit3A_326 = arith.constant 5.300000e+01 : f32
    %broadcast_in_dim3A_327 = vector.broadcast %jit3A_326 : f32 to vector<256x128xf32>
    %select_n3A_328 = arith.select %lt3A_325, %broadcast_in_dim3A_327, %select_n3A_322 : vector<256x128xi1>, vector<256x128xf32>
    %select_n3A_329 = arith.select %lt3A_325, %slice3A_324, %select_n3A_323 : vector<256x128xi1>, vector<256x128xf32>
    %slice3A_330 = vector.extract_strided_slice %sub3A {offsets = [0, 6912], sizes = [256, 128], strides = [1, 1]} : vector<256x8192xf32> to vector<256x128xf32>
    %lt3A_331 = arith.cmpf olt, %slice3A_330, %select_n3A_329 : vector<256x128xf32>
    %jit3A_332 = arith.constant 5.400000e+01 : f32
    %broadcast_in_dim3A_333 = vector.broadcast %jit3A_332 : f32 to vector<256x128xf32>
    %select_n3A_334 = arith.select %lt3A_331, %broadcast_in_dim3A_333, %select_n3A_328 : vector<256x128xi1>, vector<256x128xf32>
    %select_n3A_335 = arith.select %lt3A_331, %slice3A_330, %select_n3A_329 : vector<256x128xi1>, vector<256x128xf32>
    %slice3A_336 = vector.extract_strided_slice %sub3A {offsets = [0, 7040], sizes = [256, 128], strides = [1, 1]} : vector<256x8192xf32> to vector<256x128xf32>
    %lt3A_337 = arith.cmpf olt, %slice3A_336, %select_n3A_335 : vector<256x128xf32>
    %jit3A_338 = arith.constant 5.500000e+01 : f32
    %broadcast_in_dim3A_339 = vector.broadcast %jit3A_338 : f32 to vector<256x128xf32>
    %select_n3A_340 = arith.select %lt3A_337, %broadcast_in_dim3A_339, %select_n3A_334 : vector<256x128xi1>, vector<256x128xf32>
    %select_n3A_341 = arith.select %lt3A_337, %slice3A_336, %select_n3A_335 : vector<256x128xi1>, vector<256x128xf32>
    %slice3A_342 = vector.extract_strided_slice %sub3A {offsets = [0, 7168], sizes = [256, 128], strides = [1, 1]} : vector<256x8192xf32> to vector<256x128xf32>
    %lt3A_343 = arith.cmpf olt, %slice3A_342, %select_n3A_341 : vector<256x128xf32>
    %jit3A_344 = arith.constant 5.600000e+01 : f32
    %broadcast_in_dim3A_345 = vector.broadcast %jit3A_344 : f32 to vector<256x128xf32>
    %select_n3A_346 = arith.select %lt3A_343, %broadcast_in_dim3A_345, %select_n3A_340 : vector<256x128xi1>, vector<256x128xf32>
    %select_n3A_347 = arith.select %lt3A_343, %slice3A_342, %select_n3A_341 : vector<256x128xi1>, vector<256x128xf32>
    %slice3A_348 = vector.extract_strided_slice %sub3A {offsets = [0, 7296], sizes = [256, 128], strides = [1, 1]} : vector<256x8192xf32> to vector<256x128xf32>
    %lt3A_349 = arith.cmpf olt, %slice3A_348, %select_n3A_347 : vector<256x128xf32>
    %jit3A_350 = arith.constant 5.700000e+01 : f32
    %broadcast_in_dim3A_351 = vector.broadcast %jit3A_350 : f32 to vector<256x128xf32>
    %select_n3A_352 = arith.select %lt3A_349, %broadcast_in_dim3A_351, %select_n3A_346 : vector<256x128xi1>, vector<256x128xf32>
    %select_n3A_353 = arith.select %lt3A_349, %slice3A_348, %select_n3A_347 : vector<256x128xi1>, vector<256x128xf32>
    %slice3A_354 = vector.extract_strided_slice %sub3A {offsets = [0, 7424], sizes = [256, 128], strides = [1, 1]} : vector<256x8192xf32> to vector<256x128xf32>
    %lt3A_355 = arith.cmpf olt, %slice3A_354, %select_n3A_353 : vector<256x128xf32>
    %jit3A_356 = arith.constant 5.800000e+01 : f32
    %broadcast_in_dim3A_357 = vector.broadcast %jit3A_356 : f32 to vector<256x128xf32>
    %select_n3A_358 = arith.select %lt3A_355, %broadcast_in_dim3A_357, %select_n3A_352 : vector<256x128xi1>, vector<256x128xf32>
    %select_n3A_359 = arith.select %lt3A_355, %slice3A_354, %select_n3A_353 : vector<256x128xi1>, vector<256x128xf32>
    %slice3A_360 = vector.extract_strided_slice %sub3A {offsets = [0, 7552], sizes = [256, 128], strides = [1, 1]} : vector<256x8192xf32> to vector<256x128xf32>
    %lt3A_361 = arith.cmpf olt, %slice3A_360, %select_n3A_359 : vector<256x128xf32>
    %jit3A_362 = arith.constant 5.900000e+01 : f32
    %broadcast_in_dim3A_363 = vector.broadcast %jit3A_362 : f32 to vector<256x128xf32>
    %select_n3A_364 = arith.select %lt3A_361, %broadcast_in_dim3A_363, %select_n3A_358 : vector<256x128xi1>, vector<256x128xf32>
    %select_n3A_365 = arith.select %lt3A_361, %slice3A_360, %select_n3A_359 : vector<256x128xi1>, vector<256x128xf32>
    %slice3A_366 = vector.extract_strided_slice %sub3A {offsets = [0, 7680], sizes = [256, 128], strides = [1, 1]} : vector<256x8192xf32> to vector<256x128xf32>
    %lt3A_367 = arith.cmpf olt, %slice3A_366, %select_n3A_365 : vector<256x128xf32>
    %jit3A_368 = arith.constant 6.000000e+01 : f32
    %broadcast_in_dim3A_369 = vector.broadcast %jit3A_368 : f32 to vector<256x128xf32>
    %select_n3A_370 = arith.select %lt3A_367, %broadcast_in_dim3A_369, %select_n3A_364 : vector<256x128xi1>, vector<256x128xf32>
    %select_n3A_371 = arith.select %lt3A_367, %slice3A_366, %select_n3A_365 : vector<256x128xi1>, vector<256x128xf32>
    %slice3A_372 = vector.extract_strided_slice %sub3A {offsets = [0, 7808], sizes = [256, 128], strides = [1, 1]} : vector<256x8192xf32> to vector<256x128xf32>
    %lt3A_373 = arith.cmpf olt, %slice3A_372, %select_n3A_371 : vector<256x128xf32>
    %jit3A_374 = arith.constant 6.100000e+01 : f32
    %broadcast_in_dim3A_375 = vector.broadcast %jit3A_374 : f32 to vector<256x128xf32>
    %select_n3A_376 = arith.select %lt3A_373, %broadcast_in_dim3A_375, %select_n3A_370 : vector<256x128xi1>, vector<256x128xf32>
    %select_n3A_377 = arith.select %lt3A_373, %slice3A_372, %select_n3A_371 : vector<256x128xi1>, vector<256x128xf32>
    %slice3A_378 = vector.extract_strided_slice %sub3A {offsets = [0, 7936], sizes = [256, 128], strides = [1, 1]} : vector<256x8192xf32> to vector<256x128xf32>
    %lt3A_379 = arith.cmpf olt, %slice3A_378, %select_n3A_377 : vector<256x128xf32>
    %jit3A_380 = arith.constant 6.200000e+01 : f32
    %broadcast_in_dim3A_381 = vector.broadcast %jit3A_380 : f32 to vector<256x128xf32>
    %select_n3A_382 = arith.select %lt3A_379, %broadcast_in_dim3A_381, %select_n3A_376 : vector<256x128xi1>, vector<256x128xf32>
    %select_n3A_383 = arith.select %lt3A_379, %slice3A_378, %select_n3A_377 : vector<256x128xi1>, vector<256x128xf32>
    %slice3A_384 = vector.extract_strided_slice %sub3A {offsets = [0, 8064], sizes = [256, 128], strides = [1, 1]} : vector<256x8192xf32> to vector<256x128xf32>
    %lt3A_385 = arith.cmpf olt, %slice3A_384, %select_n3A_383 : vector<256x128xf32>
    %jit3A_386 = arith.constant 6.300000e+01 : f32
    %broadcast_in_dim3A_387 = vector.broadcast %jit3A_386 : f32 to vector<256x128xf32>
    %select_n3A_388 = arith.select %lt3A_385, %broadcast_in_dim3A_387, %select_n3A_382 : vector<256x128xi1>, vector<256x128xf32>
    %select_n3A_389 = arith.select %lt3A_385, %slice3A_384, %select_n3A_383 : vector<256x128xi1>, vector<256x128xf32>
    %iota3A = tpu.iota {dimensions = array<i32: 1>} : vector<256x128xi32>
    %convert_element_type3A = arith.sitofp %iota3A : vector<256x128xi32> to vector<256x128xf32>
    %mul3A = arith.constant 1.280000e+02 : f32
    %mul3A_390 = vector.broadcast %mul3A : f32 to vector<256x128xf32>
    %mul3A_391 = arith.mulf %select_n3A_388, %mul3A_390 : vector<256x128xf32>
    %add3A_392 = arith.addf %mul3A_391, %convert_element_type3A : vector<256x128xf32>
    %reduce_min3A = arith.constant dense<0x7F800000> : vector<256xf32>
    %reduce_min3A_393 = vector.multi_reduction <minimumf>, %select_n3A_389, %reduce_min3A [1] : vector<256x128xf32> to vector<256xf32>
    %broadcast_in_dim3A_394 = vector.shape_cast %reduce_min3A_393 : vector<256xf32> to vector<256x1xf32>
    %eq3A = vector.broadcast %broadcast_in_dim3A_394 : vector<256x1xf32> to vector<256x128xf32>
    %eq3A_395 = arith.cmpf oeq, %select_n3A_389, %eq3A : vector<256x128xf32>
    %jit3A_396 = arith.constant 8.192000e+03 : f32
    %broadcast_in_dim3A_397 = vector.broadcast %jit3A_396 : f32 to vector<256x128xf32>
    %select_n3A_398 = arith.select %eq3A_395, %add3A_392, %broadcast_in_dim3A_397 : vector<256x128xi1>, vector<256x128xf32>
    %reduce_min3A_399 = arith.constant dense<0x7F800000> : vector<256xf32>
    %reduce_min3A_400 = vector.multi_reduction <minimumf>, %select_n3A_398, %reduce_min3A_399 [1] : vector<256x128xf32> to vector<256xf32>
    %convert_element_type3A_401 = arith.fptosi %reduce_min3A_400 : vector<256xf32> to vector<256xi32>
    %swap3A = arith.constant 0 : index
    %swap3A_402 = arith.constant 0 : index
    %swap3A_403 = arith.constant 0 : index
    %swap3A_404 = vector.load %arg6[%swap3A, %swap3A_402, %swap3A_403] : memref<1x1x256xi32, #tpu.memory_space<vmem>>, vector<1x1x256xi32>
    %swap3A_405 = vector.shape_cast %swap3A_404 : vector<1x1x256xi32> to vector<256xi32>
    %swap3A_406 = vector.shape_cast %convert_element_type3A_401 : vector<256xi32> to vector<1x1x256xi32>
    tpu.vector_store %arg6[%swap3A, %swap3A_402, %swap3A_403], %swap3A_406 {strides = array<i32>} : memref<1x1x256xi32, #tpu.memory_space<vmem>>, vector<1x1x256xi32>,
    %eq3A_407 = arith.constant 0 : i32
    %eq3A_408 = arith.cmpi eq, %arg0, %eq3A_407 : i32
    %convert_element_type3A_409 = arith.extui %eq3A_408 : i1 to i32
    %cond3A = arith.constant 0 : i32
    %cond3A_410 = arith.cmpi ne, %convert_element_type3A_409, %cond3A : i32
    scf.if %cond3A_410 {
      %broadcast_in_dim3A_1829 = arith.constant 0.000000e+00 : f32
      %broadcast_in_dim3A_1830 = vector.broadcast %broadcast_in_dim3A_1829 : f32 to vector<1x8192xf32>
      %swap3A_1831 = arith.constant 0 : index
      %swap3A_1832 = arith.constant 0 : index
      %swap3A_1833 = vector.load %arg7[%swap3A_1831, %swap3A_1832] : memref<1x8192xf32, #tpu.memory_space<vmem>>, vector<1x8192xf32>
      tpu.vector_store %arg7[%swap3A_1831, %swap3A_1832], %broadcast_in_dim3A_1830 {strides = array<i32>} : memref<1x8192xf32, #tpu.memory_space<vmem>>, vector<1x8192xf32>,
      %broadcast_in_dim3A_1834 = arith.constant 0.000000e+00 : f32
      %broadcast_in_dim3A_1835 = vector.broadcast %broadcast_in_dim3A_1834 : f32 to vector<1x1xf32>
      %swap3A_1836 = arith.constant 0 : index
      %swap3A_1837 = arith.constant 0 : index
      %swap3A_1838 = vector.load %arg8[%swap3A_1836, %swap3A_1837] : memref<1x1xf32, #tpu.memory_space<vmem>>, vector<1x1xf32>
      tpu.vector_store %arg8[%swap3A_1836, %swap3A_1837], %broadcast_in_dim3A_1835 {strides = array<i32>} : memref<1x1xf32, #tpu.memory_space<vmem>>, vector<1x1xf32>,
    } else {
    }
    %broadcast_in_dim3A_411 = vector.shape_cast %reduce_min3A_400 : vector<256xf32> to vector<256x1xf32>
    %sub3A_412 = arith.constant 0.000000e+00 : f32
    %sub3A_413 = vector.broadcast %sub3A_412 : f32 to vector<256x1xf32>
    %sub3A_414 = arith.subf %broadcast_in_dim3A_411, %sub3A_413 : vector<256x1xf32>
    %eq3A_415 = vector.broadcast %sub3A_414 : vector<256x1xf32> to vector<256x128xf32>
    %eq3A_416 = arith.cmpf oeq, %convert_element_type3A, %eq3A_415 : vector<256x128xf32>
    %convert_element_type3A_417 = arith.extui %eq3A_416 : vector<256x128xi1> to vector<256x128xi32>
    %convert_element_type3A_418 = arith.sitofp %convert_element_type3A_417 : vector<256x128xi32> to vector<256x128xf32>
    %swap3A_419 = arith.constant 0 : index
    %swap3A_420 = arith.constant 0 : index
    %swap3A_421 = vector.load %arg5[%swap3A_419, %swap3A_420] : memref<256x8192xf32, #tpu.memory_space<vmem>>, vector<256x128xf32>
    tpu.vector_store %arg5[%swap3A_419, %swap3A_420], %convert_element_type3A_418 {strides = array<i32>} : memref<256x8192xf32, #tpu.memory_space<vmem>>, vector<256x128xf32>,
    %get3A_422 = arith.constant 0 : index
    %get3A_423 = arith.constant 0 : index
    %get3A_424 = vector.load %arg7[%get3A_422, %get3A_423] : memref<1x8192xf32, #tpu.memory_space<vmem>>, vector<1x128xf32>
    %get3A_425 = vector.shape_cast %get3A_424 : vector<1x128xf32> to vector<128xf32>
    %reduce_sum3A = arith.constant dense<0.000000e+00> : vector<128xf32>
    %reduce_sum3A_426 = vector.multi_reduction <add>, %convert_element_type3A_418, %reduce_sum3A [0] : vector<256x128xf32> to vector<128xf32>
    %add3A_427 = arith.addf %get3A_425, %reduce_sum3A_426 : vector<128xf32>
    %swap3A_428 = arith.constant 0 : index
    %swap3A_429 = arith.constant 0 : index
    %swap3A_430 = vector.load %arg7[%swap3A_428, %swap3A_429] : memref<1x8192xf32, #tpu.memory_space<vmem>>, vector<1x128xf32>
    %swap3A_431 = vector.shape_cast %swap3A_430 : vector<1x128xf32> to vector<128xf32>
    %swap3A_432 = vector.shape_cast %add3A_427 : vector<128xf32> to vector<1x128xf32>
    tpu.vector_store %arg7[%swap3A_428, %swap3A_429], %swap3A_432 {strides = array<i32>} : memref<1x8192xf32, #tpu.memory_space<vmem>>, vector<1x128xf32>,
    %sub3A_433 = arith.constant 1.280000e+02 : f32
    %sub3A_434 = vector.broadcast %sub3A_433 : f32 to vector<256x1xf32>
    %sub3A_435 = arith.subf %broadcast_in_dim3A_411, %sub3A_434 : vector<256x1xf32>
    %eq3A_436 = vector.broadcast %sub3A_435 : vector<256x1xf32> to vector<256x128xf32>
    %eq3A_437 = arith.cmpf oeq, %convert_element_type3A, %eq3A_436 : vector<256x128xf32>
    %convert_element_type3A_438 = arith.extui %eq3A_437 : vector<256x128xi1> to vector<256x128xi32>
    %convert_element_type3A_439 = arith.sitofp %convert_element_type3A_438 : vector<256x128xi32> to vector<256x128xf32>
    %swap3A_440 = arith.constant 0 : index
    %swap3A_441 = arith.constant 128 : index
    %swap3A_442 = vector.load %arg5[%swap3A_440, %swap3A_441] : memref<256x8192xf32, #tpu.memory_space<vmem>>, vector<256x128xf32>
    tpu.vector_store %arg5[%swap3A_440, %swap3A_441], %convert_element_type3A_439 {strides = array<i32>} : memref<256x8192xf32, #tpu.memory_space<vmem>>, vector<256x128xf32>,
    %get3A_443 = arith.constant 0 : index
    %get3A_444 = arith.constant 128 : index
    %get3A_445 = vector.load %arg7[%get3A_443, %get3A_444] : memref<1x8192xf32, #tpu.memory_space<vmem>>, vector<1x128xf32>
    %get3A_446 = vector.shape_cast %get3A_445 : vector<1x128xf32> to vector<128xf32>
    %reduce_sum3A_447 = arith.constant dense<0.000000e+00> : vector<128xf32>
    %reduce_sum3A_448 = vector.multi_reduction <add>, %convert_element_type3A_439, %reduce_sum3A_447 [0] : vector<256x128xf32> to vector<128xf32>
    %add3A_449 = arith.addf %get3A_446, %reduce_sum3A_448 : vector<128xf32>
    %swap3A_450 = arith.constant 0 : index
    %swap3A_451 = arith.constant 128 : index
    %swap3A_452 = vector.load %arg7[%swap3A_450, %swap3A_451] : memref<1x8192xf32, #tpu.memory_space<vmem>>, vector<1x128xf32>
    %swap3A_453 = vector.shape_cast %swap3A_452 : vector<1x128xf32> to vector<128xf32>
    %swap3A_454 = vector.shape_cast %add3A_449 : vector<128xf32> to vector<1x128xf32>
    tpu.vector_store %arg7[%swap3A_450, %swap3A_451], %swap3A_454 {strides = array<i32>} : memref<1x8192xf32, #tpu.memory_space<vmem>>, vector<1x128xf32>,
    %sub3A_455 = arith.constant 2.560000e+02 : f32
    %sub3A_456 = vector.broadcast %sub3A_455 : f32 to vector<256x1xf32>
    %sub3A_457 = arith.subf %broadcast_in_dim3A_411, %sub3A_456 : vector<256x1xf32>
    %eq3A_458 = vector.broadcast %sub3A_457 : vector<256x1xf32> to vector<256x128xf32>
    %eq3A_459 = arith.cmpf oeq, %convert_element_type3A, %eq3A_458 : vector<256x128xf32>
    %convert_element_type3A_460 = arith.extui %eq3A_459 : vector<256x128xi1> to vector<256x128xi32>
    %convert_element_type3A_461 = arith.sitofp %convert_element_type3A_460 : vector<256x128xi32> to vector<256x128xf32>
    %swap3A_462 = arith.constant 0 : index
    %swap3A_463 = arith.constant 256 : index
    %swap3A_464 = vector.load %arg5[%swap3A_462, %swap3A_463] : memref<256x8192xf32, #tpu.memory_space<vmem>>, vector<256x128xf32>
    tpu.vector_store %arg5[%swap3A_462, %swap3A_463], %convert_element_type3A_461 {strides = array<i32>} : memref<256x8192xf32, #tpu.memory_space<vmem>>, vector<256x128xf32>,
    %get3A_465 = arith.constant 0 : index
    %get3A_466 = arith.constant 256 : index
    %get3A_467 = vector.load %arg7[%get3A_465, %get3A_466] : memref<1x8192xf32, #tpu.memory_space<vmem>>, vector<1x128xf32>
    %get3A_468 = vector.shape_cast %get3A_467 : vector<1x128xf32> to vector<128xf32>
    %reduce_sum3A_469 = arith.constant dense<0.000000e+00> : vector<128xf32>
    %reduce_sum3A_470 = vector.multi_reduction <add>, %convert_element_type3A_461, %reduce_sum3A_469 [0] : vector<256x128xf32> to vector<128xf32>
    %add3A_471 = arith.addf %get3A_468, %reduce_sum3A_470 : vector<128xf32>
    %swap3A_472 = arith.constant 0 : index
    %swap3A_473 = arith.constant 256 : index
    %swap3A_474 = vector.load %arg7[%swap3A_472, %swap3A_473] : memref<1x8192xf32, #tpu.memory_space<vmem>>, vector<1x128xf32>
    %swap3A_475 = vector.shape_cast %swap3A_474 : vector<1x128xf32> to vector<128xf32>
    %swap3A_476 = vector.shape_cast %add3A_471 : vector<128xf32> to vector<1x128xf32>
    tpu.vector_store %arg7[%swap3A_472, %swap3A_473], %swap3A_476 {strides = array<i32>} : memref<1x8192xf32, #tpu.memory_space<vmem>>, vector<1x128xf32>,
    %sub3A_477 = arith.constant 3.840000e+02 : f32
    %sub3A_478 = vector.broadcast %sub3A_477 : f32 to vector<256x1xf32>
    %sub3A_479 = arith.subf %broadcast_in_dim3A_411, %sub3A_478 : vector<256x1xf32>
    %eq3A_480 = vector.broadcast %sub3A_479 : vector<256x1xf32> to vector<256x128xf32>
    %eq3A_481 = arith.cmpf oeq, %convert_element_type3A, %eq3A_480 : vector<256x128xf32>
    %convert_element_type3A_482 = arith.extui %eq3A_481 : vector<256x128xi1> to vector<256x128xi32>
    %convert_element_type3A_483 = arith.sitofp %convert_element_type3A_482 : vector<256x128xi32> to vector<256x128xf32>
    %swap3A_484 = arith.constant 0 : index
    %swap3A_485 = arith.constant 384 : index
    %swap3A_486 = vector.load %arg5[%swap3A_484, %swap3A_485] : memref<256x8192xf32, #tpu.memory_space<vmem>>, vector<256x128xf32>
    tpu.vector_store %arg5[%swap3A_484, %swap3A_485], %convert_element_type3A_483 {strides = array<i32>} : memref<256x8192xf32, #tpu.memory_space<vmem>>, vector<256x128xf32>,
    %get3A_487 = arith.constant 0 : index
    %get3A_488 = arith.constant 384 : index
    %get3A_489 = vector.load %arg7[%get3A_487, %get3A_488] : memref<1x8192xf32, #tpu.memory_space<vmem>>, vector<1x128xf32>
    %get3A_490 = vector.shape_cast %get3A_489 : vector<1x128xf32> to vector<128xf32>
    %reduce_sum3A_491 = arith.constant dense<0.000000e+00> : vector<128xf32>
    %reduce_sum3A_492 = vector.multi_reduction <add>, %convert_element_type3A_483, %reduce_sum3A_491 [0] : vector<256x128xf32> to vector<128xf32>
    %add3A_493 = arith.addf %get3A_490, %reduce_sum3A_492 : vector<128xf32>
    %swap3A_494 = arith.constant 0 : index
    %swap3A_495 = arith.constant 384 : index
    %swap3A_496 = vector.load %arg7[%swap3A_494, %swap3A_495] : memref<1x8192xf32, #tpu.memory_space<vmem>>, vector<1x128xf32>
    %swap3A_497 = vector.shape_cast %swap3A_496 : vector<1x128xf32> to vector<128xf32>
    %swap3A_498 = vector.shape_cast %add3A_493 : vector<128xf32> to vector<1x128xf32>
    tpu.vector_store %arg7[%swap3A_494, %swap3A_495], %swap3A_498 {strides = array<i32>} : memref<1x8192xf32, #tpu.memory_space<vmem>>, vector<1x128xf32>,
    %sub3A_499 = arith.constant 5.120000e+02 : f32
    %sub3A_500 = vector.broadcast %sub3A_499 : f32 to vector<256x1xf32>
    %sub3A_501 = arith.subf %broadcast_in_dim3A_411, %sub3A_500 : vector<256x1xf32>
    %eq3A_502 = vector.broadcast %sub3A_501 : vector<256x1xf32> to vector<256x128xf32>
    %eq3A_503 = arith.cmpf oeq, %convert_element_type3A, %eq3A_502 : vector<256x128xf32>
    %convert_element_type3A_504 = arith.extui %eq3A_503 : vector<256x128xi1> to vector<256x128xi32>
    %convert_element_type3A_505 = arith.sitofp %convert_element_type3A_504 : vector<256x128xi32> to vector<256x128xf32>
    %swap3A_506 = arith.constant 0 : index
    %swap3A_507 = arith.constant 512 : index
    %swap3A_508 = vector.load %arg5[%swap3A_506, %swap3A_507] : memref<256x8192xf32, #tpu.memory_space<vmem>>, vector<256x128xf32>
    tpu.vector_store %arg5[%swap3A_506, %swap3A_507], %convert_element_type3A_505 {strides = array<i32>} : memref<256x8192xf32, #tpu.memory_space<vmem>>, vector<256x128xf32>,
    %get3A_509 = arith.constant 0 : index
    %get3A_510 = arith.constant 512 : index
    %get3A_511 = vector.load %arg7[%get3A_509, %get3A_510] : memref<1x8192xf32, #tpu.memory_space<vmem>>, vector<1x128xf32>
    %get3A_512 = vector.shape_cast %get3A_511 : vector<1x128xf32> to vector<128xf32>
    %reduce_sum3A_513 = arith.constant dense<0.000000e+00> : vector<128xf32>
    %reduce_sum3A_514 = vector.multi_reduction <add>, %convert_element_type3A_505, %reduce_sum3A_513 [0] : vector<256x128xf32> to vector<128xf32>
    %add3A_515 = arith.addf %get3A_512, %reduce_sum3A_514 : vector<128xf32>
    %swap3A_516 = arith.constant 0 : index
    %swap3A_517 = arith.constant 512 : index
    %swap3A_518 = vector.load %arg7[%swap3A_516, %swap3A_517] : memref<1x8192xf32, #tpu.memory_space<vmem>>, vector<1x128xf32>
    %swap3A_519 = vector.shape_cast %swap3A_518 : vector<1x128xf32> to vector<128xf32>
    %swap3A_520 = vector.shape_cast %add3A_515 : vector<128xf32> to vector<1x128xf32>
    tpu.vector_store %arg7[%swap3A_516, %swap3A_517], %swap3A_520 {strides = array<i32>} : memref<1x8192xf32, #tpu.memory_space<vmem>>, vector<1x128xf32>,
    %sub3A_521 = arith.constant 6.400000e+02 : f32
    %sub3A_522 = vector.broadcast %sub3A_521 : f32 to vector<256x1xf32>
    %sub3A_523 = arith.subf %broadcast_in_dim3A_411, %sub3A_522 : vector<256x1xf32>
    %eq3A_524 = vector.broadcast %sub3A_523 : vector<256x1xf32> to vector<256x128xf32>
    %eq3A_525 = arith.cmpf oeq, %convert_element_type3A, %eq3A_524 : vector<256x128xf32>
    %convert_element_type3A_526 = arith.extui %eq3A_525 : vector<256x128xi1> to vector<256x128xi32>
    %convert_element_type3A_527 = arith.sitofp %convert_element_type3A_526 : vector<256x128xi32> to vector<256x128xf32>
    %swap3A_528 = arith.constant 0 : index
    %swap3A_529 = arith.constant 640 : index
    %swap3A_530 = vector.load %arg5[%swap3A_528, %swap3A_529] : memref<256x8192xf32, #tpu.memory_space<vmem>>, vector<256x128xf32>
    tpu.vector_store %arg5[%swap3A_528, %swap3A_529], %convert_element_type3A_527 {strides = array<i32>} : memref<256x8192xf32, #tpu.memory_space<vmem>>, vector<256x128xf32>,
    %get3A_531 = arith.constant 0 : index
    %get3A_532 = arith.constant 640 : index
    %get3A_533 = vector.load %arg7[%get3A_531, %get3A_532] : memref<1x8192xf32, #tpu.memory_space<vmem>>, vector<1x128xf32>
    %get3A_534 = vector.shape_cast %get3A_533 : vector<1x128xf32> to vector<128xf32>
    %reduce_sum3A_535 = arith.constant dense<0.000000e+00> : vector<128xf32>
    %reduce_sum3A_536 = vector.multi_reduction <add>, %convert_element_type3A_527, %reduce_sum3A_535 [0] : vector<256x128xf32> to vector<128xf32>
    %add3A_537 = arith.addf %get3A_534, %reduce_sum3A_536 : vector<128xf32>
    %swap3A_538 = arith.constant 0 : index
    %swap3A_539 = arith.constant 640 : index
    %swap3A_540 = vector.load %arg7[%swap3A_538, %swap3A_539] : memref<1x8192xf32, #tpu.memory_space<vmem>>, vector<1x128xf32>
    %swap3A_541 = vector.shape_cast %swap3A_540 : vector<1x128xf32> to vector<128xf32>
    %swap3A_542 = vector.shape_cast %add3A_537 : vector<128xf32> to vector<1x128xf32>
    tpu.vector_store %arg7[%swap3A_538, %swap3A_539], %swap3A_542 {strides = array<i32>} : memref<1x8192xf32, #tpu.memory_space<vmem>>, vector<1x128xf32>,
    %sub3A_543 = arith.constant 7.680000e+02 : f32
    %sub3A_544 = vector.broadcast %sub3A_543 : f32 to vector<256x1xf32>
    %sub3A_545 = arith.subf %broadcast_in_dim3A_411, %sub3A_544 : vector<256x1xf32>
    %eq3A_546 = vector.broadcast %sub3A_545 : vector<256x1xf32> to vector<256x128xf32>
    %eq3A_547 = arith.cmpf oeq, %convert_element_type3A, %eq3A_546 : vector<256x128xf32>
    %convert_element_type3A_548 = arith.extui %eq3A_547 : vector<256x128xi1> to vector<256x128xi32>
    %convert_element_type3A_549 = arith.sitofp %convert_element_type3A_548 : vector<256x128xi32> to vector<256x128xf32>
    %swap3A_550 = arith.constant 0 : index
    %swap3A_551 = arith.constant 768 : index
    %swap3A_552 = vector.load %arg5[%swap3A_550, %swap3A_551] : memref<256x8192xf32, #tpu.memory_space<vmem>>, vector<256x128xf32>
    tpu.vector_store %arg5[%swap3A_550, %swap3A_551], %convert_element_type3A_549 {strides = array<i32>} : memref<256x8192xf32, #tpu.memory_space<vmem>>, vector<256x128xf32>,
    %get3A_553 = arith.constant 0 : index
    %get3A_554 = arith.constant 768 : index
    %get3A_555 = vector.load %arg7[%get3A_553, %get3A_554] : memref<1x8192xf32, #tpu.memory_space<vmem>>, vector<1x128xf32>
    %get3A_556 = vector.shape_cast %get3A_555 : vector<1x128xf32> to vector<128xf32>
    %reduce_sum3A_557 = arith.constant dense<0.000000e+00> : vector<128xf32>
    %reduce_sum3A_558 = vector.multi_reduction <add>, %convert_element_type3A_549, %reduce_sum3A_557 [0] : vector<256x128xf32> to vector<128xf32>
    %add3A_559 = arith.addf %get3A_556, %reduce_sum3A_558 : vector<128xf32>
    %swap3A_560 = arith.constant 0 : index
    %swap3A_561 = arith.constant 768 : index
    %swap3A_562 = vector.load %arg7[%swap3A_560, %swap3A_561] : memref<1x8192xf32, #tpu.memory_space<vmem>>, vector<1x128xf32>
    %swap3A_563 = vector.shape_cast %swap3A_562 : vector<1x128xf32> to vector<128xf32>
    %swap3A_564 = vector.shape_cast %add3A_559 : vector<128xf32> to vector<1x128xf32>
    tpu.vector_store %arg7[%swap3A_560, %swap3A_561], %swap3A_564 {strides = array<i32>} : memref<1x8192xf32, #tpu.memory_space<vmem>>, vector<1x128xf32>,
    %sub3A_565 = arith.constant 8.960000e+02 : f32
    %sub3A_566 = vector.broadcast %sub3A_565 : f32 to vector<256x1xf32>
    %sub3A_567 = arith.subf %broadcast_in_dim3A_411, %sub3A_566 : vector<256x1xf32>
    %eq3A_568 = vector.broadcast %sub3A_567 : vector<256x1xf32> to vector<256x128xf32>
    %eq3A_569 = arith.cmpf oeq, %convert_element_type3A, %eq3A_568 : vector<256x128xf32>
    %convert_element_type3A_570 = arith.extui %eq3A_569 : vector<256x128xi1> to vector<256x128xi32>
    %convert_element_type3A_571 = arith.sitofp %convert_element_type3A_570 : vector<256x128xi32> to vector<256x128xf32>
    %swap3A_572 = arith.constant 0 : index
    %swap3A_573 = arith.constant 896 : index
    %swap3A_574 = vector.load %arg5[%swap3A_572, %swap3A_573] : memref<256x8192xf32, #tpu.memory_space<vmem>>, vector<256x128xf32>
    tpu.vector_store %arg5[%swap3A_572, %swap3A_573], %convert_element_type3A_571 {strides = array<i32>} : memref<256x8192xf32, #tpu.memory_space<vmem>>, vector<256x128xf32>,
    %get3A_575 = arith.constant 0 : index
    %get3A_576 = arith.constant 896 : index
    %get3A_577 = vector.load %arg7[%get3A_575, %get3A_576] : memref<1x8192xf32, #tpu.memory_space<vmem>>, vector<1x128xf32>
    %get3A_578 = vector.shape_cast %get3A_577 : vector<1x128xf32> to vector<128xf32>
    %reduce_sum3A_579 = arith.constant dense<0.000000e+00> : vector<128xf32>
    %reduce_sum3A_580 = vector.multi_reduction <add>, %convert_element_type3A_571, %reduce_sum3A_579 [0] : vector<256x128xf32> to vector<128xf32>
    %add3A_581 = arith.addf %get3A_578, %reduce_sum3A_580 : vector<128xf32>
    %swap3A_582 = arith.constant 0 : index
    %swap3A_583 = arith.constant 896 : index
    %swap3A_584 = vector.load %arg7[%swap3A_582, %swap3A_583] : memref<1x8192xf32, #tpu.memory_space<vmem>>, vector<1x128xf32>
    %swap3A_585 = vector.shape_cast %swap3A_584 : vector<1x128xf32> to vector<128xf32>
    %swap3A_586 = vector.shape_cast %add3A_581 : vector<128xf32> to vector<1x128xf32>
    tpu.vector_store %arg7[%swap3A_582, %swap3A_583], %swap3A_586 {strides = array<i32>} : memref<1x8192xf32, #tpu.memory_space<vmem>>, vector<1x128xf32>,
    %sub3A_587 = arith.constant 1.024000e+03 : f32
    %sub3A_588 = vector.broadcast %sub3A_587 : f32 to vector<256x1xf32>
    %sub3A_589 = arith.subf %broadcast_in_dim3A_411, %sub3A_588 : vector<256x1xf32>
    %eq3A_590 = vector.broadcast %sub3A_589 : vector<256x1xf32> to vector<256x128xf32>
    %eq3A_591 = arith.cmpf oeq, %convert_element_type3A, %eq3A_590 : vector<256x128xf32>
    %convert_element_type3A_592 = arith.extui %eq3A_591 : vector<256x128xi1> to vector<256x128xi32>
    %convert_element_type3A_593 = arith.sitofp %convert_element_type3A_592 : vector<256x128xi32> to vector<256x128xf32>
    %swap3A_594 = arith.constant 0 : index
    %swap3A_595 = arith.constant 1024 : index
    %swap3A_596 = vector.load %arg5[%swap3A_594, %swap3A_595] : memref<256x8192xf32, #tpu.memory_space<vmem>>, vector<256x128xf32>
    tpu.vector_store %arg5[%swap3A_594, %swap3A_595], %convert_element_type3A_593 {strides = array<i32>} : memref<256x8192xf32, #tpu.memory_space<vmem>>, vector<256x128xf32>,
    %get3A_597 = arith.constant 0 : index
    %get3A_598 = arith.constant 1024 : index
    %get3A_599 = vector.load %arg7[%get3A_597, %get3A_598] : memref<1x8192xf32, #tpu.memory_space<vmem>>, vector<1x128xf32>
    %get3A_600 = vector.shape_cast %get3A_599 : vector<1x128xf32> to vector<128xf32>
    %reduce_sum3A_601 = arith.constant dense<0.000000e+00> : vector<128xf32>
    %reduce_sum3A_602 = vector.multi_reduction <add>, %convert_element_type3A_593, %reduce_sum3A_601 [0] : vector<256x128xf32> to vector<128xf32>
    %add3A_603 = arith.addf %get3A_600, %reduce_sum3A_602 : vector<128xf32>
    %swap3A_604 = arith.constant 0 : index
    %swap3A_605 = arith.constant 1024 : index
    %swap3A_606 = vector.load %arg7[%swap3A_604, %swap3A_605] : memref<1x8192xf32, #tpu.memory_space<vmem>>, vector<1x128xf32>
    %swap3A_607 = vector.shape_cast %swap3A_606 : vector<1x128xf32> to vector<128xf32>
    %swap3A_608 = vector.shape_cast %add3A_603 : vector<128xf32> to vector<1x128xf32>
    tpu.vector_store %arg7[%swap3A_604, %swap3A_605], %swap3A_608 {strides = array<i32>} : memref<1x8192xf32, #tpu.memory_space<vmem>>, vector<1x128xf32>,
    %sub3A_609 = arith.constant 1.152000e+03 : f32
    %sub3A_610 = vector.broadcast %sub3A_609 : f32 to vector<256x1xf32>
    %sub3A_611 = arith.subf %broadcast_in_dim3A_411, %sub3A_610 : vector<256x1xf32>
    %eq3A_612 = vector.broadcast %sub3A_611 : vector<256x1xf32> to vector<256x128xf32>
    %eq3A_613 = arith.cmpf oeq, %convert_element_type3A, %eq3A_612 : vector<256x128xf32>
    %convert_element_type3A_614 = arith.extui %eq3A_613 : vector<256x128xi1> to vector<256x128xi32>
    %convert_element_type3A_615 = arith.sitofp %convert_element_type3A_614 : vector<256x128xi32> to vector<256x128xf32>
    %swap3A_616 = arith.constant 0 : index
    %swap3A_617 = arith.constant 1152 : index
    %swap3A_618 = vector.load %arg5[%swap3A_616, %swap3A_617] : memref<256x8192xf32, #tpu.memory_space<vmem>>, vector<256x128xf32>
    tpu.vector_store %arg5[%swap3A_616, %swap3A_617], %convert_element_type3A_615 {strides = array<i32>} : memref<256x8192xf32, #tpu.memory_space<vmem>>, vector<256x128xf32>,
    %get3A_619 = arith.constant 0 : index
    %get3A_620 = arith.constant 1152 : index
    %get3A_621 = vector.load %arg7[%get3A_619, %get3A_620] : memref<1x8192xf32, #tpu.memory_space<vmem>>, vector<1x128xf32>
    %get3A_622 = vector.shape_cast %get3A_621 : vector<1x128xf32> to vector<128xf32>
    %reduce_sum3A_623 = arith.constant dense<0.000000e+00> : vector<128xf32>
    %reduce_sum3A_624 = vector.multi_reduction <add>, %convert_element_type3A_615, %reduce_sum3A_623 [0] : vector<256x128xf32> to vector<128xf32>
    %add3A_625 = arith.addf %get3A_622, %reduce_sum3A_624 : vector<128xf32>
    %swap3A_626 = arith.constant 0 : index
    %swap3A_627 = arith.constant 1152 : index
    %swap3A_628 = vector.load %arg7[%swap3A_626, %swap3A_627] : memref<1x8192xf32, #tpu.memory_space<vmem>>, vector<1x128xf32>
    %swap3A_629 = vector.shape_cast %swap3A_628 : vector<1x128xf32> to vector<128xf32>
    %swap3A_630 = vector.shape_cast %add3A_625 : vector<128xf32> to vector<1x128xf32>
    tpu.vector_store %arg7[%swap3A_626, %swap3A_627], %swap3A_630 {strides = array<i32>} : memref<1x8192xf32, #tpu.memory_space<vmem>>, vector<1x128xf32>,
    %sub3A_631 = arith.constant 1.280000e+03 : f32
    %sub3A_632 = vector.broadcast %sub3A_631 : f32 to vector<256x1xf32>
    %sub3A_633 = arith.subf %broadcast_in_dim3A_411, %sub3A_632 : vector<256x1xf32>
    %eq3A_634 = vector.broadcast %sub3A_633 : vector<256x1xf32> to vector<256x128xf32>
    %eq3A_635 = arith.cmpf oeq, %convert_element_type3A, %eq3A_634 : vector<256x128xf32>
    %convert_element_type3A_636 = arith.extui %eq3A_635 : vector<256x128xi1> to vector<256x128xi32>
    %convert_element_type3A_637 = arith.sitofp %convert_element_type3A_636 : vector<256x128xi32> to vector<256x128xf32>
    %swap3A_638 = arith.constant 0 : index
    %swap3A_639 = arith.constant 1280 : index
    %swap3A_640 = vector.load %arg5[%swap3A_638, %swap3A_639] : memref<256x8192xf32, #tpu.memory_space<vmem>>, vector<256x128xf32>
    tpu.vector_store %arg5[%swap3A_638, %swap3A_639], %convert_element_type3A_637 {strides = array<i32>} : memref<256x8192xf32, #tpu.memory_space<vmem>>, vector<256x128xf32>,
    %get3A_641 = arith.constant 0 : index
    %get3A_642 = arith.constant 1280 : index
    %get3A_643 = vector.load %arg7[%get3A_641, %get3A_642] : memref<1x8192xf32, #tpu.memory_space<vmem>>, vector<1x128xf32>
    %get3A_644 = vector.shape_cast %get3A_643 : vector<1x128xf32> to vector<128xf32>
    %reduce_sum3A_645 = arith.constant dense<0.000000e+00> : vector<128xf32>
    %reduce_sum3A_646 = vector.multi_reduction <add>, %convert_element_type3A_637, %reduce_sum3A_645 [0] : vector<256x128xf32> to vector<128xf32>
    %add3A_647 = arith.addf %get3A_644, %reduce_sum3A_646 : vector<128xf32>
    %swap3A_648 = arith.constant 0 : index
    %swap3A_649 = arith.constant 1280 : index
    %swap3A_650 = vector.load %arg7[%swap3A_648, %swap3A_649] : memref<1x8192xf32, #tpu.memory_space<vmem>>, vector<1x128xf32>
    %swap3A_651 = vector.shape_cast %swap3A_650 : vector<1x128xf32> to vector<128xf32>
    %swap3A_652 = vector.shape_cast %add3A_647 : vector<128xf32> to vector<1x128xf32>
    tpu.vector_store %arg7[%swap3A_648, %swap3A_649], %swap3A_652 {strides = array<i32>} : memref<1x8192xf32, #tpu.memory_space<vmem>>, vector<1x128xf32>,
    %sub3A_653 = arith.constant 1.408000e+03 : f32
    %sub3A_654 = vector.broadcast %sub3A_653 : f32 to vector<256x1xf32>
    %sub3A_655 = arith.subf %broadcast_in_dim3A_411, %sub3A_654 : vector<256x1xf32>
    %eq3A_656 = vector.broadcast %sub3A_655 : vector<256x1xf32> to vector<256x128xf32>
    %eq3A_657 = arith.cmpf oeq, %convert_element_type3A, %eq3A_656 : vector<256x128xf32>
    %convert_element_type3A_658 = arith.extui %eq3A_657 : vector<256x128xi1> to vector<256x128xi32>
    %convert_element_type3A_659 = arith.sitofp %convert_element_type3A_658 : vector<256x128xi32> to vector<256x128xf32>
    %swap3A_660 = arith.constant 0 : index
    %swap3A_661 = arith.constant 1408 : index
    %swap3A_662 = vector.load %arg5[%swap3A_660, %swap3A_661] : memref<256x8192xf32, #tpu.memory_space<vmem>>, vector<256x128xf32>
    tpu.vector_store %arg5[%swap3A_660, %swap3A_661], %convert_element_type3A_659 {strides = array<i32>} : memref<256x8192xf32, #tpu.memory_space<vmem>>, vector<256x128xf32>,
    %get3A_663 = arith.constant 0 : index
    %get3A_664 = arith.constant 1408 : index
    %get3A_665 = vector.load %arg7[%get3A_663, %get3A_664] : memref<1x8192xf32, #tpu.memory_space<vmem>>, vector<1x128xf32>
    %get3A_666 = vector.shape_cast %get3A_665 : vector<1x128xf32> to vector<128xf32>
    %reduce_sum3A_667 = arith.constant dense<0.000000e+00> : vector<128xf32>
    %reduce_sum3A_668 = vector.multi_reduction <add>, %convert_element_type3A_659, %reduce_sum3A_667 [0] : vector<256x128xf32> to vector<128xf32>
    %add3A_669 = arith.addf %get3A_666, %reduce_sum3A_668 : vector<128xf32>
    %swap3A_670 = arith.constant 0 : index
    %swap3A_671 = arith.constant 1408 : index
    %swap3A_672 = vector.load %arg7[%swap3A_670, %swap3A_671] : memref<1x8192xf32, #tpu.memory_space<vmem>>, vector<1x128xf32>
    %swap3A_673 = vector.shape_cast %swap3A_672 : vector<1x128xf32> to vector<128xf32>
    %swap3A_674 = vector.shape_cast %add3A_669 : vector<128xf32> to vector<1x128xf32>
    tpu.vector_store %arg7[%swap3A_670, %swap3A_671], %swap3A_674 {strides = array<i32>} : memref<1x8192xf32, #tpu.memory_space<vmem>>, vector<1x128xf32>,
    %sub3A_675 = arith.constant 1.536000e+03 : f32
    %sub3A_676 = vector.broadcast %sub3A_675 : f32 to vector<256x1xf32>
    %sub3A_677 = arith.subf %broadcast_in_dim3A_411, %sub3A_676 : vector<256x1xf32>
    %eq3A_678 = vector.broadcast %sub3A_677 : vector<256x1xf32> to vector<256x128xf32>
    %eq3A_679 = arith.cmpf oeq, %convert_element_type3A, %eq3A_678 : vector<256x128xf32>
    %convert_element_type3A_680 = arith.extui %eq3A_679 : vector<256x128xi1> to vector<256x128xi32>
    %convert_element_type3A_681 = arith.sitofp %convert_element_type3A_680 : vector<256x128xi32> to vector<256x128xf32>
    %swap3A_682 = arith.constant 0 : index
    %swap3A_683 = arith.constant 1536 : index
    %swap3A_684 = vector.load %arg5[%swap3A_682, %swap3A_683] : memref<256x8192xf32, #tpu.memory_space<vmem>>, vector<256x128xf32>
    tpu.vector_store %arg5[%swap3A_682, %swap3A_683], %convert_element_type3A_681 {strides = array<i32>} : memref<256x8192xf32, #tpu.memory_space<vmem>>, vector<256x128xf32>,
    %get3A_685 = arith.constant 0 : index
    %get3A_686 = arith.constant 1536 : index
    %get3A_687 = vector.load %arg7[%get3A_685, %get3A_686] : memref<1x8192xf32, #tpu.memory_space<vmem>>, vector<1x128xf32>
    %get3A_688 = vector.shape_cast %get3A_687 : vector<1x128xf32> to vector<128xf32>
    %reduce_sum3A_689 = arith.constant dense<0.000000e+00> : vector<128xf32>
    %reduce_sum3A_690 = vector.multi_reduction <add>, %convert_element_type3A_681, %reduce_sum3A_689 [0] : vector<256x128xf32> to vector<128xf32>
    %add3A_691 = arith.addf %get3A_688, %reduce_sum3A_690 : vector<128xf32>
    %swap3A_692 = arith.constant 0 : index
    %swap3A_693 = arith.constant 1536 : index
    %swap3A_694 = vector.load %arg7[%swap3A_692, %swap3A_693] : memref<1x8192xf32, #tpu.memory_space<vmem>>, vector<1x128xf32>
    %swap3A_695 = vector.shape_cast %swap3A_694 : vector<1x128xf32> to vector<128xf32>
    %swap3A_696 = vector.shape_cast %add3A_691 : vector<128xf32> to vector<1x128xf32>
    tpu.vector_store %arg7[%swap3A_692, %swap3A_693], %swap3A_696 {strides = array<i32>} : memref<1x8192xf32, #tpu.memory_space<vmem>>, vector<1x128xf32>,
    %sub3A_697 = arith.constant 1.664000e+03 : f32
    %sub3A_698 = vector.broadcast %sub3A_697 : f32 to vector<256x1xf32>
    %sub3A_699 = arith.subf %broadcast_in_dim3A_411, %sub3A_698 : vector<256x1xf32>
    %eq3A_700 = vector.broadcast %sub3A_699 : vector<256x1xf32> to vector<256x128xf32>
    %eq3A_701 = arith.cmpf oeq, %convert_element_type3A, %eq3A_700 : vector<256x128xf32>
    %convert_element_type3A_702 = arith.extui %eq3A_701 : vector<256x128xi1> to vector<256x128xi32>
    %convert_element_type3A_703 = arith.sitofp %convert_element_type3A_702 : vector<256x128xi32> to vector<256x128xf32>
    %swap3A_704 = arith.constant 0 : index
    %swap3A_705 = arith.constant 1664 : index
    %swap3A_706 = vector.load %arg5[%swap3A_704, %swap3A_705] : memref<256x8192xf32, #tpu.memory_space<vmem>>, vector<256x128xf32>
    tpu.vector_store %arg5[%swap3A_704, %swap3A_705], %convert_element_type3A_703 {strides = array<i32>} : memref<256x8192xf32, #tpu.memory_space<vmem>>, vector<256x128xf32>,
    %get3A_707 = arith.constant 0 : index
    %get3A_708 = arith.constant 1664 : index
    %get3A_709 = vector.load %arg7[%get3A_707, %get3A_708] : memref<1x8192xf32, #tpu.memory_space<vmem>>, vector<1x128xf32>
    %get3A_710 = vector.shape_cast %get3A_709 : vector<1x128xf32> to vector<128xf32>
    %reduce_sum3A_711 = arith.constant dense<0.000000e+00> : vector<128xf32>
    %reduce_sum3A_712 = vector.multi_reduction <add>, %convert_element_type3A_703, %reduce_sum3A_711 [0] : vector<256x128xf32> to vector<128xf32>
    %add3A_713 = arith.addf %get3A_710, %reduce_sum3A_712 : vector<128xf32>
    %swap3A_714 = arith.constant 0 : index
    %swap3A_715 = arith.constant 1664 : index
    %swap3A_716 = vector.load %arg7[%swap3A_714, %swap3A_715] : memref<1x8192xf32, #tpu.memory_space<vmem>>, vector<1x128xf32>
    %swap3A_717 = vector.shape_cast %swap3A_716 : vector<1x128xf32> to vector<128xf32>
    %swap3A_718 = vector.shape_cast %add3A_713 : vector<128xf32> to vector<1x128xf32>
    tpu.vector_store %arg7[%swap3A_714, %swap3A_715], %swap3A_718 {strides = array<i32>} : memref<1x8192xf32, #tpu.memory_space<vmem>>, vector<1x128xf32>,
    %sub3A_719 = arith.constant 1.792000e+03 : f32
    %sub3A_720 = vector.broadcast %sub3A_719 : f32 to vector<256x1xf32>
    %sub3A_721 = arith.subf %broadcast_in_dim3A_411, %sub3A_720 : vector<256x1xf32>
    %eq3A_722 = vector.broadcast %sub3A_721 : vector<256x1xf32> to vector<256x128xf32>
    %eq3A_723 = arith.cmpf oeq, %convert_element_type3A, %eq3A_722 : vector<256x128xf32>
    %convert_element_type3A_724 = arith.extui %eq3A_723 : vector<256x128xi1> to vector<256x128xi32>
    %convert_element_type3A_725 = arith.sitofp %convert_element_type3A_724 : vector<256x128xi32> to vector<256x128xf32>
    %swap3A_726 = arith.constant 0 : index
    %swap3A_727 = arith.constant 1792 : index
    %swap3A_728 = vector.load %arg5[%swap3A_726, %swap3A_727] : memref<256x8192xf32, #tpu.memory_space<vmem>>, vector<256x128xf32>
    tpu.vector_store %arg5[%swap3A_726, %swap3A_727], %convert_element_type3A_725 {strides = array<i32>} : memref<256x8192xf32, #tpu.memory_space<vmem>>, vector<256x128xf32>,
    %get3A_729 = arith.constant 0 : index
    %get3A_730 = arith.constant 1792 : index
    %get3A_731 = vector.load %arg7[%get3A_729, %get3A_730] : memref<1x8192xf32, #tpu.memory_space<vmem>>, vector<1x128xf32>
    %get3A_732 = vector.shape_cast %get3A_731 : vector<1x128xf32> to vector<128xf32>
    %reduce_sum3A_733 = arith.constant dense<0.000000e+00> : vector<128xf32>
    %reduce_sum3A_734 = vector.multi_reduction <add>, %convert_element_type3A_725, %reduce_sum3A_733 [0] : vector<256x128xf32> to vector<128xf32>
    %add3A_735 = arith.addf %get3A_732, %reduce_sum3A_734 : vector<128xf32>
    %swap3A_736 = arith.constant 0 : index
    %swap3A_737 = arith.constant 1792 : index
    %swap3A_738 = vector.load %arg7[%swap3A_736, %swap3A_737] : memref<1x8192xf32, #tpu.memory_space<vmem>>, vector<1x128xf32>
    %swap3A_739 = vector.shape_cast %swap3A_738 : vector<1x128xf32> to vector<128xf32>
    %swap3A_740 = vector.shape_cast %add3A_735 : vector<128xf32> to vector<1x128xf32>
    tpu.vector_store %arg7[%swap3A_736, %swap3A_737], %swap3A_740 {strides = array<i32>} : memref<1x8192xf32, #tpu.memory_space<vmem>>, vector<1x128xf32>,
    %sub3A_741 = arith.constant 1.920000e+03 : f32
    %sub3A_742 = vector.broadcast %sub3A_741 : f32 to vector<256x1xf32>
    %sub3A_743 = arith.subf %broadcast_in_dim3A_411, %sub3A_742 : vector<256x1xf32>
    %eq3A_744 = vector.broadcast %sub3A_743 : vector<256x1xf32> to vector<256x128xf32>
    %eq3A_745 = arith.cmpf oeq, %convert_element_type3A, %eq3A_744 : vector<256x128xf32>
    %convert_element_type3A_746 = arith.extui %eq3A_745 : vector<256x128xi1> to vector<256x128xi32>
    %convert_element_type3A_747 = arith.sitofp %convert_element_type3A_746 : vector<256x128xi32> to vector<256x128xf32>
    %swap3A_748 = arith.constant 0 : index
    %swap3A_749 = arith.constant 1920 : index
    %swap3A_750 = vector.load %arg5[%swap3A_748, %swap3A_749] : memref<256x8192xf32, #tpu.memory_space<vmem>>, vector<256x128xf32>
    tpu.vector_store %arg5[%swap3A_748, %swap3A_749], %convert_element_type3A_747 {strides = array<i32>} : memref<256x8192xf32, #tpu.memory_space<vmem>>, vector<256x128xf32>,
    %get3A_751 = arith.constant 0 : index
    %get3A_752 = arith.constant 1920 : index
    %get3A_753 = vector.load %arg7[%get3A_751, %get3A_752] : memref<1x8192xf32, #tpu.memory_space<vmem>>, vector<1x128xf32>
    %get3A_754 = vector.shape_cast %get3A_753 : vector<1x128xf32> to vector<128xf32>
    %reduce_sum3A_755 = arith.constant dense<0.000000e+00> : vector<128xf32>
    %reduce_sum3A_756 = vector.multi_reduction <add>, %convert_element_type3A_747, %reduce_sum3A_755 [0] : vector<256x128xf32> to vector<128xf32>
    %add3A_757 = arith.addf %get3A_754, %reduce_sum3A_756 : vector<128xf32>
    %swap3A_758 = arith.constant 0 : index
    %swap3A_759 = arith.constant 1920 : index
    %swap3A_760 = vector.load %arg7[%swap3A_758, %swap3A_759] : memref<1x8192xf32, #tpu.memory_space<vmem>>, vector<1x128xf32>
    %swap3A_761 = vector.shape_cast %swap3A_760 : vector<1x128xf32> to vector<128xf32>
    %swap3A_762 = vector.shape_cast %add3A_757 : vector<128xf32> to vector<1x128xf32>
    tpu.vector_store %arg7[%swap3A_758, %swap3A_759], %swap3A_762 {strides = array<i32>} : memref<1x8192xf32, #tpu.memory_space<vmem>>, vector<1x128xf32>,
    %sub3A_763 = arith.constant 2.048000e+03 : f32
    %sub3A_764 = vector.broadcast %sub3A_763 : f32 to vector<256x1xf32>
    %sub3A_765 = arith.subf %broadcast_in_dim3A_411, %sub3A_764 : vector<256x1xf32>
    %eq3A_766 = vector.broadcast %sub3A_765 : vector<256x1xf32> to vector<256x128xf32>
    %eq3A_767 = arith.cmpf oeq, %convert_element_type3A, %eq3A_766 : vector<256x128xf32>
    %convert_element_type3A_768 = arith.extui %eq3A_767 : vector<256x128xi1> to vector<256x128xi32>
    %convert_element_type3A_769 = arith.sitofp %convert_element_type3A_768 : vector<256x128xi32> to vector<256x128xf32>
    %swap3A_770 = arith.constant 0 : index
    %swap3A_771 = arith.constant 2048 : index
    %swap3A_772 = vector.load %arg5[%swap3A_770, %swap3A_771] : memref<256x8192xf32, #tpu.memory_space<vmem>>, vector<256x128xf32>
    tpu.vector_store %arg5[%swap3A_770, %swap3A_771], %convert_element_type3A_769 {strides = array<i32>} : memref<256x8192xf32, #tpu.memory_space<vmem>>, vector<256x128xf32>,
    %get3A_773 = arith.constant 0 : index
    %get3A_774 = arith.constant 2048 : index
    %get3A_775 = vector.load %arg7[%get3A_773, %get3A_774] : memref<1x8192xf32, #tpu.memory_space<vmem>>, vector<1x128xf32>
    %get3A_776 = vector.shape_cast %get3A_775 : vector<1x128xf32> to vector<128xf32>
    %reduce_sum3A_777 = arith.constant dense<0.000000e+00> : vector<128xf32>
    %reduce_sum3A_778 = vector.multi_reduction <add>, %convert_element_type3A_769, %reduce_sum3A_777 [0] : vector<256x128xf32> to vector<128xf32>
    %add3A_779 = arith.addf %get3A_776, %reduce_sum3A_778 : vector<128xf32>
    %swap3A_780 = arith.constant 0 : index
    %swap3A_781 = arith.constant 2048 : index
    %swap3A_782 = vector.load %arg7[%swap3A_780, %swap3A_781] : memref<1x8192xf32, #tpu.memory_space<vmem>>, vector<1x128xf32>
    %swap3A_783 = vector.shape_cast %swap3A_782 : vector<1x128xf32> to vector<128xf32>
    %swap3A_784 = vector.shape_cast %add3A_779 : vector<128xf32> to vector<1x128xf32>
    tpu.vector_store %arg7[%swap3A_780, %swap3A_781], %swap3A_784 {strides = array<i32>} : memref<1x8192xf32, #tpu.memory_space<vmem>>, vector<1x128xf32>,
    %sub3A_785 = arith.constant 2.176000e+03 : f32
    %sub3A_786 = vector.broadcast %sub3A_785 : f32 to vector<256x1xf32>
    %sub3A_787 = arith.subf %broadcast_in_dim3A_411, %sub3A_786 : vector<256x1xf32>
    %eq3A_788 = vector.broadcast %sub3A_787 : vector<256x1xf32> to vector<256x128xf32>
    %eq3A_789 = arith.cmpf oeq, %convert_element_type3A, %eq3A_788 : vector<256x128xf32>
    %convert_element_type3A_790 = arith.extui %eq3A_789 : vector<256x128xi1> to vector<256x128xi32>
    %convert_element_type3A_791 = arith.sitofp %convert_element_type3A_790 : vector<256x128xi32> to vector<256x128xf32>
    %swap3A_792 = arith.constant 0 : index
    %swap3A_793 = arith.constant 2176 : index
    %swap3A_794 = vector.load %arg5[%swap3A_792, %swap3A_793] : memref<256x8192xf32, #tpu.memory_space<vmem>>, vector<256x128xf32>
    tpu.vector_store %arg5[%swap3A_792, %swap3A_793], %convert_element_type3A_791 {strides = array<i32>} : memref<256x8192xf32, #tpu.memory_space<vmem>>, vector<256x128xf32>,
    %get3A_795 = arith.constant 0 : index
    %get3A_796 = arith.constant 2176 : index
    %get3A_797 = vector.load %arg7[%get3A_795, %get3A_796] : memref<1x8192xf32, #tpu.memory_space<vmem>>, vector<1x128xf32>
    %get3A_798 = vector.shape_cast %get3A_797 : vector<1x128xf32> to vector<128xf32>
    %reduce_sum3A_799 = arith.constant dense<0.000000e+00> : vector<128xf32>
    %reduce_sum3A_800 = vector.multi_reduction <add>, %convert_element_type3A_791, %reduce_sum3A_799 [0] : vector<256x128xf32> to vector<128xf32>
    %add3A_801 = arith.addf %get3A_798, %reduce_sum3A_800 : vector<128xf32>
    %swap3A_802 = arith.constant 0 : index
    %swap3A_803 = arith.constant 2176 : index
    %swap3A_804 = vector.load %arg7[%swap3A_802, %swap3A_803] : memref<1x8192xf32, #tpu.memory_space<vmem>>, vector<1x128xf32>
    %swap3A_805 = vector.shape_cast %swap3A_804 : vector<1x128xf32> to vector<128xf32>
    %swap3A_806 = vector.shape_cast %add3A_801 : vector<128xf32> to vector<1x128xf32>
    tpu.vector_store %arg7[%swap3A_802, %swap3A_803], %swap3A_806 {strides = array<i32>} : memref<1x8192xf32, #tpu.memory_space<vmem>>, vector<1x128xf32>,
    %sub3A_807 = arith.constant 2.304000e+03 : f32
    %sub3A_808 = vector.broadcast %sub3A_807 : f32 to vector<256x1xf32>
    %sub3A_809 = arith.subf %broadcast_in_dim3A_411, %sub3A_808 : vector<256x1xf32>
    %eq3A_810 = vector.broadcast %sub3A_809 : vector<256x1xf32> to vector<256x128xf32>
    %eq3A_811 = arith.cmpf oeq, %convert_element_type3A, %eq3A_810 : vector<256x128xf32>
    %convert_element_type3A_812 = arith.extui %eq3A_811 : vector<256x128xi1> to vector<256x128xi32>
    %convert_element_type3A_813 = arith.sitofp %convert_element_type3A_812 : vector<256x128xi32> to vector<256x128xf32>
    %swap3A_814 = arith.constant 0 : index
    %swap3A_815 = arith.constant 2304 : index
    %swap3A_816 = vector.load %arg5[%swap3A_814, %swap3A_815] : memref<256x8192xf32, #tpu.memory_space<vmem>>, vector<256x128xf32>
    tpu.vector_store %arg5[%swap3A_814, %swap3A_815], %convert_element_type3A_813 {strides = array<i32>} : memref<256x8192xf32, #tpu.memory_space<vmem>>, vector<256x128xf32>,
    %get3A_817 = arith.constant 0 : index
    %get3A_818 = arith.constant 2304 : index
    %get3A_819 = vector.load %arg7[%get3A_817, %get3A_818] : memref<1x8192xf32, #tpu.memory_space<vmem>>, vector<1x128xf32>
    %get3A_820 = vector.shape_cast %get3A_819 : vector<1x128xf32> to vector<128xf32>
    %reduce_sum3A_821 = arith.constant dense<0.000000e+00> : vector<128xf32>
    %reduce_sum3A_822 = vector.multi_reduction <add>, %convert_element_type3A_813, %reduce_sum3A_821 [0] : vector<256x128xf32> to vector<128xf32>
    %add3A_823 = arith.addf %get3A_820, %reduce_sum3A_822 : vector<128xf32>
    %swap3A_824 = arith.constant 0 : index
    %swap3A_825 = arith.constant 2304 : index
    %swap3A_826 = vector.load %arg7[%swap3A_824, %swap3A_825] : memref<1x8192xf32, #tpu.memory_space<vmem>>, vector<1x128xf32>
    %swap3A_827 = vector.shape_cast %swap3A_826 : vector<1x128xf32> to vector<128xf32>
    %swap3A_828 = vector.shape_cast %add3A_823 : vector<128xf32> to vector<1x128xf32>
    tpu.vector_store %arg7[%swap3A_824, %swap3A_825], %swap3A_828 {strides = array<i32>} : memref<1x8192xf32, #tpu.memory_space<vmem>>, vector<1x128xf32>,
    %sub3A_829 = arith.constant 2.432000e+03 : f32
    %sub3A_830 = vector.broadcast %sub3A_829 : f32 to vector<256x1xf32>
    %sub3A_831 = arith.subf %broadcast_in_dim3A_411, %sub3A_830 : vector<256x1xf32>
    %eq3A_832 = vector.broadcast %sub3A_831 : vector<256x1xf32> to vector<256x128xf32>
    %eq3A_833 = arith.cmpf oeq, %convert_element_type3A, %eq3A_832 : vector<256x128xf32>
    %convert_element_type3A_834 = arith.extui %eq3A_833 : vector<256x128xi1> to vector<256x128xi32>
    %convert_element_type3A_835 = arith.sitofp %convert_element_type3A_834 : vector<256x128xi32> to vector<256x128xf32>
    %swap3A_836 = arith.constant 0 : index
    %swap3A_837 = arith.constant 2432 : index
    %swap3A_838 = vector.load %arg5[%swap3A_836, %swap3A_837] : memref<256x8192xf32, #tpu.memory_space<vmem>>, vector<256x128xf32>
    tpu.vector_store %arg5[%swap3A_836, %swap3A_837], %convert_element_type3A_835 {strides = array<i32>} : memref<256x8192xf32, #tpu.memory_space<vmem>>, vector<256x128xf32>,
    %get3A_839 = arith.constant 0 : index
    %get3A_840 = arith.constant 2432 : index
    %get3A_841 = vector.load %arg7[%get3A_839, %get3A_840] : memref<1x8192xf32, #tpu.memory_space<vmem>>, vector<1x128xf32>
    %get3A_842 = vector.shape_cast %get3A_841 : vector<1x128xf32> to vector<128xf32>
    %reduce_sum3A_843 = arith.constant dense<0.000000e+00> : vector<128xf32>
    %reduce_sum3A_844 = vector.multi_reduction <add>, %convert_element_type3A_835, %reduce_sum3A_843 [0] : vector<256x128xf32> to vector<128xf32>
    %add3A_845 = arith.addf %get3A_842, %reduce_sum3A_844 : vector<128xf32>
    %swap3A_846 = arith.constant 0 : index
    %swap3A_847 = arith.constant 2432 : index
    %swap3A_848 = vector.load %arg7[%swap3A_846, %swap3A_847] : memref<1x8192xf32, #tpu.memory_space<vmem>>, vector<1x128xf32>
    %swap3A_849 = vector.shape_cast %swap3A_848 : vector<1x128xf32> to vector<128xf32>
    %swap3A_850 = vector.shape_cast %add3A_845 : vector<128xf32> to vector<1x128xf32>
    tpu.vector_store %arg7[%swap3A_846, %swap3A_847], %swap3A_850 {strides = array<i32>} : memref<1x8192xf32, #tpu.memory_space<vmem>>, vector<1x128xf32>,
    %sub3A_851 = arith.constant 2.560000e+03 : f32
    %sub3A_852 = vector.broadcast %sub3A_851 : f32 to vector<256x1xf32>
    %sub3A_853 = arith.subf %broadcast_in_dim3A_411, %sub3A_852 : vector<256x1xf32>
    %eq3A_854 = vector.broadcast %sub3A_853 : vector<256x1xf32> to vector<256x128xf32>
    %eq3A_855 = arith.cmpf oeq, %convert_element_type3A, %eq3A_854 : vector<256x128xf32>
    %convert_element_type3A_856 = arith.extui %eq3A_855 : vector<256x128xi1> to vector<256x128xi32>
    %convert_element_type3A_857 = arith.sitofp %convert_element_type3A_856 : vector<256x128xi32> to vector<256x128xf32>
    %swap3A_858 = arith.constant 0 : index
    %swap3A_859 = arith.constant 2560 : index
    %swap3A_860 = vector.load %arg5[%swap3A_858, %swap3A_859] : memref<256x8192xf32, #tpu.memory_space<vmem>>, vector<256x128xf32>
    tpu.vector_store %arg5[%swap3A_858, %swap3A_859], %convert_element_type3A_857 {strides = array<i32>} : memref<256x8192xf32, #tpu.memory_space<vmem>>, vector<256x128xf32>,
    %get3A_861 = arith.constant 0 : index
    %get3A_862 = arith.constant 2560 : index
    %get3A_863 = vector.load %arg7[%get3A_861, %get3A_862] : memref<1x8192xf32, #tpu.memory_space<vmem>>, vector<1x128xf32>
    %get3A_864 = vector.shape_cast %get3A_863 : vector<1x128xf32> to vector<128xf32>
    %reduce_sum3A_865 = arith.constant dense<0.000000e+00> : vector<128xf32>
    %reduce_sum3A_866 = vector.multi_reduction <add>, %convert_element_type3A_857, %reduce_sum3A_865 [0] : vector<256x128xf32> to vector<128xf32>
    %add3A_867 = arith.addf %get3A_864, %reduce_sum3A_866 : vector<128xf32>
    %swap3A_868 = arith.constant 0 : index
    %swap3A_869 = arith.constant 2560 : index
    %swap3A_870 = vector.load %arg7[%swap3A_868, %swap3A_869] : memref<1x8192xf32, #tpu.memory_space<vmem>>, vector<1x128xf32>
    %swap3A_871 = vector.shape_cast %swap3A_870 : vector<1x128xf32> to vector<128xf32>
    %swap3A_872 = vector.shape_cast %add3A_867 : vector<128xf32> to vector<1x128xf32>
    tpu.vector_store %arg7[%swap3A_868, %swap3A_869], %swap3A_872 {strides = array<i32>} : memref<1x8192xf32, #tpu.memory_space<vmem>>, vector<1x128xf32>,
    %sub3A_873 = arith.constant 2.688000e+03 : f32
    %sub3A_874 = vector.broadcast %sub3A_873 : f32 to vector<256x1xf32>
    %sub3A_875 = arith.subf %broadcast_in_dim3A_411, %sub3A_874 : vector<256x1xf32>
    %eq3A_876 = vector.broadcast %sub3A_875 : vector<256x1xf32> to vector<256x128xf32>
    %eq3A_877 = arith.cmpf oeq, %convert_element_type3A, %eq3A_876 : vector<256x128xf32>
    %convert_element_type3A_878 = arith.extui %eq3A_877 : vector<256x128xi1> to vector<256x128xi32>
    %convert_element_type3A_879 = arith.sitofp %convert_element_type3A_878 : vector<256x128xi32> to vector<256x128xf32>
    %swap3A_880 = arith.constant 0 : index
    %swap3A_881 = arith.constant 2688 : index
    %swap3A_882 = vector.load %arg5[%swap3A_880, %swap3A_881] : memref<256x8192xf32, #tpu.memory_space<vmem>>, vector<256x128xf32>
    tpu.vector_store %arg5[%swap3A_880, %swap3A_881], %convert_element_type3A_879 {strides = array<i32>} : memref<256x8192xf32, #tpu.memory_space<vmem>>, vector<256x128xf32>,
    %get3A_883 = arith.constant 0 : index
    %get3A_884 = arith.constant 2688 : index
    %get3A_885 = vector.load %arg7[%get3A_883, %get3A_884] : memref<1x8192xf32, #tpu.memory_space<vmem>>, vector<1x128xf32>
    %get3A_886 = vector.shape_cast %get3A_885 : vector<1x128xf32> to vector<128xf32>
    %reduce_sum3A_887 = arith.constant dense<0.000000e+00> : vector<128xf32>
    %reduce_sum3A_888 = vector.multi_reduction <add>, %convert_element_type3A_879, %reduce_sum3A_887 [0] : vector<256x128xf32> to vector<128xf32>
    %add3A_889 = arith.addf %get3A_886, %reduce_sum3A_888 : vector<128xf32>
    %swap3A_890 = arith.constant 0 : index
    %swap3A_891 = arith.constant 2688 : index
    %swap3A_892 = vector.load %arg7[%swap3A_890, %swap3A_891] : memref<1x8192xf32, #tpu.memory_space<vmem>>, vector<1x128xf32>
    %swap3A_893 = vector.shape_cast %swap3A_892 : vector<1x128xf32> to vector<128xf32>
    %swap3A_894 = vector.shape_cast %add3A_889 : vector<128xf32> to vector<1x128xf32>
    tpu.vector_store %arg7[%swap3A_890, %swap3A_891], %swap3A_894 {strides = array<i32>} : memref<1x8192xf32, #tpu.memory_space<vmem>>, vector<1x128xf32>,
    %sub3A_895 = arith.constant 2.816000e+03 : f32
    %sub3A_896 = vector.broadcast %sub3A_895 : f32 to vector<256x1xf32>
    %sub3A_897 = arith.subf %broadcast_in_dim3A_411, %sub3A_896 : vector<256x1xf32>
    %eq3A_898 = vector.broadcast %sub3A_897 : vector<256x1xf32> to vector<256x128xf32>
    %eq3A_899 = arith.cmpf oeq, %convert_element_type3A, %eq3A_898 : vector<256x128xf32>
    %convert_element_type3A_900 = arith.extui %eq3A_899 : vector<256x128xi1> to vector<256x128xi32>
    %convert_element_type3A_901 = arith.sitofp %convert_element_type3A_900 : vector<256x128xi32> to vector<256x128xf32>
    %swap3A_902 = arith.constant 0 : index
    %swap3A_903 = arith.constant 2816 : index
    %swap3A_904 = vector.load %arg5[%swap3A_902, %swap3A_903] : memref<256x8192xf32, #tpu.memory_space<vmem>>, vector<256x128xf32>
    tpu.vector_store %arg5[%swap3A_902, %swap3A_903], %convert_element_type3A_901 {strides = array<i32>} : memref<256x8192xf32, #tpu.memory_space<vmem>>, vector<256x128xf32>,
    %get3A_905 = arith.constant 0 : index
    %get3A_906 = arith.constant 2816 : index
    %get3A_907 = vector.load %arg7[%get3A_905, %get3A_906] : memref<1x8192xf32, #tpu.memory_space<vmem>>, vector<1x128xf32>
    %get3A_908 = vector.shape_cast %get3A_907 : vector<1x128xf32> to vector<128xf32>
    %reduce_sum3A_909 = arith.constant dense<0.000000e+00> : vector<128xf32>
    %reduce_sum3A_910 = vector.multi_reduction <add>, %convert_element_type3A_901, %reduce_sum3A_909 [0] : vector<256x128xf32> to vector<128xf32>
    %add3A_911 = arith.addf %get3A_908, %reduce_sum3A_910 : vector<128xf32>
    %swap3A_912 = arith.constant 0 : index
    %swap3A_913 = arith.constant 2816 : index
    %swap3A_914 = vector.load %arg7[%swap3A_912, %swap3A_913] : memref<1x8192xf32, #tpu.memory_space<vmem>>, vector<1x128xf32>
    %swap3A_915 = vector.shape_cast %swap3A_914 : vector<1x128xf32> to vector<128xf32>
    %swap3A_916 = vector.shape_cast %add3A_911 : vector<128xf32> to vector<1x128xf32>
    tpu.vector_store %arg7[%swap3A_912, %swap3A_913], %swap3A_916 {strides = array<i32>} : memref<1x8192xf32, #tpu.memory_space<vmem>>, vector<1x128xf32>,
    %sub3A_917 = arith.constant 2.944000e+03 : f32
    %sub3A_918 = vector.broadcast %sub3A_917 : f32 to vector<256x1xf32>
    %sub3A_919 = arith.subf %broadcast_in_dim3A_411, %sub3A_918 : vector<256x1xf32>
    %eq3A_920 = vector.broadcast %sub3A_919 : vector<256x1xf32> to vector<256x128xf32>
    %eq3A_921 = arith.cmpf oeq, %convert_element_type3A, %eq3A_920 : vector<256x128xf32>
    %convert_element_type3A_922 = arith.extui %eq3A_921 : vector<256x128xi1> to vector<256x128xi32>
    %convert_element_type3A_923 = arith.sitofp %convert_element_type3A_922 : vector<256x128xi32> to vector<256x128xf32>
    %swap3A_924 = arith.constant 0 : index
    %swap3A_925 = arith.constant 2944 : index
    %swap3A_926 = vector.load %arg5[%swap3A_924, %swap3A_925] : memref<256x8192xf32, #tpu.memory_space<vmem>>, vector<256x128xf32>
    tpu.vector_store %arg5[%swap3A_924, %swap3A_925], %convert_element_type3A_923 {strides = array<i32>} : memref<256x8192xf32, #tpu.memory_space<vmem>>, vector<256x128xf32>,
    %get3A_927 = arith.constant 0 : index
    %get3A_928 = arith.constant 2944 : index
    %get3A_929 = vector.load %arg7[%get3A_927, %get3A_928] : memref<1x8192xf32, #tpu.memory_space<vmem>>, vector<1x128xf32>
    %get3A_930 = vector.shape_cast %get3A_929 : vector<1x128xf32> to vector<128xf32>
    %reduce_sum3A_931 = arith.constant dense<0.000000e+00> : vector<128xf32>
    %reduce_sum3A_932 = vector.multi_reduction <add>, %convert_element_type3A_923, %reduce_sum3A_931 [0] : vector<256x128xf32> to vector<128xf32>
    %add3A_933 = arith.addf %get3A_930, %reduce_sum3A_932 : vector<128xf32>
    %swap3A_934 = arith.constant 0 : index
    %swap3A_935 = arith.constant 2944 : index
    %swap3A_936 = vector.load %arg7[%swap3A_934, %swap3A_935] : memref<1x8192xf32, #tpu.memory_space<vmem>>, vector<1x128xf32>
    %swap3A_937 = vector.shape_cast %swap3A_936 : vector<1x128xf32> to vector<128xf32>
    %swap3A_938 = vector.shape_cast %add3A_933 : vector<128xf32> to vector<1x128xf32>
    tpu.vector_store %arg7[%swap3A_934, %swap3A_935], %swap3A_938 {strides = array<i32>} : memref<1x8192xf32, #tpu.memory_space<vmem>>, vector<1x128xf32>,
    %sub3A_939 = arith.constant 3.072000e+03 : f32
    %sub3A_940 = vector.broadcast %sub3A_939 : f32 to vector<256x1xf32>
    %sub3A_941 = arith.subf %broadcast_in_dim3A_411, %sub3A_940 : vector<256x1xf32>
    %eq3A_942 = vector.broadcast %sub3A_941 : vector<256x1xf32> to vector<256x128xf32>
    %eq3A_943 = arith.cmpf oeq, %convert_element_type3A, %eq3A_942 : vector<256x128xf32>
    %convert_element_type3A_944 = arith.extui %eq3A_943 : vector<256x128xi1> to vector<256x128xi32>
    %convert_element_type3A_945 = arith.sitofp %convert_element_type3A_944 : vector<256x128xi32> to vector<256x128xf32>
    %swap3A_946 = arith.constant 0 : index
    %swap3A_947 = arith.constant 3072 : index
    %swap3A_948 = vector.load %arg5[%swap3A_946, %swap3A_947] : memref<256x8192xf32, #tpu.memory_space<vmem>>, vector<256x128xf32>
    tpu.vector_store %arg5[%swap3A_946, %swap3A_947], %convert_element_type3A_945 {strides = array<i32>} : memref<256x8192xf32, #tpu.memory_space<vmem>>, vector<256x128xf32>,
    %get3A_949 = arith.constant 0 : index
    %get3A_950 = arith.constant 3072 : index
    %get3A_951 = vector.load %arg7[%get3A_949, %get3A_950] : memref<1x8192xf32, #tpu.memory_space<vmem>>, vector<1x128xf32>
    %get3A_952 = vector.shape_cast %get3A_951 : vector<1x128xf32> to vector<128xf32>
    %reduce_sum3A_953 = arith.constant dense<0.000000e+00> : vector<128xf32>
    %reduce_sum3A_954 = vector.multi_reduction <add>, %convert_element_type3A_945, %reduce_sum3A_953 [0] : vector<256x128xf32> to vector<128xf32>
    %add3A_955 = arith.addf %get3A_952, %reduce_sum3A_954 : vector<128xf32>
    %swap3A_956 = arith.constant 0 : index
    %swap3A_957 = arith.constant 3072 : index
    %swap3A_958 = vector.load %arg7[%swap3A_956, %swap3A_957] : memref<1x8192xf32, #tpu.memory_space<vmem>>, vector<1x128xf32>
    %swap3A_959 = vector.shape_cast %swap3A_958 : vector<1x128xf32> to vector<128xf32>
    %swap3A_960 = vector.shape_cast %add3A_955 : vector<128xf32> to vector<1x128xf32>
    tpu.vector_store %arg7[%swap3A_956, %swap3A_957], %swap3A_960 {strides = array<i32>} : memref<1x8192xf32, #tpu.memory_space<vmem>>, vector<1x128xf32>,
    %sub3A_961 = arith.constant 3.200000e+03 : f32
    %sub3A_962 = vector.broadcast %sub3A_961 : f32 to vector<256x1xf32>
    %sub3A_963 = arith.subf %broadcast_in_dim3A_411, %sub3A_962 : vector<256x1xf32>
    %eq3A_964 = vector.broadcast %sub3A_963 : vector<256x1xf32> to vector<256x128xf32>
    %eq3A_965 = arith.cmpf oeq, %convert_element_type3A, %eq3A_964 : vector<256x128xf32>
    %convert_element_type3A_966 = arith.extui %eq3A_965 : vector<256x128xi1> to vector<256x128xi32>
    %convert_element_type3A_967 = arith.sitofp %convert_element_type3A_966 : vector<256x128xi32> to vector<256x128xf32>
    %swap3A_968 = arith.constant 0 : index
    %swap3A_969 = arith.constant 3200 : index
    %swap3A_970 = vector.load %arg5[%swap3A_968, %swap3A_969] : memref<256x8192xf32, #tpu.memory_space<vmem>>, vector<256x128xf32>
    tpu.vector_store %arg5[%swap3A_968, %swap3A_969], %convert_element_type3A_967 {strides = array<i32>} : memref<256x8192xf32, #tpu.memory_space<vmem>>, vector<256x128xf32>,
    %get3A_971 = arith.constant 0 : index
    %get3A_972 = arith.constant 3200 : index
    %get3A_973 = vector.load %arg7[%get3A_971, %get3A_972] : memref<1x8192xf32, #tpu.memory_space<vmem>>, vector<1x128xf32>
    %get3A_974 = vector.shape_cast %get3A_973 : vector<1x128xf32> to vector<128xf32>
    %reduce_sum3A_975 = arith.constant dense<0.000000e+00> : vector<128xf32>
    %reduce_sum3A_976 = vector.multi_reduction <add>, %convert_element_type3A_967, %reduce_sum3A_975 [0] : vector<256x128xf32> to vector<128xf32>
    %add3A_977 = arith.addf %get3A_974, %reduce_sum3A_976 : vector<128xf32>
    %swap3A_978 = arith.constant 0 : index
    %swap3A_979 = arith.constant 3200 : index
    %swap3A_980 = vector.load %arg7[%swap3A_978, %swap3A_979] : memref<1x8192xf32, #tpu.memory_space<vmem>>, vector<1x128xf32>
    %swap3A_981 = vector.shape_cast %swap3A_980 : vector<1x128xf32> to vector<128xf32>
    %swap3A_982 = vector.shape_cast %add3A_977 : vector<128xf32> to vector<1x128xf32>
    tpu.vector_store %arg7[%swap3A_978, %swap3A_979], %swap3A_982 {strides = array<i32>} : memref<1x8192xf32, #tpu.memory_space<vmem>>, vector<1x128xf32>,
    %sub3A_983 = arith.constant 3.328000e+03 : f32
    %sub3A_984 = vector.broadcast %sub3A_983 : f32 to vector<256x1xf32>
    %sub3A_985 = arith.subf %broadcast_in_dim3A_411, %sub3A_984 : vector<256x1xf32>
    %eq3A_986 = vector.broadcast %sub3A_985 : vector<256x1xf32> to vector<256x128xf32>
    %eq3A_987 = arith.cmpf oeq, %convert_element_type3A, %eq3A_986 : vector<256x128xf32>
    %convert_element_type3A_988 = arith.extui %eq3A_987 : vector<256x128xi1> to vector<256x128xi32>
    %convert_element_type3A_989 = arith.sitofp %convert_element_type3A_988 : vector<256x128xi32> to vector<256x128xf32>
    %swap3A_990 = arith.constant 0 : index
    %swap3A_991 = arith.constant 3328 : index
    %swap3A_992 = vector.load %arg5[%swap3A_990, %swap3A_991] : memref<256x8192xf32, #tpu.memory_space<vmem>>, vector<256x128xf32>
    tpu.vector_store %arg5[%swap3A_990, %swap3A_991], %convert_element_type3A_989 {strides = array<i32>} : memref<256x8192xf32, #tpu.memory_space<vmem>>, vector<256x128xf32>,
    %get3A_993 = arith.constant 0 : index
    %get3A_994 = arith.constant 3328 : index
    %get3A_995 = vector.load %arg7[%get3A_993, %get3A_994] : memref<1x8192xf32, #tpu.memory_space<vmem>>, vector<1x128xf32>
    %get3A_996 = vector.shape_cast %get3A_995 : vector<1x128xf32> to vector<128xf32>
    %reduce_sum3A_997 = arith.constant dense<0.000000e+00> : vector<128xf32>
    %reduce_sum3A_998 = vector.multi_reduction <add>, %convert_element_type3A_989, %reduce_sum3A_997 [0] : vector<256x128xf32> to vector<128xf32>
    %add3A_999 = arith.addf %get3A_996, %reduce_sum3A_998 : vector<128xf32>
    %swap3A_1000 = arith.constant 0 : index
    %swap3A_1001 = arith.constant 3328 : index
    %swap3A_1002 = vector.load %arg7[%swap3A_1000, %swap3A_1001] : memref<1x8192xf32, #tpu.memory_space<vmem>>, vector<1x128xf32>
    %swap3A_1003 = vector.shape_cast %swap3A_1002 : vector<1x128xf32> to vector<128xf32>
    %swap3A_1004 = vector.shape_cast %add3A_999 : vector<128xf32> to vector<1x128xf32>
    tpu.vector_store %arg7[%swap3A_1000, %swap3A_1001], %swap3A_1004 {strides = array<i32>} : memref<1x8192xf32, #tpu.memory_space<vmem>>, vector<1x128xf32>,
    %sub3A_1005 = arith.constant 3.456000e+03 : f32
    %sub3A_1006 = vector.broadcast %sub3A_1005 : f32 to vector<256x1xf32>
    %sub3A_1007 = arith.subf %broadcast_in_dim3A_411, %sub3A_1006 : vector<256x1xf32>
    %eq3A_1008 = vector.broadcast %sub3A_1007 : vector<256x1xf32> to vector<256x128xf32>
    %eq3A_1009 = arith.cmpf oeq, %convert_element_type3A, %eq3A_1008 : vector<256x128xf32>
    %convert_element_type3A_1010 = arith.extui %eq3A_1009 : vector<256x128xi1> to vector<256x128xi32>
    %convert_element_type3A_1011 = arith.sitofp %convert_element_type3A_1010 : vector<256x128xi32> to vector<256x128xf32>
    %swap3A_1012 = arith.constant 0 : index
    %swap3A_1013 = arith.constant 3456 : index
    %swap3A_1014 = vector.load %arg5[%swap3A_1012, %swap3A_1013] : memref<256x8192xf32, #tpu.memory_space<vmem>>, vector<256x128xf32>
    tpu.vector_store %arg5[%swap3A_1012, %swap3A_1013], %convert_element_type3A_1011 {strides = array<i32>} : memref<256x8192xf32, #tpu.memory_space<vmem>>, vector<256x128xf32>,
    %get3A_1015 = arith.constant 0 : index
    %get3A_1016 = arith.constant 3456 : index
    %get3A_1017 = vector.load %arg7[%get3A_1015, %get3A_1016] : memref<1x8192xf32, #tpu.memory_space<vmem>>, vector<1x128xf32>
    %get3A_1018 = vector.shape_cast %get3A_1017 : vector<1x128xf32> to vector<128xf32>
    %reduce_sum3A_1019 = arith.constant dense<0.000000e+00> : vector<128xf32>
    %reduce_sum3A_1020 = vector.multi_reduction <add>, %convert_element_type3A_1011, %reduce_sum3A_1019 [0] : vector<256x128xf32> to vector<128xf32>
    %add3A_1021 = arith.addf %get3A_1018, %reduce_sum3A_1020 : vector<128xf32>
    %swap3A_1022 = arith.constant 0 : index
    %swap3A_1023 = arith.constant 3456 : index
    %swap3A_1024 = vector.load %arg7[%swap3A_1022, %swap3A_1023] : memref<1x8192xf32, #tpu.memory_space<vmem>>, vector<1x128xf32>
    %swap3A_1025 = vector.shape_cast %swap3A_1024 : vector<1x128xf32> to vector<128xf32>
    %swap3A_1026 = vector.shape_cast %add3A_1021 : vector<128xf32> to vector<1x128xf32>
    tpu.vector_store %arg7[%swap3A_1022, %swap3A_1023], %swap3A_1026 {strides = array<i32>} : memref<1x8192xf32, #tpu.memory_space<vmem>>, vector<1x128xf32>,
    %sub3A_1027 = arith.constant 3.584000e+03 : f32
    %sub3A_1028 = vector.broadcast %sub3A_1027 : f32 to vector<256x1xf32>
    %sub3A_1029 = arith.subf %broadcast_in_dim3A_411, %sub3A_1028 : vector<256x1xf32>
    %eq3A_1030 = vector.broadcast %sub3A_1029 : vector<256x1xf32> to vector<256x128xf32>
    %eq3A_1031 = arith.cmpf oeq, %convert_element_type3A, %eq3A_1030 : vector<256x128xf32>
    %convert_element_type3A_1032 = arith.extui %eq3A_1031 : vector<256x128xi1> to vector<256x128xi32>
    %convert_element_type3A_1033 = arith.sitofp %convert_element_type3A_1032 : vector<256x128xi32> to vector<256x128xf32>
    %swap3A_1034 = arith.constant 0 : index
    %swap3A_1035 = arith.constant 3584 : index
    %swap3A_1036 = vector.load %arg5[%swap3A_1034, %swap3A_1035] : memref<256x8192xf32, #tpu.memory_space<vmem>>, vector<256x128xf32>
    tpu.vector_store %arg5[%swap3A_1034, %swap3A_1035], %convert_element_type3A_1033 {strides = array<i32>} : memref<256x8192xf32, #tpu.memory_space<vmem>>, vector<256x128xf32>,
    %get3A_1037 = arith.constant 0 : index
    %get3A_1038 = arith.constant 3584 : index
    %get3A_1039 = vector.load %arg7[%get3A_1037, %get3A_1038] : memref<1x8192xf32, #tpu.memory_space<vmem>>, vector<1x128xf32>
    %get3A_1040 = vector.shape_cast %get3A_1039 : vector<1x128xf32> to vector<128xf32>
    %reduce_sum3A_1041 = arith.constant dense<0.000000e+00> : vector<128xf32>
    %reduce_sum3A_1042 = vector.multi_reduction <add>, %convert_element_type3A_1033, %reduce_sum3A_1041 [0] : vector<256x128xf32> to vector<128xf32>
    %add3A_1043 = arith.addf %get3A_1040, %reduce_sum3A_1042 : vector<128xf32>
    %swap3A_1044 = arith.constant 0 : index
    %swap3A_1045 = arith.constant 3584 : index
    %swap3A_1046 = vector.load %arg7[%swap3A_1044, %swap3A_1045] : memref<1x8192xf32, #tpu.memory_space<vmem>>, vector<1x128xf32>
    %swap3A_1047 = vector.shape_cast %swap3A_1046 : vector<1x128xf32> to vector<128xf32>
    %swap3A_1048 = vector.shape_cast %add3A_1043 : vector<128xf32> to vector<1x128xf32>
    tpu.vector_store %arg7[%swap3A_1044, %swap3A_1045], %swap3A_1048 {strides = array<i32>} : memref<1x8192xf32, #tpu.memory_space<vmem>>, vector<1x128xf32>,
    %sub3A_1049 = arith.constant 3.712000e+03 : f32
    %sub3A_1050 = vector.broadcast %sub3A_1049 : f32 to vector<256x1xf32>
    %sub3A_1051 = arith.subf %broadcast_in_dim3A_411, %sub3A_1050 : vector<256x1xf32>
    %eq3A_1052 = vector.broadcast %sub3A_1051 : vector<256x1xf32> to vector<256x128xf32>
    %eq3A_1053 = arith.cmpf oeq, %convert_element_type3A, %eq3A_1052 : vector<256x128xf32>
    %convert_element_type3A_1054 = arith.extui %eq3A_1053 : vector<256x128xi1> to vector<256x128xi32>
    %convert_element_type3A_1055 = arith.sitofp %convert_element_type3A_1054 : vector<256x128xi32> to vector<256x128xf32>
    %swap3A_1056 = arith.constant 0 : index
    %swap3A_1057 = arith.constant 3712 : index
    %swap3A_1058 = vector.load %arg5[%swap3A_1056, %swap3A_1057] : memref<256x8192xf32, #tpu.memory_space<vmem>>, vector<256x128xf32>
    tpu.vector_store %arg5[%swap3A_1056, %swap3A_1057], %convert_element_type3A_1055 {strides = array<i32>} : memref<256x8192xf32, #tpu.memory_space<vmem>>, vector<256x128xf32>,
    %get3A_1059 = arith.constant 0 : index
    %get3A_1060 = arith.constant 3712 : index
    %get3A_1061 = vector.load %arg7[%get3A_1059, %get3A_1060] : memref<1x8192xf32, #tpu.memory_space<vmem>>, vector<1x128xf32>
    %get3A_1062 = vector.shape_cast %get3A_1061 : vector<1x128xf32> to vector<128xf32>
    %reduce_sum3A_1063 = arith.constant dense<0.000000e+00> : vector<128xf32>
    %reduce_sum3A_1064 = vector.multi_reduction <add>, %convert_element_type3A_1055, %reduce_sum3A_1063 [0] : vector<256x128xf32> to vector<128xf32>
    %add3A_1065 = arith.addf %get3A_1062, %reduce_sum3A_1064 : vector<128xf32>
    %swap3A_1066 = arith.constant 0 : index
    %swap3A_1067 = arith.constant 3712 : index
    %swap3A_1068 = vector.load %arg7[%swap3A_1066, %swap3A_1067] : memref<1x8192xf32, #tpu.memory_space<vmem>>, vector<1x128xf32>
    %swap3A_1069 = vector.shape_cast %swap3A_1068 : vector<1x128xf32> to vector<128xf32>
    %swap3A_1070 = vector.shape_cast %add3A_1065 : vector<128xf32> to vector<1x128xf32>
    tpu.vector_store %arg7[%swap3A_1066, %swap3A_1067], %swap3A_1070 {strides = array<i32>} : memref<1x8192xf32, #tpu.memory_space<vmem>>, vector<1x128xf32>,
    %sub3A_1071 = arith.constant 3.840000e+03 : f32
    %sub3A_1072 = vector.broadcast %sub3A_1071 : f32 to vector<256x1xf32>
    %sub3A_1073 = arith.subf %broadcast_in_dim3A_411, %sub3A_1072 : vector<256x1xf32>
    %eq3A_1074 = vector.broadcast %sub3A_1073 : vector<256x1xf32> to vector<256x128xf32>
    %eq3A_1075 = arith.cmpf oeq, %convert_element_type3A, %eq3A_1074 : vector<256x128xf32>
    %convert_element_type3A_1076 = arith.extui %eq3A_1075 : vector<256x128xi1> to vector<256x128xi32>
    %convert_element_type3A_1077 = arith.sitofp %convert_element_type3A_1076 : vector<256x128xi32> to vector<256x128xf32>
    %swap3A_1078 = arith.constant 0 : index
    %swap3A_1079 = arith.constant 3840 : index
    %swap3A_1080 = vector.load %arg5[%swap3A_1078, %swap3A_1079] : memref<256x8192xf32, #tpu.memory_space<vmem>>, vector<256x128xf32>
    tpu.vector_store %arg5[%swap3A_1078, %swap3A_1079], %convert_element_type3A_1077 {strides = array<i32>} : memref<256x8192xf32, #tpu.memory_space<vmem>>, vector<256x128xf32>,
    %get3A_1081 = arith.constant 0 : index
    %get3A_1082 = arith.constant 3840 : index
    %get3A_1083 = vector.load %arg7[%get3A_1081, %get3A_1082] : memref<1x8192xf32, #tpu.memory_space<vmem>>, vector<1x128xf32>
    %get3A_1084 = vector.shape_cast %get3A_1083 : vector<1x128xf32> to vector<128xf32>
    %reduce_sum3A_1085 = arith.constant dense<0.000000e+00> : vector<128xf32>
    %reduce_sum3A_1086 = vector.multi_reduction <add>, %convert_element_type3A_1077, %reduce_sum3A_1085 [0] : vector<256x128xf32> to vector<128xf32>
    %add3A_1087 = arith.addf %get3A_1084, %reduce_sum3A_1086 : vector<128xf32>
    %swap3A_1088 = arith.constant 0 : index
    %swap3A_1089 = arith.constant 3840 : index
    %swap3A_1090 = vector.load %arg7[%swap3A_1088, %swap3A_1089] : memref<1x8192xf32, #tpu.memory_space<vmem>>, vector<1x128xf32>
    %swap3A_1091 = vector.shape_cast %swap3A_1090 : vector<1x128xf32> to vector<128xf32>
    %swap3A_1092 = vector.shape_cast %add3A_1087 : vector<128xf32> to vector<1x128xf32>
    tpu.vector_store %arg7[%swap3A_1088, %swap3A_1089], %swap3A_1092 {strides = array<i32>} : memref<1x8192xf32, #tpu.memory_space<vmem>>, vector<1x128xf32>,
    %sub3A_1093 = arith.constant 3.968000e+03 : f32
    %sub3A_1094 = vector.broadcast %sub3A_1093 : f32 to vector<256x1xf32>
    %sub3A_1095 = arith.subf %broadcast_in_dim3A_411, %sub3A_1094 : vector<256x1xf32>
    %eq3A_1096 = vector.broadcast %sub3A_1095 : vector<256x1xf32> to vector<256x128xf32>
    %eq3A_1097 = arith.cmpf oeq, %convert_element_type3A, %eq3A_1096 : vector<256x128xf32>
    %convert_element_type3A_1098 = arith.extui %eq3A_1097 : vector<256x128xi1> to vector<256x128xi32>
    %convert_element_type3A_1099 = arith.sitofp %convert_element_type3A_1098 : vector<256x128xi32> to vector<256x128xf32>
    %swap3A_1100 = arith.constant 0 : index
    %swap3A_1101 = arith.constant 3968 : index
    %swap3A_1102 = vector.load %arg5[%swap3A_1100, %swap3A_1101] : memref<256x8192xf32, #tpu.memory_space<vmem>>, vector<256x128xf32>
    tpu.vector_store %arg5[%swap3A_1100, %swap3A_1101], %convert_element_type3A_1099 {strides = array<i32>} : memref<256x8192xf32, #tpu.memory_space<vmem>>, vector<256x128xf32>,
    %get3A_1103 = arith.constant 0 : index
    %get3A_1104 = arith.constant 3968 : index
    %get3A_1105 = vector.load %arg7[%get3A_1103, %get3A_1104] : memref<1x8192xf32, #tpu.memory_space<vmem>>, vector<1x128xf32>
    %get3A_1106 = vector.shape_cast %get3A_1105 : vector<1x128xf32> to vector<128xf32>
    %reduce_sum3A_1107 = arith.constant dense<0.000000e+00> : vector<128xf32>
    %reduce_sum3A_1108 = vector.multi_reduction <add>, %convert_element_type3A_1099, %reduce_sum3A_1107 [0] : vector<256x128xf32> to vector<128xf32>
    %add3A_1109 = arith.addf %get3A_1106, %reduce_sum3A_1108 : vector<128xf32>
    %swap3A_1110 = arith.constant 0 : index
    %swap3A_1111 = arith.constant 3968 : index
    %swap3A_1112 = vector.load %arg7[%swap3A_1110, %swap3A_1111] : memref<1x8192xf32, #tpu.memory_space<vmem>>, vector<1x128xf32>
    %swap3A_1113 = vector.shape_cast %swap3A_1112 : vector<1x128xf32> to vector<128xf32>
    %swap3A_1114 = vector.shape_cast %add3A_1109 : vector<128xf32> to vector<1x128xf32>
    tpu.vector_store %arg7[%swap3A_1110, %swap3A_1111], %swap3A_1114 {strides = array<i32>} : memref<1x8192xf32, #tpu.memory_space<vmem>>, vector<1x128xf32>,
    %sub3A_1115 = arith.constant 4.096000e+03 : f32
    %sub3A_1116 = vector.broadcast %sub3A_1115 : f32 to vector<256x1xf32>
    %sub3A_1117 = arith.subf %broadcast_in_dim3A_411, %sub3A_1116 : vector<256x1xf32>
    %eq3A_1118 = vector.broadcast %sub3A_1117 : vector<256x1xf32> to vector<256x128xf32>
    %eq3A_1119 = arith.cmpf oeq, %convert_element_type3A, %eq3A_1118 : vector<256x128xf32>
    %convert_element_type3A_1120 = arith.extui %eq3A_1119 : vector<256x128xi1> to vector<256x128xi32>
    %convert_element_type3A_1121 = arith.sitofp %convert_element_type3A_1120 : vector<256x128xi32> to vector<256x128xf32>
    %swap3A_1122 = arith.constant 0 : index
    %swap3A_1123 = arith.constant 4096 : index
    %swap3A_1124 = vector.load %arg5[%swap3A_1122, %swap3A_1123] : memref<256x8192xf32, #tpu.memory_space<vmem>>, vector<256x128xf32>
    tpu.vector_store %arg5[%swap3A_1122, %swap3A_1123], %convert_element_type3A_1121 {strides = array<i32>} : memref<256x8192xf32, #tpu.memory_space<vmem>>, vector<256x128xf32>,
    %get3A_1125 = arith.constant 0 : index
    %get3A_1126 = arith.constant 4096 : index
    %get3A_1127 = vector.load %arg7[%get3A_1125, %get3A_1126] : memref<1x8192xf32, #tpu.memory_space<vmem>>, vector<1x128xf32>
    %get3A_1128 = vector.shape_cast %get3A_1127 : vector<1x128xf32> to vector<128xf32>
    %reduce_sum3A_1129 = arith.constant dense<0.000000e+00> : vector<128xf32>
    %reduce_sum3A_1130 = vector.multi_reduction <add>, %convert_element_type3A_1121, %reduce_sum3A_1129 [0] : vector<256x128xf32> to vector<128xf32>
    %add3A_1131 = arith.addf %get3A_1128, %reduce_sum3A_1130 : vector<128xf32>
    %swap3A_1132 = arith.constant 0 : index
    %swap3A_1133 = arith.constant 4096 : index
    %swap3A_1134 = vector.load %arg7[%swap3A_1132, %swap3A_1133] : memref<1x8192xf32, #tpu.memory_space<vmem>>, vector<1x128xf32>
    %swap3A_1135 = vector.shape_cast %swap3A_1134 : vector<1x128xf32> to vector<128xf32>
    %swap3A_1136 = vector.shape_cast %add3A_1131 : vector<128xf32> to vector<1x128xf32>
    tpu.vector_store %arg7[%swap3A_1132, %swap3A_1133], %swap3A_1136 {strides = array<i32>} : memref<1x8192xf32, #tpu.memory_space<vmem>>, vector<1x128xf32>,
    %sub3A_1137 = arith.constant 4.224000e+03 : f32
    %sub3A_1138 = vector.broadcast %sub3A_1137 : f32 to vector<256x1xf32>
    %sub3A_1139 = arith.subf %broadcast_in_dim3A_411, %sub3A_1138 : vector<256x1xf32>
    %eq3A_1140 = vector.broadcast %sub3A_1139 : vector<256x1xf32> to vector<256x128xf32>
    %eq3A_1141 = arith.cmpf oeq, %convert_element_type3A, %eq3A_1140 : vector<256x128xf32>
    %convert_element_type3A_1142 = arith.extui %eq3A_1141 : vector<256x128xi1> to vector<256x128xi32>
    %convert_element_type3A_1143 = arith.sitofp %convert_element_type3A_1142 : vector<256x128xi32> to vector<256x128xf32>
    %swap3A_1144 = arith.constant 0 : index
    %swap3A_1145 = arith.constant 4224 : index
    %swap3A_1146 = vector.load %arg5[%swap3A_1144, %swap3A_1145] : memref<256x8192xf32, #tpu.memory_space<vmem>>, vector<256x128xf32>
    tpu.vector_store %arg5[%swap3A_1144, %swap3A_1145], %convert_element_type3A_1143 {strides = array<i32>} : memref<256x8192xf32, #tpu.memory_space<vmem>>, vector<256x128xf32>,
    %get3A_1147 = arith.constant 0 : index
    %get3A_1148 = arith.constant 4224 : index
    %get3A_1149 = vector.load %arg7[%get3A_1147, %get3A_1148] : memref<1x8192xf32, #tpu.memory_space<vmem>>, vector<1x128xf32>
    %get3A_1150 = vector.shape_cast %get3A_1149 : vector<1x128xf32> to vector<128xf32>
    %reduce_sum3A_1151 = arith.constant dense<0.000000e+00> : vector<128xf32>
    %reduce_sum3A_1152 = vector.multi_reduction <add>, %convert_element_type3A_1143, %reduce_sum3A_1151 [0] : vector<256x128xf32> to vector<128xf32>
    %add3A_1153 = arith.addf %get3A_1150, %reduce_sum3A_1152 : vector<128xf32>
    %swap3A_1154 = arith.constant 0 : index
    %swap3A_1155 = arith.constant 4224 : index
    %swap3A_1156 = vector.load %arg7[%swap3A_1154, %swap3A_1155] : memref<1x8192xf32, #tpu.memory_space<vmem>>, vector<1x128xf32>
    %swap3A_1157 = vector.shape_cast %swap3A_1156 : vector<1x128xf32> to vector<128xf32>
    %swap3A_1158 = vector.shape_cast %add3A_1153 : vector<128xf32> to vector<1x128xf32>
    tpu.vector_store %arg7[%swap3A_1154, %swap3A_1155], %swap3A_1158 {strides = array<i32>} : memref<1x8192xf32, #tpu.memory_space<vmem>>, vector<1x128xf32>,
    %sub3A_1159 = arith.constant 4.352000e+03 : f32
    %sub3A_1160 = vector.broadcast %sub3A_1159 : f32 to vector<256x1xf32>
    %sub3A_1161 = arith.subf %broadcast_in_dim3A_411, %sub3A_1160 : vector<256x1xf32>
    %eq3A_1162 = vector.broadcast %sub3A_1161 : vector<256x1xf32> to vector<256x128xf32>
    %eq3A_1163 = arith.cmpf oeq, %convert_element_type3A, %eq3A_1162 : vector<256x128xf32>
    %convert_element_type3A_1164 = arith.extui %eq3A_1163 : vector<256x128xi1> to vector<256x128xi32>
    %convert_element_type3A_1165 = arith.sitofp %convert_element_type3A_1164 : vector<256x128xi32> to vector<256x128xf32>
    %swap3A_1166 = arith.constant 0 : index
    %swap3A_1167 = arith.constant 4352 : index
    %swap3A_1168 = vector.load %arg5[%swap3A_1166, %swap3A_1167] : memref<256x8192xf32, #tpu.memory_space<vmem>>, vector<256x128xf32>
    tpu.vector_store %arg5[%swap3A_1166, %swap3A_1167], %convert_element_type3A_1165 {strides = array<i32>} : memref<256x8192xf32, #tpu.memory_space<vmem>>, vector<256x128xf32>,
    %get3A_1169 = arith.constant 0 : index
    %get3A_1170 = arith.constant 4352 : index
    %get3A_1171 = vector.load %arg7[%get3A_1169, %get3A_1170] : memref<1x8192xf32, #tpu.memory_space<vmem>>, vector<1x128xf32>
    %get3A_1172 = vector.shape_cast %get3A_1171 : vector<1x128xf32> to vector<128xf32>
    %reduce_sum3A_1173 = arith.constant dense<0.000000e+00> : vector<128xf32>
    %reduce_sum3A_1174 = vector.multi_reduction <add>, %convert_element_type3A_1165, %reduce_sum3A_1173 [0] : vector<256x128xf32> to vector<128xf32>
    %add3A_1175 = arith.addf %get3A_1172, %reduce_sum3A_1174 : vector<128xf32>
    %swap3A_1176 = arith.constant 0 : index
    %swap3A_1177 = arith.constant 4352 : index
    %swap3A_1178 = vector.load %arg7[%swap3A_1176, %swap3A_1177] : memref<1x8192xf32, #tpu.memory_space<vmem>>, vector<1x128xf32>
    %swap3A_1179 = vector.shape_cast %swap3A_1178 : vector<1x128xf32> to vector<128xf32>
    %swap3A_1180 = vector.shape_cast %add3A_1175 : vector<128xf32> to vector<1x128xf32>
    tpu.vector_store %arg7[%swap3A_1176, %swap3A_1177], %swap3A_1180 {strides = array<i32>} : memref<1x8192xf32, #tpu.memory_space<vmem>>, vector<1x128xf32>,
    %sub3A_1181 = arith.constant 4.480000e+03 : f32
    %sub3A_1182 = vector.broadcast %sub3A_1181 : f32 to vector<256x1xf32>
    %sub3A_1183 = arith.subf %broadcast_in_dim3A_411, %sub3A_1182 : vector<256x1xf32>
    %eq3A_1184 = vector.broadcast %sub3A_1183 : vector<256x1xf32> to vector<256x128xf32>
    %eq3A_1185 = arith.cmpf oeq, %convert_element_type3A, %eq3A_1184 : vector<256x128xf32>
    %convert_element_type3A_1186 = arith.extui %eq3A_1185 : vector<256x128xi1> to vector<256x128xi32>
    %convert_element_type3A_1187 = arith.sitofp %convert_element_type3A_1186 : vector<256x128xi32> to vector<256x128xf32>
    %swap3A_1188 = arith.constant 0 : index
    %swap3A_1189 = arith.constant 4480 : index
    %swap3A_1190 = vector.load %arg5[%swap3A_1188, %swap3A_1189] : memref<256x8192xf32, #tpu.memory_space<vmem>>, vector<256x128xf32>
    tpu.vector_store %arg5[%swap3A_1188, %swap3A_1189], %convert_element_type3A_1187 {strides = array<i32>} : memref<256x8192xf32, #tpu.memory_space<vmem>>, vector<256x128xf32>,
    %get3A_1191 = arith.constant 0 : index
    %get3A_1192 = arith.constant 4480 : index
    %get3A_1193 = vector.load %arg7[%get3A_1191, %get3A_1192] : memref<1x8192xf32, #tpu.memory_space<vmem>>, vector<1x128xf32>
    %get3A_1194 = vector.shape_cast %get3A_1193 : vector<1x128xf32> to vector<128xf32>
    %reduce_sum3A_1195 = arith.constant dense<0.000000e+00> : vector<128xf32>
    %reduce_sum3A_1196 = vector.multi_reduction <add>, %convert_element_type3A_1187, %reduce_sum3A_1195 [0] : vector<256x128xf32> to vector<128xf32>
    %add3A_1197 = arith.addf %get3A_1194, %reduce_sum3A_1196 : vector<128xf32>
    %swap3A_1198 = arith.constant 0 : index
    %swap3A_1199 = arith.constant 4480 : index
    %swap3A_1200 = vector.load %arg7[%swap3A_1198, %swap3A_1199] : memref<1x8192xf32, #tpu.memory_space<vmem>>, vector<1x128xf32>
    %swap3A_1201 = vector.shape_cast %swap3A_1200 : vector<1x128xf32> to vector<128xf32>
    %swap3A_1202 = vector.shape_cast %add3A_1197 : vector<128xf32> to vector<1x128xf32>
    tpu.vector_store %arg7[%swap3A_1198, %swap3A_1199], %swap3A_1202 {strides = array<i32>} : memref<1x8192xf32, #tpu.memory_space<vmem>>, vector<1x128xf32>,
    %sub3A_1203 = arith.constant 4.608000e+03 : f32
    %sub3A_1204 = vector.broadcast %sub3A_1203 : f32 to vector<256x1xf32>
    %sub3A_1205 = arith.subf %broadcast_in_dim3A_411, %sub3A_1204 : vector<256x1xf32>
    %eq3A_1206 = vector.broadcast %sub3A_1205 : vector<256x1xf32> to vector<256x128xf32>
    %eq3A_1207 = arith.cmpf oeq, %convert_element_type3A, %eq3A_1206 : vector<256x128xf32>
    %convert_element_type3A_1208 = arith.extui %eq3A_1207 : vector<256x128xi1> to vector<256x128xi32>
    %convert_element_type3A_1209 = arith.sitofp %convert_element_type3A_1208 : vector<256x128xi32> to vector<256x128xf32>
    %swap3A_1210 = arith.constant 0 : index
    %swap3A_1211 = arith.constant 4608 : index
    %swap3A_1212 = vector.load %arg5[%swap3A_1210, %swap3A_1211] : memref<256x8192xf32, #tpu.memory_space<vmem>>, vector<256x128xf32>
    tpu.vector_store %arg5[%swap3A_1210, %swap3A_1211], %convert_element_type3A_1209 {strides = array<i32>} : memref<256x8192xf32, #tpu.memory_space<vmem>>, vector<256x128xf32>,
    %get3A_1213 = arith.constant 0 : index
    %get3A_1214 = arith.constant 4608 : index
    %get3A_1215 = vector.load %arg7[%get3A_1213, %get3A_1214] : memref<1x8192xf32, #tpu.memory_space<vmem>>, vector<1x128xf32>
    %get3A_1216 = vector.shape_cast %get3A_1215 : vector<1x128xf32> to vector<128xf32>
    %reduce_sum3A_1217 = arith.constant dense<0.000000e+00> : vector<128xf32>
    %reduce_sum3A_1218 = vector.multi_reduction <add>, %convert_element_type3A_1209, %reduce_sum3A_1217 [0] : vector<256x128xf32> to vector<128xf32>
    %add3A_1219 = arith.addf %get3A_1216, %reduce_sum3A_1218 : vector<128xf32>
    %swap3A_1220 = arith.constant 0 : index
    %swap3A_1221 = arith.constant 4608 : index
    %swap3A_1222 = vector.load %arg7[%swap3A_1220, %swap3A_1221] : memref<1x8192xf32, #tpu.memory_space<vmem>>, vector<1x128xf32>
    %swap3A_1223 = vector.shape_cast %swap3A_1222 : vector<1x128xf32> to vector<128xf32>
    %swap3A_1224 = vector.shape_cast %add3A_1219 : vector<128xf32> to vector<1x128xf32>
    tpu.vector_store %arg7[%swap3A_1220, %swap3A_1221], %swap3A_1224 {strides = array<i32>} : memref<1x8192xf32, #tpu.memory_space<vmem>>, vector<1x128xf32>,
    %sub3A_1225 = arith.constant 4.736000e+03 : f32
    %sub3A_1226 = vector.broadcast %sub3A_1225 : f32 to vector<256x1xf32>
    %sub3A_1227 = arith.subf %broadcast_in_dim3A_411, %sub3A_1226 : vector<256x1xf32>
    %eq3A_1228 = vector.broadcast %sub3A_1227 : vector<256x1xf32> to vector<256x128xf32>
    %eq3A_1229 = arith.cmpf oeq, %convert_element_type3A, %eq3A_1228 : vector<256x128xf32>
    %convert_element_type3A_1230 = arith.extui %eq3A_1229 : vector<256x128xi1> to vector<256x128xi32>
    %convert_element_type3A_1231 = arith.sitofp %convert_element_type3A_1230 : vector<256x128xi32> to vector<256x128xf32>
    %swap3A_1232 = arith.constant 0 : index
    %swap3A_1233 = arith.constant 4736 : index
    %swap3A_1234 = vector.load %arg5[%swap3A_1232, %swap3A_1233] : memref<256x8192xf32, #tpu.memory_space<vmem>>, vector<256x128xf32>
    tpu.vector_store %arg5[%swap3A_1232, %swap3A_1233], %convert_element_type3A_1231 {strides = array<i32>} : memref<256x8192xf32, #tpu.memory_space<vmem>>, vector<256x128xf32>,
    %get3A_1235 = arith.constant 0 : index
    %get3A_1236 = arith.constant 4736 : index
    %get3A_1237 = vector.load %arg7[%get3A_1235, %get3A_1236] : memref<1x8192xf32, #tpu.memory_space<vmem>>, vector<1x128xf32>
    %get3A_1238 = vector.shape_cast %get3A_1237 : vector<1x128xf32> to vector<128xf32>
    %reduce_sum3A_1239 = arith.constant dense<0.000000e+00> : vector<128xf32>
    %reduce_sum3A_1240 = vector.multi_reduction <add>, %convert_element_type3A_1231, %reduce_sum3A_1239 [0] : vector<256x128xf32> to vector<128xf32>
    %add3A_1241 = arith.addf %get3A_1238, %reduce_sum3A_1240 : vector<128xf32>
    %swap3A_1242 = arith.constant 0 : index
    %swap3A_1243 = arith.constant 4736 : index
    %swap3A_1244 = vector.load %arg7[%swap3A_1242, %swap3A_1243] : memref<1x8192xf32, #tpu.memory_space<vmem>>, vector<1x128xf32>
    %swap3A_1245 = vector.shape_cast %swap3A_1244 : vector<1x128xf32> to vector<128xf32>
    %swap3A_1246 = vector.shape_cast %add3A_1241 : vector<128xf32> to vector<1x128xf32>
    tpu.vector_store %arg7[%swap3A_1242, %swap3A_1243], %swap3A_1246 {strides = array<i32>} : memref<1x8192xf32, #tpu.memory_space<vmem>>, vector<1x128xf32>,
    %sub3A_1247 = arith.constant 4.864000e+03 : f32
    %sub3A_1248 = vector.broadcast %sub3A_1247 : f32 to vector<256x1xf32>
    %sub3A_1249 = arith.subf %broadcast_in_dim3A_411, %sub3A_1248 : vector<256x1xf32>
    %eq3A_1250 = vector.broadcast %sub3A_1249 : vector<256x1xf32> to vector<256x128xf32>
    %eq3A_1251 = arith.cmpf oeq, %convert_element_type3A, %eq3A_1250 : vector<256x128xf32>
    %convert_element_type3A_1252 = arith.extui %eq3A_1251 : vector<256x128xi1> to vector<256x128xi32>
    %convert_element_type3A_1253 = arith.sitofp %convert_element_type3A_1252 : vector<256x128xi32> to vector<256x128xf32>
    %swap3A_1254 = arith.constant 0 : index
    %swap3A_1255 = arith.constant 4864 : index
    %swap3A_1256 = vector.load %arg5[%swap3A_1254, %swap3A_1255] : memref<256x8192xf32, #tpu.memory_space<vmem>>, vector<256x128xf32>
    tpu.vector_store %arg5[%swap3A_1254, %swap3A_1255], %convert_element_type3A_1253 {strides = array<i32>} : memref<256x8192xf32, #tpu.memory_space<vmem>>, vector<256x128xf32>,
    %get3A_1257 = arith.constant 0 : index
    %get3A_1258 = arith.constant 4864 : index
    %get3A_1259 = vector.load %arg7[%get3A_1257, %get3A_1258] : memref<1x8192xf32, #tpu.memory_space<vmem>>, vector<1x128xf32>
    %get3A_1260 = vector.shape_cast %get3A_1259 : vector<1x128xf32> to vector<128xf32>
    %reduce_sum3A_1261 = arith.constant dense<0.000000e+00> : vector<128xf32>
    %reduce_sum3A_1262 = vector.multi_reduction <add>, %convert_element_type3A_1253, %reduce_sum3A_1261 [0] : vector<256x128xf32> to vector<128xf32>
    %add3A_1263 = arith.addf %get3A_1260, %reduce_sum3A_1262 : vector<128xf32>
    %swap3A_1264 = arith.constant 0 : index
    %swap3A_1265 = arith.constant 4864 : index
    %swap3A_1266 = vector.load %arg7[%swap3A_1264, %swap3A_1265] : memref<1x8192xf32, #tpu.memory_space<vmem>>, vector<1x128xf32>
    %swap3A_1267 = vector.shape_cast %swap3A_1266 : vector<1x128xf32> to vector<128xf32>
    %swap3A_1268 = vector.shape_cast %add3A_1263 : vector<128xf32> to vector<1x128xf32>
    tpu.vector_store %arg7[%swap3A_1264, %swap3A_1265], %swap3A_1268 {strides = array<i32>} : memref<1x8192xf32, #tpu.memory_space<vmem>>, vector<1x128xf32>,
    %sub3A_1269 = arith.constant 4.992000e+03 : f32
    %sub3A_1270 = vector.broadcast %sub3A_1269 : f32 to vector<256x1xf32>
    %sub3A_1271 = arith.subf %broadcast_in_dim3A_411, %sub3A_1270 : vector<256x1xf32>
    %eq3A_1272 = vector.broadcast %sub3A_1271 : vector<256x1xf32> to vector<256x128xf32>
    %eq3A_1273 = arith.cmpf oeq, %convert_element_type3A, %eq3A_1272 : vector<256x128xf32>
    %convert_element_type3A_1274 = arith.extui %eq3A_1273 : vector<256x128xi1> to vector<256x128xi32>
    %convert_element_type3A_1275 = arith.sitofp %convert_element_type3A_1274 : vector<256x128xi32> to vector<256x128xf32>
    %swap3A_1276 = arith.constant 0 : index
    %swap3A_1277 = arith.constant 4992 : index
    %swap3A_1278 = vector.load %arg5[%swap3A_1276, %swap3A_1277] : memref<256x8192xf32, #tpu.memory_space<vmem>>, vector<256x128xf32>
    tpu.vector_store %arg5[%swap3A_1276, %swap3A_1277], %convert_element_type3A_1275 {strides = array<i32>} : memref<256x8192xf32, #tpu.memory_space<vmem>>, vector<256x128xf32>,
    %get3A_1279 = arith.constant 0 : index
    %get3A_1280 = arith.constant 4992 : index
    %get3A_1281 = vector.load %arg7[%get3A_1279, %get3A_1280] : memref<1x8192xf32, #tpu.memory_space<vmem>>, vector<1x128xf32>
    %get3A_1282 = vector.shape_cast %get3A_1281 : vector<1x128xf32> to vector<128xf32>
    %reduce_sum3A_1283 = arith.constant dense<0.000000e+00> : vector<128xf32>
    %reduce_sum3A_1284 = vector.multi_reduction <add>, %convert_element_type3A_1275, %reduce_sum3A_1283 [0] : vector<256x128xf32> to vector<128xf32>
    %add3A_1285 = arith.addf %get3A_1282, %reduce_sum3A_1284 : vector<128xf32>
    %swap3A_1286 = arith.constant 0 : index
    %swap3A_1287 = arith.constant 4992 : index
    %swap3A_1288 = vector.load %arg7[%swap3A_1286, %swap3A_1287] : memref<1x8192xf32, #tpu.memory_space<vmem>>, vector<1x128xf32>
    %swap3A_1289 = vector.shape_cast %swap3A_1288 : vector<1x128xf32> to vector<128xf32>
    %swap3A_1290 = vector.shape_cast %add3A_1285 : vector<128xf32> to vector<1x128xf32>
    tpu.vector_store %arg7[%swap3A_1286, %swap3A_1287], %swap3A_1290 {strides = array<i32>} : memref<1x8192xf32, #tpu.memory_space<vmem>>, vector<1x128xf32>,
    %sub3A_1291 = arith.constant 5.120000e+03 : f32
    %sub3A_1292 = vector.broadcast %sub3A_1291 : f32 to vector<256x1xf32>
    %sub3A_1293 = arith.subf %broadcast_in_dim3A_411, %sub3A_1292 : vector<256x1xf32>
    %eq3A_1294 = vector.broadcast %sub3A_1293 : vector<256x1xf32> to vector<256x128xf32>
    %eq3A_1295 = arith.cmpf oeq, %convert_element_type3A, %eq3A_1294 : vector<256x128xf32>
    %convert_element_type3A_1296 = arith.extui %eq3A_1295 : vector<256x128xi1> to vector<256x128xi32>
    %convert_element_type3A_1297 = arith.sitofp %convert_element_type3A_1296 : vector<256x128xi32> to vector<256x128xf32>
    %swap3A_1298 = arith.constant 0 : index
    %swap3A_1299 = arith.constant 5120 : index
    %swap3A_1300 = vector.load %arg5[%swap3A_1298, %swap3A_1299] : memref<256x8192xf32, #tpu.memory_space<vmem>>, vector<256x128xf32>
    tpu.vector_store %arg5[%swap3A_1298, %swap3A_1299], %convert_element_type3A_1297 {strides = array<i32>} : memref<256x8192xf32, #tpu.memory_space<vmem>>, vector<256x128xf32>,
    %get3A_1301 = arith.constant 0 : index
    %get3A_1302 = arith.constant 5120 : index
    %get3A_1303 = vector.load %arg7[%get3A_1301, %get3A_1302] : memref<1x8192xf32, #tpu.memory_space<vmem>>, vector<1x128xf32>
    %get3A_1304 = vector.shape_cast %get3A_1303 : vector<1x128xf32> to vector<128xf32>
    %reduce_sum3A_1305 = arith.constant dense<0.000000e+00> : vector<128xf32>
    %reduce_sum3A_1306 = vector.multi_reduction <add>, %convert_element_type3A_1297, %reduce_sum3A_1305 [0] : vector<256x128xf32> to vector<128xf32>
    %add3A_1307 = arith.addf %get3A_1304, %reduce_sum3A_1306 : vector<128xf32>
    %swap3A_1308 = arith.constant 0 : index
    %swap3A_1309 = arith.constant 5120 : index
    %swap3A_1310 = vector.load %arg7[%swap3A_1308, %swap3A_1309] : memref<1x8192xf32, #tpu.memory_space<vmem>>, vector<1x128xf32>
    %swap3A_1311 = vector.shape_cast %swap3A_1310 : vector<1x128xf32> to vector<128xf32>
    %swap3A_1312 = vector.shape_cast %add3A_1307 : vector<128xf32> to vector<1x128xf32>
    tpu.vector_store %arg7[%swap3A_1308, %swap3A_1309], %swap3A_1312 {strides = array<i32>} : memref<1x8192xf32, #tpu.memory_space<vmem>>, vector<1x128xf32>,
    %sub3A_1313 = arith.constant 5.248000e+03 : f32
    %sub3A_1314 = vector.broadcast %sub3A_1313 : f32 to vector<256x1xf32>
    %sub3A_1315 = arith.subf %broadcast_in_dim3A_411, %sub3A_1314 : vector<256x1xf32>
    %eq3A_1316 = vector.broadcast %sub3A_1315 : vector<256x1xf32> to vector<256x128xf32>
    %eq3A_1317 = arith.cmpf oeq, %convert_element_type3A, %eq3A_1316 : vector<256x128xf32>
    %convert_element_type3A_1318 = arith.extui %eq3A_1317 : vector<256x128xi1> to vector<256x128xi32>
    %convert_element_type3A_1319 = arith.sitofp %convert_element_type3A_1318 : vector<256x128xi32> to vector<256x128xf32>
    %swap3A_1320 = arith.constant 0 : index
    %swap3A_1321 = arith.constant 5248 : index
    %swap3A_1322 = vector.load %arg5[%swap3A_1320, %swap3A_1321] : memref<256x8192xf32, #tpu.memory_space<vmem>>, vector<256x128xf32>
    tpu.vector_store %arg5[%swap3A_1320, %swap3A_1321], %convert_element_type3A_1319 {strides = array<i32>} : memref<256x8192xf32, #tpu.memory_space<vmem>>, vector<256x128xf32>,
    %get3A_1323 = arith.constant 0 : index
    %get3A_1324 = arith.constant 5248 : index
    %get3A_1325 = vector.load %arg7[%get3A_1323, %get3A_1324] : memref<1x8192xf32, #tpu.memory_space<vmem>>, vector<1x128xf32>
    %get3A_1326 = vector.shape_cast %get3A_1325 : vector<1x128xf32> to vector<128xf32>
    %reduce_sum3A_1327 = arith.constant dense<0.000000e+00> : vector<128xf32>
    %reduce_sum3A_1328 = vector.multi_reduction <add>, %convert_element_type3A_1319, %reduce_sum3A_1327 [0] : vector<256x128xf32> to vector<128xf32>
    %add3A_1329 = arith.addf %get3A_1326, %reduce_sum3A_1328 : vector<128xf32>
    %swap3A_1330 = arith.constant 0 : index
    %swap3A_1331 = arith.constant 5248 : index
    %swap3A_1332 = vector.load %arg7[%swap3A_1330, %swap3A_1331] : memref<1x8192xf32, #tpu.memory_space<vmem>>, vector<1x128xf32>
    %swap3A_1333 = vector.shape_cast %swap3A_1332 : vector<1x128xf32> to vector<128xf32>
    %swap3A_1334 = vector.shape_cast %add3A_1329 : vector<128xf32> to vector<1x128xf32>
    tpu.vector_store %arg7[%swap3A_1330, %swap3A_1331], %swap3A_1334 {strides = array<i32>} : memref<1x8192xf32, #tpu.memory_space<vmem>>, vector<1x128xf32>,
    %sub3A_1335 = arith.constant 5.376000e+03 : f32
    %sub3A_1336 = vector.broadcast %sub3A_1335 : f32 to vector<256x1xf32>
    %sub3A_1337 = arith.subf %broadcast_in_dim3A_411, %sub3A_1336 : vector<256x1xf32>
    %eq3A_1338 = vector.broadcast %sub3A_1337 : vector<256x1xf32> to vector<256x128xf32>
    %eq3A_1339 = arith.cmpf oeq, %convert_element_type3A, %eq3A_1338 : vector<256x128xf32>
    %convert_element_type3A_1340 = arith.extui %eq3A_1339 : vector<256x128xi1> to vector<256x128xi32>
    %convert_element_type3A_1341 = arith.sitofp %convert_element_type3A_1340 : vector<256x128xi32> to vector<256x128xf32>
    %swap3A_1342 = arith.constant 0 : index
    %swap3A_1343 = arith.constant 5376 : index
    %swap3A_1344 = vector.load %arg5[%swap3A_1342, %swap3A_1343] : memref<256x8192xf32, #tpu.memory_space<vmem>>, vector<256x128xf32>
    tpu.vector_store %arg5[%swap3A_1342, %swap3A_1343], %convert_element_type3A_1341 {strides = array<i32>} : memref<256x8192xf32, #tpu.memory_space<vmem>>, vector<256x128xf32>,
    %get3A_1345 = arith.constant 0 : index
    %get3A_1346 = arith.constant 5376 : index
    %get3A_1347 = vector.load %arg7[%get3A_1345, %get3A_1346] : memref<1x8192xf32, #tpu.memory_space<vmem>>, vector<1x128xf32>
    %get3A_1348 = vector.shape_cast %get3A_1347 : vector<1x128xf32> to vector<128xf32>
    %reduce_sum3A_1349 = arith.constant dense<0.000000e+00> : vector<128xf32>
    %reduce_sum3A_1350 = vector.multi_reduction <add>, %convert_element_type3A_1341, %reduce_sum3A_1349 [0] : vector<256x128xf32> to vector<128xf32>
    %add3A_1351 = arith.addf %get3A_1348, %reduce_sum3A_1350 : vector<128xf32>
    %swap3A_1352 = arith.constant 0 : index
    %swap3A_1353 = arith.constant 5376 : index
    %swap3A_1354 = vector.load %arg7[%swap3A_1352, %swap3A_1353] : memref<1x8192xf32, #tpu.memory_space<vmem>>, vector<1x128xf32>
    %swap3A_1355 = vector.shape_cast %swap3A_1354 : vector<1x128xf32> to vector<128xf32>
    %swap3A_1356 = vector.shape_cast %add3A_1351 : vector<128xf32> to vector<1x128xf32>
    tpu.vector_store %arg7[%swap3A_1352, %swap3A_1353], %swap3A_1356 {strides = array<i32>} : memref<1x8192xf32, #tpu.memory_space<vmem>>, vector<1x128xf32>,
    %sub3A_1357 = arith.constant 5.504000e+03 : f32
    %sub3A_1358 = vector.broadcast %sub3A_1357 : f32 to vector<256x1xf32>
    %sub3A_1359 = arith.subf %broadcast_in_dim3A_411, %sub3A_1358 : vector<256x1xf32>
    %eq3A_1360 = vector.broadcast %sub3A_1359 : vector<256x1xf32> to vector<256x128xf32>
    %eq3A_1361 = arith.cmpf oeq, %convert_element_type3A, %eq3A_1360 : vector<256x128xf32>
    %convert_element_type3A_1362 = arith.extui %eq3A_1361 : vector<256x128xi1> to vector<256x128xi32>
    %convert_element_type3A_1363 = arith.sitofp %convert_element_type3A_1362 : vector<256x128xi32> to vector<256x128xf32>
    %swap3A_1364 = arith.constant 0 : index
    %swap3A_1365 = arith.constant 5504 : index
    %swap3A_1366 = vector.load %arg5[%swap3A_1364, %swap3A_1365] : memref<256x8192xf32, #tpu.memory_space<vmem>>, vector<256x128xf32>
    tpu.vector_store %arg5[%swap3A_1364, %swap3A_1365], %convert_element_type3A_1363 {strides = array<i32>} : memref<256x8192xf32, #tpu.memory_space<vmem>>, vector<256x128xf32>,
    %get3A_1367 = arith.constant 0 : index
    %get3A_1368 = arith.constant 5504 : index
    %get3A_1369 = vector.load %arg7[%get3A_1367, %get3A_1368] : memref<1x8192xf32, #tpu.memory_space<vmem>>, vector<1x128xf32>
    %get3A_1370 = vector.shape_cast %get3A_1369 : vector<1x128xf32> to vector<128xf32>
    %reduce_sum3A_1371 = arith.constant dense<0.000000e+00> : vector<128xf32>
    %reduce_sum3A_1372 = vector.multi_reduction <add>, %convert_element_type3A_1363, %reduce_sum3A_1371 [0] : vector<256x128xf32> to vector<128xf32>
    %add3A_1373 = arith.addf %get3A_1370, %reduce_sum3A_1372 : vector<128xf32>
    %swap3A_1374 = arith.constant 0 : index
    %swap3A_1375 = arith.constant 5504 : index
    %swap3A_1376 = vector.load %arg7[%swap3A_1374, %swap3A_1375] : memref<1x8192xf32, #tpu.memory_space<vmem>>, vector<1x128xf32>
    %swap3A_1377 = vector.shape_cast %swap3A_1376 : vector<1x128xf32> to vector<128xf32>
    %swap3A_1378 = vector.shape_cast %add3A_1373 : vector<128xf32> to vector<1x128xf32>
    tpu.vector_store %arg7[%swap3A_1374, %swap3A_1375], %swap3A_1378 {strides = array<i32>} : memref<1x8192xf32, #tpu.memory_space<vmem>>, vector<1x128xf32>,
    %sub3A_1379 = arith.constant 5.632000e+03 : f32
    %sub3A_1380 = vector.broadcast %sub3A_1379 : f32 to vector<256x1xf32>
    %sub3A_1381 = arith.subf %broadcast_in_dim3A_411, %sub3A_1380 : vector<256x1xf32>
    %eq3A_1382 = vector.broadcast %sub3A_1381 : vector<256x1xf32> to vector<256x128xf32>
    %eq3A_1383 = arith.cmpf oeq, %convert_element_type3A, %eq3A_1382 : vector<256x128xf32>
    %convert_element_type3A_1384 = arith.extui %eq3A_1383 : vector<256x128xi1> to vector<256x128xi32>
    %convert_element_type3A_1385 = arith.sitofp %convert_element_type3A_1384 : vector<256x128xi32> to vector<256x128xf32>
    %swap3A_1386 = arith.constant 0 : index
    %swap3A_1387 = arith.constant 5632 : index
    %swap3A_1388 = vector.load %arg5[%swap3A_1386, %swap3A_1387] : memref<256x8192xf32, #tpu.memory_space<vmem>>, vector<256x128xf32>
    tpu.vector_store %arg5[%swap3A_1386, %swap3A_1387], %convert_element_type3A_1385 {strides = array<i32>} : memref<256x8192xf32, #tpu.memory_space<vmem>>, vector<256x128xf32>,
    %get3A_1389 = arith.constant 0 : index
    %get3A_1390 = arith.constant 5632 : index
    %get3A_1391 = vector.load %arg7[%get3A_1389, %get3A_1390] : memref<1x8192xf32, #tpu.memory_space<vmem>>, vector<1x128xf32>
    %get3A_1392 = vector.shape_cast %get3A_1391 : vector<1x128xf32> to vector<128xf32>
    %reduce_sum3A_1393 = arith.constant dense<0.000000e+00> : vector<128xf32>
    %reduce_sum3A_1394 = vector.multi_reduction <add>, %convert_element_type3A_1385, %reduce_sum3A_1393 [0] : vector<256x128xf32> to vector<128xf32>
    %add3A_1395 = arith.addf %get3A_1392, %reduce_sum3A_1394 : vector<128xf32>
    %swap3A_1396 = arith.constant 0 : index
    %swap3A_1397 = arith.constant 5632 : index
    %swap3A_1398 = vector.load %arg7[%swap3A_1396, %swap3A_1397] : memref<1x8192xf32, #tpu.memory_space<vmem>>, vector<1x128xf32>
    %swap3A_1399 = vector.shape_cast %swap3A_1398 : vector<1x128xf32> to vector<128xf32>
    %swap3A_1400 = vector.shape_cast %add3A_1395 : vector<128xf32> to vector<1x128xf32>
    tpu.vector_store %arg7[%swap3A_1396, %swap3A_1397], %swap3A_1400 {strides = array<i32>} : memref<1x8192xf32, #tpu.memory_space<vmem>>, vector<1x128xf32>,
    %sub3A_1401 = arith.constant 5.760000e+03 : f32
    %sub3A_1402 = vector.broadcast %sub3A_1401 : f32 to vector<256x1xf32>
    %sub3A_1403 = arith.subf %broadcast_in_dim3A_411, %sub3A_1402 : vector<256x1xf32>
    %eq3A_1404 = vector.broadcast %sub3A_1403 : vector<256x1xf32> to vector<256x128xf32>
    %eq3A_1405 = arith.cmpf oeq, %convert_element_type3A, %eq3A_1404 : vector<256x128xf32>
    %convert_element_type3A_1406 = arith.extui %eq3A_1405 : vector<256x128xi1> to vector<256x128xi32>
    %convert_element_type3A_1407 = arith.sitofp %convert_element_type3A_1406 : vector<256x128xi32> to vector<256x128xf32>
    %swap3A_1408 = arith.constant 0 : index
    %swap3A_1409 = arith.constant 5760 : index
    %swap3A_1410 = vector.load %arg5[%swap3A_1408, %swap3A_1409] : memref<256x8192xf32, #tpu.memory_space<vmem>>, vector<256x128xf32>
    tpu.vector_store %arg5[%swap3A_1408, %swap3A_1409], %convert_element_type3A_1407 {strides = array<i32>} : memref<256x8192xf32, #tpu.memory_space<vmem>>, vector<256x128xf32>,
    %get3A_1411 = arith.constant 0 : index
    %get3A_1412 = arith.constant 5760 : index
    %get3A_1413 = vector.load %arg7[%get3A_1411, %get3A_1412] : memref<1x8192xf32, #tpu.memory_space<vmem>>, vector<1x128xf32>
    %get3A_1414 = vector.shape_cast %get3A_1413 : vector<1x128xf32> to vector<128xf32>
    %reduce_sum3A_1415 = arith.constant dense<0.000000e+00> : vector<128xf32>
    %reduce_sum3A_1416 = vector.multi_reduction <add>, %convert_element_type3A_1407, %reduce_sum3A_1415 [0] : vector<256x128xf32> to vector<128xf32>
    %add3A_1417 = arith.addf %get3A_1414, %reduce_sum3A_1416 : vector<128xf32>
    %swap3A_1418 = arith.constant 0 : index
    %swap3A_1419 = arith.constant 5760 : index
    %swap3A_1420 = vector.load %arg7[%swap3A_1418, %swap3A_1419] : memref<1x8192xf32, #tpu.memory_space<vmem>>, vector<1x128xf32>
    %swap3A_1421 = vector.shape_cast %swap3A_1420 : vector<1x128xf32> to vector<128xf32>
    %swap3A_1422 = vector.shape_cast %add3A_1417 : vector<128xf32> to vector<1x128xf32>
    tpu.vector_store %arg7[%swap3A_1418, %swap3A_1419], %swap3A_1422 {strides = array<i32>} : memref<1x8192xf32, #tpu.memory_space<vmem>>, vector<1x128xf32>,
    %sub3A_1423 = arith.constant 5.888000e+03 : f32
    %sub3A_1424 = vector.broadcast %sub3A_1423 : f32 to vector<256x1xf32>
    %sub3A_1425 = arith.subf %broadcast_in_dim3A_411, %sub3A_1424 : vector<256x1xf32>
    %eq3A_1426 = vector.broadcast %sub3A_1425 : vector<256x1xf32> to vector<256x128xf32>
    %eq3A_1427 = arith.cmpf oeq, %convert_element_type3A, %eq3A_1426 : vector<256x128xf32>
    %convert_element_type3A_1428 = arith.extui %eq3A_1427 : vector<256x128xi1> to vector<256x128xi32>
    %convert_element_type3A_1429 = arith.sitofp %convert_element_type3A_1428 : vector<256x128xi32> to vector<256x128xf32>
    %swap3A_1430 = arith.constant 0 : index
    %swap3A_1431 = arith.constant 5888 : index
    %swap3A_1432 = vector.load %arg5[%swap3A_1430, %swap3A_1431] : memref<256x8192xf32, #tpu.memory_space<vmem>>, vector<256x128xf32>
    tpu.vector_store %arg5[%swap3A_1430, %swap3A_1431], %convert_element_type3A_1429 {strides = array<i32>} : memref<256x8192xf32, #tpu.memory_space<vmem>>, vector<256x128xf32>,
    %get3A_1433 = arith.constant 0 : index
    %get3A_1434 = arith.constant 5888 : index
    %get3A_1435 = vector.load %arg7[%get3A_1433, %get3A_1434] : memref<1x8192xf32, #tpu.memory_space<vmem>>, vector<1x128xf32>
    %get3A_1436 = vector.shape_cast %get3A_1435 : vector<1x128xf32> to vector<128xf32>
    %reduce_sum3A_1437 = arith.constant dense<0.000000e+00> : vector<128xf32>
    %reduce_sum3A_1438 = vector.multi_reduction <add>, %convert_element_type3A_1429, %reduce_sum3A_1437 [0] : vector<256x128xf32> to vector<128xf32>
    %add3A_1439 = arith.addf %get3A_1436, %reduce_sum3A_1438 : vector<128xf32>
    %swap3A_1440 = arith.constant 0 : index
    %swap3A_1441 = arith.constant 5888 : index
    %swap3A_1442 = vector.load %arg7[%swap3A_1440, %swap3A_1441] : memref<1x8192xf32, #tpu.memory_space<vmem>>, vector<1x128xf32>
    %swap3A_1443 = vector.shape_cast %swap3A_1442 : vector<1x128xf32> to vector<128xf32>
    %swap3A_1444 = vector.shape_cast %add3A_1439 : vector<128xf32> to vector<1x128xf32>
    tpu.vector_store %arg7[%swap3A_1440, %swap3A_1441], %swap3A_1444 {strides = array<i32>} : memref<1x8192xf32, #tpu.memory_space<vmem>>, vector<1x128xf32>,
    %sub3A_1445 = arith.constant 6.016000e+03 : f32
    %sub3A_1446 = vector.broadcast %sub3A_1445 : f32 to vector<256x1xf32>
    %sub3A_1447 = arith.subf %broadcast_in_dim3A_411, %sub3A_1446 : vector<256x1xf32>
    %eq3A_1448 = vector.broadcast %sub3A_1447 : vector<256x1xf32> to vector<256x128xf32>
    %eq3A_1449 = arith.cmpf oeq, %convert_element_type3A, %eq3A_1448 : vector<256x128xf32>
    %convert_element_type3A_1450 = arith.extui %eq3A_1449 : vector<256x128xi1> to vector<256x128xi32>
    %convert_element_type3A_1451 = arith.sitofp %convert_element_type3A_1450 : vector<256x128xi32> to vector<256x128xf32>
    %swap3A_1452 = arith.constant 0 : index
    %swap3A_1453 = arith.constant 6016 : index
    %swap3A_1454 = vector.load %arg5[%swap3A_1452, %swap3A_1453] : memref<256x8192xf32, #tpu.memory_space<vmem>>, vector<256x128xf32>
    tpu.vector_store %arg5[%swap3A_1452, %swap3A_1453], %convert_element_type3A_1451 {strides = array<i32>} : memref<256x8192xf32, #tpu.memory_space<vmem>>, vector<256x128xf32>,
    %get3A_1455 = arith.constant 0 : index
    %get3A_1456 = arith.constant 6016 : index
    %get3A_1457 = vector.load %arg7[%get3A_1455, %get3A_1456] : memref<1x8192xf32, #tpu.memory_space<vmem>>, vector<1x128xf32>
    %get3A_1458 = vector.shape_cast %get3A_1457 : vector<1x128xf32> to vector<128xf32>
    %reduce_sum3A_1459 = arith.constant dense<0.000000e+00> : vector<128xf32>
    %reduce_sum3A_1460 = vector.multi_reduction <add>, %convert_element_type3A_1451, %reduce_sum3A_1459 [0] : vector<256x128xf32> to vector<128xf32>
    %add3A_1461 = arith.addf %get3A_1458, %reduce_sum3A_1460 : vector<128xf32>
    %swap3A_1462 = arith.constant 0 : index
    %swap3A_1463 = arith.constant 6016 : index
    %swap3A_1464 = vector.load %arg7[%swap3A_1462, %swap3A_1463] : memref<1x8192xf32, #tpu.memory_space<vmem>>, vector<1x128xf32>
    %swap3A_1465 = vector.shape_cast %swap3A_1464 : vector<1x128xf32> to vector<128xf32>
    %swap3A_1466 = vector.shape_cast %add3A_1461 : vector<128xf32> to vector<1x128xf32>
    tpu.vector_store %arg7[%swap3A_1462, %swap3A_1463], %swap3A_1466 {strides = array<i32>} : memref<1x8192xf32, #tpu.memory_space<vmem>>, vector<1x128xf32>,
    %sub3A_1467 = arith.constant 6.144000e+03 : f32
    %sub3A_1468 = vector.broadcast %sub3A_1467 : f32 to vector<256x1xf32>
    %sub3A_1469 = arith.subf %broadcast_in_dim3A_411, %sub3A_1468 : vector<256x1xf32>
    %eq3A_1470 = vector.broadcast %sub3A_1469 : vector<256x1xf32> to vector<256x128xf32>
    %eq3A_1471 = arith.cmpf oeq, %convert_element_type3A, %eq3A_1470 : vector<256x128xf32>
    %convert_element_type3A_1472 = arith.extui %eq3A_1471 : vector<256x128xi1> to vector<256x128xi32>
    %convert_element_type3A_1473 = arith.sitofp %convert_element_type3A_1472 : vector<256x128xi32> to vector<256x128xf32>
    %swap3A_1474 = arith.constant 0 : index
    %swap3A_1475 = arith.constant 6144 : index
    %swap3A_1476 = vector.load %arg5[%swap3A_1474, %swap3A_1475] : memref<256x8192xf32, #tpu.memory_space<vmem>>, vector<256x128xf32>
    tpu.vector_store %arg5[%swap3A_1474, %swap3A_1475], %convert_element_type3A_1473 {strides = array<i32>} : memref<256x8192xf32, #tpu.memory_space<vmem>>, vector<256x128xf32>,
    %get3A_1477 = arith.constant 0 : index
    %get3A_1478 = arith.constant 6144 : index
    %get3A_1479 = vector.load %arg7[%get3A_1477, %get3A_1478] : memref<1x8192xf32, #tpu.memory_space<vmem>>, vector<1x128xf32>
    %get3A_1480 = vector.shape_cast %get3A_1479 : vector<1x128xf32> to vector<128xf32>
    %reduce_sum3A_1481 = arith.constant dense<0.000000e+00> : vector<128xf32>
    %reduce_sum3A_1482 = vector.multi_reduction <add>, %convert_element_type3A_1473, %reduce_sum3A_1481 [0] : vector<256x128xf32> to vector<128xf32>
    %add3A_1483 = arith.addf %get3A_1480, %reduce_sum3A_1482 : vector<128xf32>
    %swap3A_1484 = arith.constant 0 : index
    %swap3A_1485 = arith.constant 6144 : index
    %swap3A_1486 = vector.load %arg7[%swap3A_1484, %swap3A_1485] : memref<1x8192xf32, #tpu.memory_space<vmem>>, vector<1x128xf32>
    %swap3A_1487 = vector.shape_cast %swap3A_1486 : vector<1x128xf32> to vector<128xf32>
    %swap3A_1488 = vector.shape_cast %add3A_1483 : vector<128xf32> to vector<1x128xf32>
    tpu.vector_store %arg7[%swap3A_1484, %swap3A_1485], %swap3A_1488 {strides = array<i32>} : memref<1x8192xf32, #tpu.memory_space<vmem>>, vector<1x128xf32>,
    %sub3A_1489 = arith.constant 6.272000e+03 : f32
    %sub3A_1490 = vector.broadcast %sub3A_1489 : f32 to vector<256x1xf32>
    %sub3A_1491 = arith.subf %broadcast_in_dim3A_411, %sub3A_1490 : vector<256x1xf32>
    %eq3A_1492 = vector.broadcast %sub3A_1491 : vector<256x1xf32> to vector<256x128xf32>
    %eq3A_1493 = arith.cmpf oeq, %convert_element_type3A, %eq3A_1492 : vector<256x128xf32>
    %convert_element_type3A_1494 = arith.extui %eq3A_1493 : vector<256x128xi1> to vector<256x128xi32>
    %convert_element_type3A_1495 = arith.sitofp %convert_element_type3A_1494 : vector<256x128xi32> to vector<256x128xf32>
    %swap3A_1496 = arith.constant 0 : index
    %swap3A_1497 = arith.constant 6272 : index
    %swap3A_1498 = vector.load %arg5[%swap3A_1496, %swap3A_1497] : memref<256x8192xf32, #tpu.memory_space<vmem>>, vector<256x128xf32>
    tpu.vector_store %arg5[%swap3A_1496, %swap3A_1497], %convert_element_type3A_1495 {strides = array<i32>} : memref<256x8192xf32, #tpu.memory_space<vmem>>, vector<256x128xf32>,
    %get3A_1499 = arith.constant 0 : index
    %get3A_1500 = arith.constant 6272 : index
    %get3A_1501 = vector.load %arg7[%get3A_1499, %get3A_1500] : memref<1x8192xf32, #tpu.memory_space<vmem>>, vector<1x128xf32>
    %get3A_1502 = vector.shape_cast %get3A_1501 : vector<1x128xf32> to vector<128xf32>
    %reduce_sum3A_1503 = arith.constant dense<0.000000e+00> : vector<128xf32>
    %reduce_sum3A_1504 = vector.multi_reduction <add>, %convert_element_type3A_1495, %reduce_sum3A_1503 [0] : vector<256x128xf32> to vector<128xf32>
    %add3A_1505 = arith.addf %get3A_1502, %reduce_sum3A_1504 : vector<128xf32>
    %swap3A_1506 = arith.constant 0 : index
    %swap3A_1507 = arith.constant 6272 : index
    %swap3A_1508 = vector.load %arg7[%swap3A_1506, %swap3A_1507] : memref<1x8192xf32, #tpu.memory_space<vmem>>, vector<1x128xf32>
    %swap3A_1509 = vector.shape_cast %swap3A_1508 : vector<1x128xf32> to vector<128xf32>
    %swap3A_1510 = vector.shape_cast %add3A_1505 : vector<128xf32> to vector<1x128xf32>
    tpu.vector_store %arg7[%swap3A_1506, %swap3A_1507], %swap3A_1510 {strides = array<i32>} : memref<1x8192xf32, #tpu.memory_space<vmem>>, vector<1x128xf32>,
    %sub3A_1511 = arith.constant 6.400000e+03 : f32
    %sub3A_1512 = vector.broadcast %sub3A_1511 : f32 to vector<256x1xf32>
    %sub3A_1513 = arith.subf %broadcast_in_dim3A_411, %sub3A_1512 : vector<256x1xf32>
    %eq3A_1514 = vector.broadcast %sub3A_1513 : vector<256x1xf32> to vector<256x128xf32>
    %eq3A_1515 = arith.cmpf oeq, %convert_element_type3A, %eq3A_1514 : vector<256x128xf32>
    %convert_element_type3A_1516 = arith.extui %eq3A_1515 : vector<256x128xi1> to vector<256x128xi32>
    %convert_element_type3A_1517 = arith.sitofp %convert_element_type3A_1516 : vector<256x128xi32> to vector<256x128xf32>
    %swap3A_1518 = arith.constant 0 : index
    %swap3A_1519 = arith.constant 6400 : index
    %swap3A_1520 = vector.load %arg5[%swap3A_1518, %swap3A_1519] : memref<256x8192xf32, #tpu.memory_space<vmem>>, vector<256x128xf32>
    tpu.vector_store %arg5[%swap3A_1518, %swap3A_1519], %convert_element_type3A_1517 {strides = array<i32>} : memref<256x8192xf32, #tpu.memory_space<vmem>>, vector<256x128xf32>,
    %get3A_1521 = arith.constant 0 : index
    %get3A_1522 = arith.constant 6400 : index
    %get3A_1523 = vector.load %arg7[%get3A_1521, %get3A_1522] : memref<1x8192xf32, #tpu.memory_space<vmem>>, vector<1x128xf32>
    %get3A_1524 = vector.shape_cast %get3A_1523 : vector<1x128xf32> to vector<128xf32>
    %reduce_sum3A_1525 = arith.constant dense<0.000000e+00> : vector<128xf32>
    %reduce_sum3A_1526 = vector.multi_reduction <add>, %convert_element_type3A_1517, %reduce_sum3A_1525 [0] : vector<256x128xf32> to vector<128xf32>
    %add3A_1527 = arith.addf %get3A_1524, %reduce_sum3A_1526 : vector<128xf32>
    %swap3A_1528 = arith.constant 0 : index
    %swap3A_1529 = arith.constant 6400 : index
    %swap3A_1530 = vector.load %arg7[%swap3A_1528, %swap3A_1529] : memref<1x8192xf32, #tpu.memory_space<vmem>>, vector<1x128xf32>
    %swap3A_1531 = vector.shape_cast %swap3A_1530 : vector<1x128xf32> to vector<128xf32>
    %swap3A_1532 = vector.shape_cast %add3A_1527 : vector<128xf32> to vector<1x128xf32>
    tpu.vector_store %arg7[%swap3A_1528, %swap3A_1529], %swap3A_1532 {strides = array<i32>} : memref<1x8192xf32, #tpu.memory_space<vmem>>, vector<1x128xf32>,
    %sub3A_1533 = arith.constant 6.528000e+03 : f32
    %sub3A_1534 = vector.broadcast %sub3A_1533 : f32 to vector<256x1xf32>
    %sub3A_1535 = arith.subf %broadcast_in_dim3A_411, %sub3A_1534 : vector<256x1xf32>
    %eq3A_1536 = vector.broadcast %sub3A_1535 : vector<256x1xf32> to vector<256x128xf32>
    %eq3A_1537 = arith.cmpf oeq, %convert_element_type3A, %eq3A_1536 : vector<256x128xf32>
    %convert_element_type3A_1538 = arith.extui %eq3A_1537 : vector<256x128xi1> to vector<256x128xi32>
    %convert_element_type3A_1539 = arith.sitofp %convert_element_type3A_1538 : vector<256x128xi32> to vector<256x128xf32>
    %swap3A_1540 = arith.constant 0 : index
    %swap3A_1541 = arith.constant 6528 : index
    %swap3A_1542 = vector.load %arg5[%swap3A_1540, %swap3A_1541] : memref<256x8192xf32, #tpu.memory_space<vmem>>, vector<256x128xf32>
    tpu.vector_store %arg5[%swap3A_1540, %swap3A_1541], %convert_element_type3A_1539 {strides = array<i32>} : memref<256x8192xf32, #tpu.memory_space<vmem>>, vector<256x128xf32>,
    %get3A_1543 = arith.constant 0 : index
    %get3A_1544 = arith.constant 6528 : index
    %get3A_1545 = vector.load %arg7[%get3A_1543, %get3A_1544] : memref<1x8192xf32, #tpu.memory_space<vmem>>, vector<1x128xf32>
    %get3A_1546 = vector.shape_cast %get3A_1545 : vector<1x128xf32> to vector<128xf32>
    %reduce_sum3A_1547 = arith.constant dense<0.000000e+00> : vector<128xf32>
    %reduce_sum3A_1548 = vector.multi_reduction <add>, %convert_element_type3A_1539, %reduce_sum3A_1547 [0] : vector<256x128xf32> to vector<128xf32>
    %add3A_1549 = arith.addf %get3A_1546, %reduce_sum3A_1548 : vector<128xf32>
    %swap3A_1550 = arith.constant 0 : index
    %swap3A_1551 = arith.constant 6528 : index
    %swap3A_1552 = vector.load %arg7[%swap3A_1550, %swap3A_1551] : memref<1x8192xf32, #tpu.memory_space<vmem>>, vector<1x128xf32>
    %swap3A_1553 = vector.shape_cast %swap3A_1552 : vector<1x128xf32> to vector<128xf32>
    %swap3A_1554 = vector.shape_cast %add3A_1549 : vector<128xf32> to vector<1x128xf32>
    tpu.vector_store %arg7[%swap3A_1550, %swap3A_1551], %swap3A_1554 {strides = array<i32>} : memref<1x8192xf32, #tpu.memory_space<vmem>>, vector<1x128xf32>,
    %sub3A_1555 = arith.constant 6.656000e+03 : f32
    %sub3A_1556 = vector.broadcast %sub3A_1555 : f32 to vector<256x1xf32>
    %sub3A_1557 = arith.subf %broadcast_in_dim3A_411, %sub3A_1556 : vector<256x1xf32>
    %eq3A_1558 = vector.broadcast %sub3A_1557 : vector<256x1xf32> to vector<256x128xf32>
    %eq3A_1559 = arith.cmpf oeq, %convert_element_type3A, %eq3A_1558 : vector<256x128xf32>
    %convert_element_type3A_1560 = arith.extui %eq3A_1559 : vector<256x128xi1> to vector<256x128xi32>
    %convert_element_type3A_1561 = arith.sitofp %convert_element_type3A_1560 : vector<256x128xi32> to vector<256x128xf32>
    %swap3A_1562 = arith.constant 0 : index
    %swap3A_1563 = arith.constant 6656 : index
    %swap3A_1564 = vector.load %arg5[%swap3A_1562, %swap3A_1563] : memref<256x8192xf32, #tpu.memory_space<vmem>>, vector<256x128xf32>
    tpu.vector_store %arg5[%swap3A_1562, %swap3A_1563], %convert_element_type3A_1561 {strides = array<i32>} : memref<256x8192xf32, #tpu.memory_space<vmem>>, vector<256x128xf32>,
    %get3A_1565 = arith.constant 0 : index
    %get3A_1566 = arith.constant 6656 : index
    %get3A_1567 = vector.load %arg7[%get3A_1565, %get3A_1566] : memref<1x8192xf32, #tpu.memory_space<vmem>>, vector<1x128xf32>
    %get3A_1568 = vector.shape_cast %get3A_1567 : vector<1x128xf32> to vector<128xf32>
    %reduce_sum3A_1569 = arith.constant dense<0.000000e+00> : vector<128xf32>
    %reduce_sum3A_1570 = vector.multi_reduction <add>, %convert_element_type3A_1561, %reduce_sum3A_1569 [0] : vector<256x128xf32> to vector<128xf32>
    %add3A_1571 = arith.addf %get3A_1568, %reduce_sum3A_1570 : vector<128xf32>
    %swap3A_1572 = arith.constant 0 : index
    %swap3A_1573 = arith.constant 6656 : index
    %swap3A_1574 = vector.load %arg7[%swap3A_1572, %swap3A_1573] : memref<1x8192xf32, #tpu.memory_space<vmem>>, vector<1x128xf32>
    %swap3A_1575 = vector.shape_cast %swap3A_1574 : vector<1x128xf32> to vector<128xf32>
    %swap3A_1576 = vector.shape_cast %add3A_1571 : vector<128xf32> to vector<1x128xf32>
    tpu.vector_store %arg7[%swap3A_1572, %swap3A_1573], %swap3A_1576 {strides = array<i32>} : memref<1x8192xf32, #tpu.memory_space<vmem>>, vector<1x128xf32>,
    %sub3A_1577 = arith.constant 6.784000e+03 : f32
    %sub3A_1578 = vector.broadcast %sub3A_1577 : f32 to vector<256x1xf32>
    %sub3A_1579 = arith.subf %broadcast_in_dim3A_411, %sub3A_1578 : vector<256x1xf32>
    %eq3A_1580 = vector.broadcast %sub3A_1579 : vector<256x1xf32> to vector<256x128xf32>
    %eq3A_1581 = arith.cmpf oeq, %convert_element_type3A, %eq3A_1580 : vector<256x128xf32>
    %convert_element_type3A_1582 = arith.extui %eq3A_1581 : vector<256x128xi1> to vector<256x128xi32>
    %convert_element_type3A_1583 = arith.sitofp %convert_element_type3A_1582 : vector<256x128xi32> to vector<256x128xf32>
    %swap3A_1584 = arith.constant 0 : index
    %swap3A_1585 = arith.constant 6784 : index
    %swap3A_1586 = vector.load %arg5[%swap3A_1584, %swap3A_1585] : memref<256x8192xf32, #tpu.memory_space<vmem>>, vector<256x128xf32>
    tpu.vector_store %arg5[%swap3A_1584, %swap3A_1585], %convert_element_type3A_1583 {strides = array<i32>} : memref<256x8192xf32, #tpu.memory_space<vmem>>, vector<256x128xf32>,
    %get3A_1587 = arith.constant 0 : index
    %get3A_1588 = arith.constant 6784 : index
    %get3A_1589 = vector.load %arg7[%get3A_1587, %get3A_1588] : memref<1x8192xf32, #tpu.memory_space<vmem>>, vector<1x128xf32>
    %get3A_1590 = vector.shape_cast %get3A_1589 : vector<1x128xf32> to vector<128xf32>
    %reduce_sum3A_1591 = arith.constant dense<0.000000e+00> : vector<128xf32>
    %reduce_sum3A_1592 = vector.multi_reduction <add>, %convert_element_type3A_1583, %reduce_sum3A_1591 [0] : vector<256x128xf32> to vector<128xf32>
    %add3A_1593 = arith.addf %get3A_1590, %reduce_sum3A_1592 : vector<128xf32>
    %swap3A_1594 = arith.constant 0 : index
    %swap3A_1595 = arith.constant 6784 : index
    %swap3A_1596 = vector.load %arg7[%swap3A_1594, %swap3A_1595] : memref<1x8192xf32, #tpu.memory_space<vmem>>, vector<1x128xf32>
    %swap3A_1597 = vector.shape_cast %swap3A_1596 : vector<1x128xf32> to vector<128xf32>
    %swap3A_1598 = vector.shape_cast %add3A_1593 : vector<128xf32> to vector<1x128xf32>
    tpu.vector_store %arg7[%swap3A_1594, %swap3A_1595], %swap3A_1598 {strides = array<i32>} : memref<1x8192xf32, #tpu.memory_space<vmem>>, vector<1x128xf32>,
    %sub3A_1599 = arith.constant 6.912000e+03 : f32
    %sub3A_1600 = vector.broadcast %sub3A_1599 : f32 to vector<256x1xf32>
    %sub3A_1601 = arith.subf %broadcast_in_dim3A_411, %sub3A_1600 : vector<256x1xf32>
    %eq3A_1602 = vector.broadcast %sub3A_1601 : vector<256x1xf32> to vector<256x128xf32>
    %eq3A_1603 = arith.cmpf oeq, %convert_element_type3A, %eq3A_1602 : vector<256x128xf32>
    %convert_element_type3A_1604 = arith.extui %eq3A_1603 : vector<256x128xi1> to vector<256x128xi32>
    %convert_element_type3A_1605 = arith.sitofp %convert_element_type3A_1604 : vector<256x128xi32> to vector<256x128xf32>
    %swap3A_1606 = arith.constant 0 : index
    %swap3A_1607 = arith.constant 6912 : index
    %swap3A_1608 = vector.load %arg5[%swap3A_1606, %swap3A_1607] : memref<256x8192xf32, #tpu.memory_space<vmem>>, vector<256x128xf32>
    tpu.vector_store %arg5[%swap3A_1606, %swap3A_1607], %convert_element_type3A_1605 {strides = array<i32>} : memref<256x8192xf32, #tpu.memory_space<vmem>>, vector<256x128xf32>,
    %get3A_1609 = arith.constant 0 : index
    %get3A_1610 = arith.constant 6912 : index
    %get3A_1611 = vector.load %arg7[%get3A_1609, %get3A_1610] : memref<1x8192xf32, #tpu.memory_space<vmem>>, vector<1x128xf32>
    %get3A_1612 = vector.shape_cast %get3A_1611 : vector<1x128xf32> to vector<128xf32>
    %reduce_sum3A_1613 = arith.constant dense<0.000000e+00> : vector<128xf32>
    %reduce_sum3A_1614 = vector.multi_reduction <add>, %convert_element_type3A_1605, %reduce_sum3A_1613 [0] : vector<256x128xf32> to vector<128xf32>
    %add3A_1615 = arith.addf %get3A_1612, %reduce_sum3A_1614 : vector<128xf32>
    %swap3A_1616 = arith.constant 0 : index
    %swap3A_1617 = arith.constant 6912 : index
    %swap3A_1618 = vector.load %arg7[%swap3A_1616, %swap3A_1617] : memref<1x8192xf32, #tpu.memory_space<vmem>>, vector<1x128xf32>
    %swap3A_1619 = vector.shape_cast %swap3A_1618 : vector<1x128xf32> to vector<128xf32>
    %swap3A_1620 = vector.shape_cast %add3A_1615 : vector<128xf32> to vector<1x128xf32>
    tpu.vector_store %arg7[%swap3A_1616, %swap3A_1617], %swap3A_1620 {strides = array<i32>} : memref<1x8192xf32, #tpu.memory_space<vmem>>, vector<1x128xf32>,
    %sub3A_1621 = arith.constant 7.040000e+03 : f32
    %sub3A_1622 = vector.broadcast %sub3A_1621 : f32 to vector<256x1xf32>
    %sub3A_1623 = arith.subf %broadcast_in_dim3A_411, %sub3A_1622 : vector<256x1xf32>
    %eq3A_1624 = vector.broadcast %sub3A_1623 : vector<256x1xf32> to vector<256x128xf32>
    %eq3A_1625 = arith.cmpf oeq, %convert_element_type3A, %eq3A_1624 : vector<256x128xf32>
    %convert_element_type3A_1626 = arith.extui %eq3A_1625 : vector<256x128xi1> to vector<256x128xi32>
    %convert_element_type3A_1627 = arith.sitofp %convert_element_type3A_1626 : vector<256x128xi32> to vector<256x128xf32>
    %swap3A_1628 = arith.constant 0 : index
    %swap3A_1629 = arith.constant 7040 : index
    %swap3A_1630 = vector.load %arg5[%swap3A_1628, %swap3A_1629] : memref<256x8192xf32, #tpu.memory_space<vmem>>, vector<256x128xf32>
    tpu.vector_store %arg5[%swap3A_1628, %swap3A_1629], %convert_element_type3A_1627 {strides = array<i32>} : memref<256x8192xf32, #tpu.memory_space<vmem>>, vector<256x128xf32>,
    %get3A_1631 = arith.constant 0 : index
    %get3A_1632 = arith.constant 7040 : index
    %get3A_1633 = vector.load %arg7[%get3A_1631, %get3A_1632] : memref<1x8192xf32, #tpu.memory_space<vmem>>, vector<1x128xf32>
    %get3A_1634 = vector.shape_cast %get3A_1633 : vector<1x128xf32> to vector<128xf32>
    %reduce_sum3A_1635 = arith.constant dense<0.000000e+00> : vector<128xf32>
    %reduce_sum3A_1636 = vector.multi_reduction <add>, %convert_element_type3A_1627, %reduce_sum3A_1635 [0] : vector<256x128xf32> to vector<128xf32>
    %add3A_1637 = arith.addf %get3A_1634, %reduce_sum3A_1636 : vector<128xf32>
    %swap3A_1638 = arith.constant 0 : index
    %swap3A_1639 = arith.constant 7040 : index
    %swap3A_1640 = vector.load %arg7[%swap3A_1638, %swap3A_1639] : memref<1x8192xf32, #tpu.memory_space<vmem>>, vector<1x128xf32>
    %swap3A_1641 = vector.shape_cast %swap3A_1640 : vector<1x128xf32> to vector<128xf32>
    %swap3A_1642 = vector.shape_cast %add3A_1637 : vector<128xf32> to vector<1x128xf32>
    tpu.vector_store %arg7[%swap3A_1638, %swap3A_1639], %swap3A_1642 {strides = array<i32>} : memref<1x8192xf32, #tpu.memory_space<vmem>>, vector<1x128xf32>,
    %sub3A_1643 = arith.constant 7.168000e+03 : f32
    %sub3A_1644 = vector.broadcast %sub3A_1643 : f32 to vector<256x1xf32>
    %sub3A_1645 = arith.subf %broadcast_in_dim3A_411, %sub3A_1644 : vector<256x1xf32>
    %eq3A_1646 = vector.broadcast %sub3A_1645 : vector<256x1xf32> to vector<256x128xf32>
    %eq3A_1647 = arith.cmpf oeq, %convert_element_type3A, %eq3A_1646 : vector<256x128xf32>
    %convert_element_type3A_1648 = arith.extui %eq3A_1647 : vector<256x128xi1> to vector<256x128xi32>
    %convert_element_type3A_1649 = arith.sitofp %convert_element_type3A_1648 : vector<256x128xi32> to vector<256x128xf32>
    %swap3A_1650 = arith.constant 0 : index
    %swap3A_1651 = arith.constant 7168 : index
    %swap3A_1652 = vector.load %arg5[%swap3A_1650, %swap3A_1651] : memref<256x8192xf32, #tpu.memory_space<vmem>>, vector<256x128xf32>
    tpu.vector_store %arg5[%swap3A_1650, %swap3A_1651], %convert_element_type3A_1649 {strides = array<i32>} : memref<256x8192xf32, #tpu.memory_space<vmem>>, vector<256x128xf32>,
    %get3A_1653 = arith.constant 0 : index
    %get3A_1654 = arith.constant 7168 : index
    %get3A_1655 = vector.load %arg7[%get3A_1653, %get3A_1654] : memref<1x8192xf32, #tpu.memory_space<vmem>>, vector<1x128xf32>
    %get3A_1656 = vector.shape_cast %get3A_1655 : vector<1x128xf32> to vector<128xf32>
    %reduce_sum3A_1657 = arith.constant dense<0.000000e+00> : vector<128xf32>
    %reduce_sum3A_1658 = vector.multi_reduction <add>, %convert_element_type3A_1649, %reduce_sum3A_1657 [0] : vector<256x128xf32> to vector<128xf32>
    %add3A_1659 = arith.addf %get3A_1656, %reduce_sum3A_1658 : vector<128xf32>
    %swap3A_1660 = arith.constant 0 : index
    %swap3A_1661 = arith.constant 7168 : index
    %swap3A_1662 = vector.load %arg7[%swap3A_1660, %swap3A_1661] : memref<1x8192xf32, #tpu.memory_space<vmem>>, vector<1x128xf32>
    %swap3A_1663 = vector.shape_cast %swap3A_1662 : vector<1x128xf32> to vector<128xf32>
    %swap3A_1664 = vector.shape_cast %add3A_1659 : vector<128xf32> to vector<1x128xf32>
    tpu.vector_store %arg7[%swap3A_1660, %swap3A_1661], %swap3A_1664 {strides = array<i32>} : memref<1x8192xf32, #tpu.memory_space<vmem>>, vector<1x128xf32>,
    %sub3A_1665 = arith.constant 7.296000e+03 : f32
    %sub3A_1666 = vector.broadcast %sub3A_1665 : f32 to vector<256x1xf32>
    %sub3A_1667 = arith.subf %broadcast_in_dim3A_411, %sub3A_1666 : vector<256x1xf32>
    %eq3A_1668 = vector.broadcast %sub3A_1667 : vector<256x1xf32> to vector<256x128xf32>
    %eq3A_1669 = arith.cmpf oeq, %convert_element_type3A, %eq3A_1668 : vector<256x128xf32>
    %convert_element_type3A_1670 = arith.extui %eq3A_1669 : vector<256x128xi1> to vector<256x128xi32>
    %convert_element_type3A_1671 = arith.sitofp %convert_element_type3A_1670 : vector<256x128xi32> to vector<256x128xf32>
    %swap3A_1672 = arith.constant 0 : index
    %swap3A_1673 = arith.constant 7296 : index
    %swap3A_1674 = vector.load %arg5[%swap3A_1672, %swap3A_1673] : memref<256x8192xf32, #tpu.memory_space<vmem>>, vector<256x128xf32>
    tpu.vector_store %arg5[%swap3A_1672, %swap3A_1673], %convert_element_type3A_1671 {strides = array<i32>} : memref<256x8192xf32, #tpu.memory_space<vmem>>, vector<256x128xf32>,
    %get3A_1675 = arith.constant 0 : index
    %get3A_1676 = arith.constant 7296 : index
    %get3A_1677 = vector.load %arg7[%get3A_1675, %get3A_1676] : memref<1x8192xf32, #tpu.memory_space<vmem>>, vector<1x128xf32>
    %get3A_1678 = vector.shape_cast %get3A_1677 : vector<1x128xf32> to vector<128xf32>
    %reduce_sum3A_1679 = arith.constant dense<0.000000e+00> : vector<128xf32>
    %reduce_sum3A_1680 = vector.multi_reduction <add>, %convert_element_type3A_1671, %reduce_sum3A_1679 [0] : vector<256x128xf32> to vector<128xf32>
    %add3A_1681 = arith.addf %get3A_1678, %reduce_sum3A_1680 : vector<128xf32>
    %swap3A_1682 = arith.constant 0 : index
    %swap3A_1683 = arith.constant 7296 : index
    %swap3A_1684 = vector.load %arg7[%swap3A_1682, %swap3A_1683] : memref<1x8192xf32, #tpu.memory_space<vmem>>, vector<1x128xf32>
    %swap3A_1685 = vector.shape_cast %swap3A_1684 : vector<1x128xf32> to vector<128xf32>
    %swap3A_1686 = vector.shape_cast %add3A_1681 : vector<128xf32> to vector<1x128xf32>
    tpu.vector_store %arg7[%swap3A_1682, %swap3A_1683], %swap3A_1686 {strides = array<i32>} : memref<1x8192xf32, #tpu.memory_space<vmem>>, vector<1x128xf32>,
    %sub3A_1687 = arith.constant 7.424000e+03 : f32
    %sub3A_1688 = vector.broadcast %sub3A_1687 : f32 to vector<256x1xf32>
    %sub3A_1689 = arith.subf %broadcast_in_dim3A_411, %sub3A_1688 : vector<256x1xf32>
    %eq3A_1690 = vector.broadcast %sub3A_1689 : vector<256x1xf32> to vector<256x128xf32>
    %eq3A_1691 = arith.cmpf oeq, %convert_element_type3A, %eq3A_1690 : vector<256x128xf32>
    %convert_element_type3A_1692 = arith.extui %eq3A_1691 : vector<256x128xi1> to vector<256x128xi32>
    %convert_element_type3A_1693 = arith.sitofp %convert_element_type3A_1692 : vector<256x128xi32> to vector<256x128xf32>
    %swap3A_1694 = arith.constant 0 : index
    %swap3A_1695 = arith.constant 7424 : index
    %swap3A_1696 = vector.load %arg5[%swap3A_1694, %swap3A_1695] : memref<256x8192xf32, #tpu.memory_space<vmem>>, vector<256x128xf32>
    tpu.vector_store %arg5[%swap3A_1694, %swap3A_1695], %convert_element_type3A_1693 {strides = array<i32>} : memref<256x8192xf32, #tpu.memory_space<vmem>>, vector<256x128xf32>,
    %get3A_1697 = arith.constant 0 : index
    %get3A_1698 = arith.constant 7424 : index
    %get3A_1699 = vector.load %arg7[%get3A_1697, %get3A_1698] : memref<1x8192xf32, #tpu.memory_space<vmem>>, vector<1x128xf32>
    %get3A_1700 = vector.shape_cast %get3A_1699 : vector<1x128xf32> to vector<128xf32>
    %reduce_sum3A_1701 = arith.constant dense<0.000000e+00> : vector<128xf32>
    %reduce_sum3A_1702 = vector.multi_reduction <add>, %convert_element_type3A_1693, %reduce_sum3A_1701 [0] : vector<256x128xf32> to vector<128xf32>
    %add3A_1703 = arith.addf %get3A_1700, %reduce_sum3A_1702 : vector<128xf32>
    %swap3A_1704 = arith.constant 0 : index
    %swap3A_1705 = arith.constant 7424 : index
    %swap3A_1706 = vector.load %arg7[%swap3A_1704, %swap3A_1705] : memref<1x8192xf32, #tpu.memory_space<vmem>>, vector<1x128xf32>
    %swap3A_1707 = vector.shape_cast %swap3A_1706 : vector<1x128xf32> to vector<128xf32>
    %swap3A_1708 = vector.shape_cast %add3A_1703 : vector<128xf32> to vector<1x128xf32>
    tpu.vector_store %arg7[%swap3A_1704, %swap3A_1705], %swap3A_1708 {strides = array<i32>} : memref<1x8192xf32, #tpu.memory_space<vmem>>, vector<1x128xf32>,
    %sub3A_1709 = arith.constant 7.552000e+03 : f32
    %sub3A_1710 = vector.broadcast %sub3A_1709 : f32 to vector<256x1xf32>
    %sub3A_1711 = arith.subf %broadcast_in_dim3A_411, %sub3A_1710 : vector<256x1xf32>
    %eq3A_1712 = vector.broadcast %sub3A_1711 : vector<256x1xf32> to vector<256x128xf32>
    %eq3A_1713 = arith.cmpf oeq, %convert_element_type3A, %eq3A_1712 : vector<256x128xf32>
    %convert_element_type3A_1714 = arith.extui %eq3A_1713 : vector<256x128xi1> to vector<256x128xi32>
    %convert_element_type3A_1715 = arith.sitofp %convert_element_type3A_1714 : vector<256x128xi32> to vector<256x128xf32>
    %swap3A_1716 = arith.constant 0 : index
    %swap3A_1717 = arith.constant 7552 : index
    %swap3A_1718 = vector.load %arg5[%swap3A_1716, %swap3A_1717] : memref<256x8192xf32, #tpu.memory_space<vmem>>, vector<256x128xf32>
    tpu.vector_store %arg5[%swap3A_1716, %swap3A_1717], %convert_element_type3A_1715 {strides = array<i32>} : memref<256x8192xf32, #tpu.memory_space<vmem>>, vector<256x128xf32>,
    %get3A_1719 = arith.constant 0 : index
    %get3A_1720 = arith.constant 7552 : index
    %get3A_1721 = vector.load %arg7[%get3A_1719, %get3A_1720] : memref<1x8192xf32, #tpu.memory_space<vmem>>, vector<1x128xf32>
    %get3A_1722 = vector.shape_cast %get3A_1721 : vector<1x128xf32> to vector<128xf32>
    %reduce_sum3A_1723 = arith.constant dense<0.000000e+00> : vector<128xf32>
    %reduce_sum3A_1724 = vector.multi_reduction <add>, %convert_element_type3A_1715, %reduce_sum3A_1723 [0] : vector<256x128xf32> to vector<128xf32>
    %add3A_1725 = arith.addf %get3A_1722, %reduce_sum3A_1724 : vector<128xf32>
    %swap3A_1726 = arith.constant 0 : index
    %swap3A_1727 = arith.constant 7552 : index
    %swap3A_1728 = vector.load %arg7[%swap3A_1726, %swap3A_1727] : memref<1x8192xf32, #tpu.memory_space<vmem>>, vector<1x128xf32>
    %swap3A_1729 = vector.shape_cast %swap3A_1728 : vector<1x128xf32> to vector<128xf32>
    %swap3A_1730 = vector.shape_cast %add3A_1725 : vector<128xf32> to vector<1x128xf32>
    tpu.vector_store %arg7[%swap3A_1726, %swap3A_1727], %swap3A_1730 {strides = array<i32>} : memref<1x8192xf32, #tpu.memory_space<vmem>>, vector<1x128xf32>,
    %sub3A_1731 = arith.constant 7.680000e+03 : f32
    %sub3A_1732 = vector.broadcast %sub3A_1731 : f32 to vector<256x1xf32>
    %sub3A_1733 = arith.subf %broadcast_in_dim3A_411, %sub3A_1732 : vector<256x1xf32>
    %eq3A_1734 = vector.broadcast %sub3A_1733 : vector<256x1xf32> to vector<256x128xf32>
    %eq3A_1735 = arith.cmpf oeq, %convert_element_type3A, %eq3A_1734 : vector<256x128xf32>
    %convert_element_type3A_1736 = arith.extui %eq3A_1735 : vector<256x128xi1> to vector<256x128xi32>
    %convert_element_type3A_1737 = arith.sitofp %convert_element_type3A_1736 : vector<256x128xi32> to vector<256x128xf32>
    %swap3A_1738 = arith.constant 0 : index
    %swap3A_1739 = arith.constant 7680 : index
    %swap3A_1740 = vector.load %arg5[%swap3A_1738, %swap3A_1739] : memref<256x8192xf32, #tpu.memory_space<vmem>>, vector<256x128xf32>
    tpu.vector_store %arg5[%swap3A_1738, %swap3A_1739], %convert_element_type3A_1737 {strides = array<i32>} : memref<256x8192xf32, #tpu.memory_space<vmem>>, vector<256x128xf32>,
    %get3A_1741 = arith.constant 0 : index
    %get3A_1742 = arith.constant 7680 : index
    %get3A_1743 = vector.load %arg7[%get3A_1741, %get3A_1742] : memref<1x8192xf32, #tpu.memory_space<vmem>>, vector<1x128xf32>
    %get3A_1744 = vector.shape_cast %get3A_1743 : vector<1x128xf32> to vector<128xf32>
    %reduce_sum3A_1745 = arith.constant dense<0.000000e+00> : vector<128xf32>
    %reduce_sum3A_1746 = vector.multi_reduction <add>, %convert_element_type3A_1737, %reduce_sum3A_1745 [0] : vector<256x128xf32> to vector<128xf32>
    %add3A_1747 = arith.addf %get3A_1744, %reduce_sum3A_1746 : vector<128xf32>
    %swap3A_1748 = arith.constant 0 : index
    %swap3A_1749 = arith.constant 7680 : index
    %swap3A_1750 = vector.load %arg7[%swap3A_1748, %swap3A_1749] : memref<1x8192xf32, #tpu.memory_space<vmem>>, vector<1x128xf32>
    %swap3A_1751 = vector.shape_cast %swap3A_1750 : vector<1x128xf32> to vector<128xf32>
    %swap3A_1752 = vector.shape_cast %add3A_1747 : vector<128xf32> to vector<1x128xf32>
    tpu.vector_store %arg7[%swap3A_1748, %swap3A_1749], %swap3A_1752 {strides = array<i32>} : memref<1x8192xf32, #tpu.memory_space<vmem>>, vector<1x128xf32>,
    %sub3A_1753 = arith.constant 7.808000e+03 : f32
    %sub3A_1754 = vector.broadcast %sub3A_1753 : f32 to vector<256x1xf32>
    %sub3A_1755 = arith.subf %broadcast_in_dim3A_411, %sub3A_1754 : vector<256x1xf32>
    %eq3A_1756 = vector.broadcast %sub3A_1755 : vector<256x1xf32> to vector<256x128xf32>
    %eq3A_1757 = arith.cmpf oeq, %convert_element_type3A, %eq3A_1756 : vector<256x128xf32>
    %convert_element_type3A_1758 = arith.extui %eq3A_1757 : vector<256x128xi1> to vector<256x128xi32>
    %convert_element_type3A_1759 = arith.sitofp %convert_element_type3A_1758 : vector<256x128xi32> to vector<256x128xf32>
    %swap3A_1760 = arith.constant 0 : index
    %swap3A_1761 = arith.constant 7808 : index
    %swap3A_1762 = vector.load %arg5[%swap3A_1760, %swap3A_1761] : memref<256x8192xf32, #tpu.memory_space<vmem>>, vector<256x128xf32>
    tpu.vector_store %arg5[%swap3A_1760, %swap3A_1761], %convert_element_type3A_1759 {strides = array<i32>} : memref<256x8192xf32, #tpu.memory_space<vmem>>, vector<256x128xf32>,
    %get3A_1763 = arith.constant 0 : index
    %get3A_1764 = arith.constant 7808 : index
    %get3A_1765 = vector.load %arg7[%get3A_1763, %get3A_1764] : memref<1x8192xf32, #tpu.memory_space<vmem>>, vector<1x128xf32>
    %get3A_1766 = vector.shape_cast %get3A_1765 : vector<1x128xf32> to vector<128xf32>
    %reduce_sum3A_1767 = arith.constant dense<0.000000e+00> : vector<128xf32>
    %reduce_sum3A_1768 = vector.multi_reduction <add>, %convert_element_type3A_1759, %reduce_sum3A_1767 [0] : vector<256x128xf32> to vector<128xf32>
    %add3A_1769 = arith.addf %get3A_1766, %reduce_sum3A_1768 : vector<128xf32>
    %swap3A_1770 = arith.constant 0 : index
    %swap3A_1771 = arith.constant 7808 : index
    %swap3A_1772 = vector.load %arg7[%swap3A_1770, %swap3A_1771] : memref<1x8192xf32, #tpu.memory_space<vmem>>, vector<1x128xf32>
    %swap3A_1773 = vector.shape_cast %swap3A_1772 : vector<1x128xf32> to vector<128xf32>
    %swap3A_1774 = vector.shape_cast %add3A_1769 : vector<128xf32> to vector<1x128xf32>
    tpu.vector_store %arg7[%swap3A_1770, %swap3A_1771], %swap3A_1774 {strides = array<i32>} : memref<1x8192xf32, #tpu.memory_space<vmem>>, vector<1x128xf32>,
    %sub3A_1775 = arith.constant 7.936000e+03 : f32
    %sub3A_1776 = vector.broadcast %sub3A_1775 : f32 to vector<256x1xf32>
    %sub3A_1777 = arith.subf %broadcast_in_dim3A_411, %sub3A_1776 : vector<256x1xf32>
    %eq3A_1778 = vector.broadcast %sub3A_1777 : vector<256x1xf32> to vector<256x128xf32>
    %eq3A_1779 = arith.cmpf oeq, %convert_element_type3A, %eq3A_1778 : vector<256x128xf32>
    %convert_element_type3A_1780 = arith.extui %eq3A_1779 : vector<256x128xi1> to vector<256x128xi32>
    %convert_element_type3A_1781 = arith.sitofp %convert_element_type3A_1780 : vector<256x128xi32> to vector<256x128xf32>
    %swap3A_1782 = arith.constant 0 : index
    %swap3A_1783 = arith.constant 7936 : index
    %swap3A_1784 = vector.load %arg5[%swap3A_1782, %swap3A_1783] : memref<256x8192xf32, #tpu.memory_space<vmem>>, vector<256x128xf32>
    tpu.vector_store %arg5[%swap3A_1782, %swap3A_1783], %convert_element_type3A_1781 {strides = array<i32>} : memref<256x8192xf32, #tpu.memory_space<vmem>>, vector<256x128xf32>,
    %get3A_1785 = arith.constant 0 : index
    %get3A_1786 = arith.constant 7936 : index
    %get3A_1787 = vector.load %arg7[%get3A_1785, %get3A_1786] : memref<1x8192xf32, #tpu.memory_space<vmem>>, vector<1x128xf32>
    %get3A_1788 = vector.shape_cast %get3A_1787 : vector<1x128xf32> to vector<128xf32>
    %reduce_sum3A_1789 = arith.constant dense<0.000000e+00> : vector<128xf32>
    %reduce_sum3A_1790 = vector.multi_reduction <add>, %convert_element_type3A_1781, %reduce_sum3A_1789 [0] : vector<256x128xf32> to vector<128xf32>
    %add3A_1791 = arith.addf %get3A_1788, %reduce_sum3A_1790 : vector<128xf32>
    %swap3A_1792 = arith.constant 0 : index
    %swap3A_1793 = arith.constant 7936 : index
    %swap3A_1794 = vector.load %arg7[%swap3A_1792, %swap3A_1793] : memref<1x8192xf32, #tpu.memory_space<vmem>>, vector<1x128xf32>
    %swap3A_1795 = vector.shape_cast %swap3A_1794 : vector<1x128xf32> to vector<128xf32>
    %swap3A_1796 = vector.shape_cast %add3A_1791 : vector<128xf32> to vector<1x128xf32>
    tpu.vector_store %arg7[%swap3A_1792, %swap3A_1793], %swap3A_1796 {strides = array<i32>} : memref<1x8192xf32, #tpu.memory_space<vmem>>, vector<1x128xf32>,
    %sub3A_1797 = arith.constant 8.064000e+03 : f32
    %sub3A_1798 = vector.broadcast %sub3A_1797 : f32 to vector<256x1xf32>
    %sub3A_1799 = arith.subf %broadcast_in_dim3A_411, %sub3A_1798 : vector<256x1xf32>
    %eq3A_1800 = vector.broadcast %sub3A_1799 : vector<256x1xf32> to vector<256x128xf32>
    %eq3A_1801 = arith.cmpf oeq, %convert_element_type3A, %eq3A_1800 : vector<256x128xf32>
    %convert_element_type3A_1802 = arith.extui %eq3A_1801 : vector<256x128xi1> to vector<256x128xi32>
    %convert_element_type3A_1803 = arith.sitofp %convert_element_type3A_1802 : vector<256x128xi32> to vector<256x128xf32>
    %swap3A_1804 = arith.constant 0 : index
    %swap3A_1805 = arith.constant 8064 : index
    %swap3A_1806 = vector.load %arg5[%swap3A_1804, %swap3A_1805] : memref<256x8192xf32, #tpu.memory_space<vmem>>, vector<256x128xf32>
    tpu.vector_store %arg5[%swap3A_1804, %swap3A_1805], %convert_element_type3A_1803 {strides = array<i32>} : memref<256x8192xf32, #tpu.memory_space<vmem>>, vector<256x128xf32>,
    %get3A_1807 = arith.constant 0 : index
    %get3A_1808 = arith.constant 8064 : index
    %get3A_1809 = vector.load %arg7[%get3A_1807, %get3A_1808] : memref<1x8192xf32, #tpu.memory_space<vmem>>, vector<1x128xf32>
    %get3A_1810 = vector.shape_cast %get3A_1809 : vector<1x128xf32> to vector<128xf32>
    %reduce_sum3A_1811 = arith.constant dense<0.000000e+00> : vector<128xf32>
    %reduce_sum3A_1812 = vector.multi_reduction <add>, %convert_element_type3A_1803, %reduce_sum3A_1811 [0] : vector<256x128xf32> to vector<128xf32>
    %add3A_1813 = arith.addf %get3A_1810, %reduce_sum3A_1812 : vector<128xf32>
    %swap3A_1814 = arith.constant 0 : index
    %swap3A_1815 = arith.constant 8064 : index
    %swap3A_1816 = vector.load %arg7[%swap3A_1814, %swap3A_1815] : memref<1x8192xf32, #tpu.memory_space<vmem>>, vector<1x128xf32>
    %swap3A_1817 = vector.shape_cast %swap3A_1816 : vector<1x128xf32> to vector<128xf32>
    %swap3A_1818 = vector.shape_cast %add3A_1813 : vector<128xf32> to vector<1x128xf32>
    tpu.vector_store %arg7[%swap3A_1814, %swap3A_1815], %swap3A_1818 {strides = array<i32>} : memref<1x8192xf32, #tpu.memory_space<vmem>>, vector<1x128xf32>,
    %get3A_1819 = arith.constant 0 : index
    %get3A_1820 = arith.constant 0 : index
    %get3A_1821 = vector.load %arg8[%get3A_1819, %get3A_1820] : memref<1x1xf32, #tpu.memory_space<vmem>>, vector<1x1xf32>
    %reduce_sum3A_1822 = arith.constant dense<0.000000e+00> : vector<1xf32>
    %reduce_sum3A_1823 = vector.multi_reduction <add>, %broadcast_in_dim3A_394, %reduce_sum3A_1822 [0] : vector<256x1xf32> to vector<1xf32>
    %broadcast_in_dim3A_1824 = vector.shape_cast %reduce_sum3A_1823 : vector<1xf32> to vector<1x1xf32>
    %add3A_1825 = arith.addf %get3A_1821, %broadcast_in_dim3A_1824 : vector<1x1xf32>
    %swap3A_1826 = arith.constant 0 : index
    %swap3A_1827 = arith.constant 0 : index
    %swap3A_1828 = vector.load %arg8[%swap3A_1826, %swap3A_1827] : memref<1x1xf32, #tpu.memory_space<vmem>>, vector<1x1xf32>
    tpu.vector_store %arg8[%swap3A_1826, %swap3A_1827], %add3A_1825 {strides = array<i32>} : memref<1x1xf32, #tpu.memory_space<vmem>>, vector<1x1xf32>,
    return
  }
  func.func @transform_0(%arg0: i32) -> (i32, i32) {
    %c0_i32 = arith.constant 0 : i32
    %c0_i32_0 = arith.constant 0 : i32
    return %arg0, %c0_i32 : i32, i32
  }
  func.func @transform_1(%arg0: i32) -> (i32, i32) {
    %c0_i32 = arith.constant 0 : i32
    %c0_i32_0 = arith.constant 0 : i32
    %c0_i32_1 = arith.constant 0 : i32
    return %c0_i32, %c0_i32_0 : i32, i32
  }
  func.func @transform_2(%arg0: i32) -> (i32, i32) {
    %c0_i32 = arith.constant 0 : i32
    %c0_i32_0 = arith.constant 0 : i32
    return %arg0, %c0_i32 : i32, i32
  }
  func.func @transform_3(%arg0: i32) -> (i32, i32) {
    %c0_i32 = arith.constant 0 : i32
    %c0_i32_0 = arith.constant 0 : i32
    %c0_i32_1 = arith.constant 0 : i32
    return %c0_i32, %c0_i32_0 : i32, i32
  }
  func.func @transform_4(%arg0: i32) -> (i32, i32) {
    %c0_i32 = arith.constant 0 : i32
    %c0_i32_0 = arith.constant 0 : i32
    return %arg0, %c0_i32 : i32, i32
  }
  func.func @transform_5(%arg0: i32) -> (i32, i32, i32) {
    %c0_i32 = arith.constant 0 : i32
    %c0_i32_0 = arith.constant 0 : i32
    %c0_i32_1 = arith.constant 0 : i32
    return %arg0, %c0_i32, %c0_i32_0 : i32, i32, i32
  }
  func.func @transform_6(%arg0: i32) -> (i32, i32) {
    %c0_i32 = arith.constant 0 : i32
    %c0_i32_0 = arith.constant 0 : i32
    %c0_i32_1 = arith.constant 0 : i32
    return %c0_i32, %c0_i32_0 : i32, i32
  }
  func.func @transform_7(%arg0: i32) -> (i32, i32) {
    %c0_i32 = arith.constant 0 : i32
    %c0_i32_0 = arith.constant 0 : i32
    %c0_i32_1 = arith.constant 0 : i32
    return %c0_i32, %c0_i32_0 : i32, i32
  }
}

</mosaic_0001>

<sc_bundles>
// kernel: kernel.4.cloned.1.call-start
scs
__scs_entry_jumppad:
0x0: {  	(pc) =	sbr.rel $0x88, $3  }
0x1: {  	(tag) =	ssettag $0x0;
	lr =	simm.s32 $0x1  }
0x2: {  	[smem:$0x3F9F] =	sst lr;
	_ =	strace $0xD0000000  }
0x3: {  	_ = 	snop  }
0x4: {  	_ = 	snop  }
0x5: {  	_ = 	snop  }
0x6: {  	_ = 	snop  }
0x7: {  	_ = 	snop  }
__scs_overlays_trampoline_lowered:
0x8: {  	[smem:$0x3FAE] =	sst s0  }
0x9: {  	[smem:$0x3FAF] =	sst s1  }
0xa: {  	[smem:$0x3FB0] =	sst s2  }
0xb: {  	[smem:$0x3FB1] =	sst s3  }
0xc: {  	[smem:$0x3FB2] =	sst s4  }
0xd: {  	[smem:$0x3FB3] =	sst s5  }
0xe: {  	[smem:$0x3FB4] =	sst s6  }
0xf: {  	[smem:$0x3FB5] =	sst s7  }
0x10: {  	[smem:$0x3FB6] =	sst s8  }
0x11: {  	[smem:$0x3FB7] =	sst s9;
	s0 =	simm.s32 @!p0 $0x0  }
0x12: {  	s1 =	sld [smem:$0x3F9D];
	s0 =	simm.s32 @p0 $0x1  }
0x13: {  	[smem:$0x3FB8] =	sst s0;
	s0 =	simm.s32 @!p1 $0x0  }
0x14: {  	s2 =	sld [smem:$0x3F9C];
	s0 =	simm.s32 @p1 $0x1  }
0x15: {  	[smem:$0x3FB9] =	sst s0;
	s0 =	simm.s32 @!p2 $0x0  }
0x16: {  	s3 =	sld [smem:$0x3FDB];
	s0 =	simm.s32 @p2 $0x1  }
0x17: {  	s4 =	simm.s32 $0x1BF5;
	[smem:$0x3FBB] =	sst s0  }
0x18: {  	s0 =	sld [smem:$0x3F9E];
	_ =	swait.ge [sflag:s4], $0x0  }
0x19: {  	s7 =	sld [smem:$0x3F9F]  }
0x1a: {  	s8 =	sadd.s32 $0xFFFFE003, lr  }
0x1b: {  	s9 =	sadd.s32 $0xFFFFFEF7, lr;
	s5 =	simm.s32 $0xFFFFFFFF;
	p2 =	slt.u32 s8, $0xFFFFF086  }
0x1c: {  	p1 =	slt.u32 s9, $0xF7A;
	s5 =	simm.s32 @!p2 $0x0  }
0x1d: {  	s5 =	simm.s32 @p1 $0x1;
	p0 =	seq.s32 s7, s2  }
0x1e: {  	s7 =	smul.u32 @!p0 $0xF7A, s2;
	p2 =	seq.s32 @!p0 s5, $0x0  }
0x1f: {  	s9 =	smul.u32 $0xF7A, s1;
	s8 =	simm.s32 @!p0 $0x1BF5;
	p2 =	por !p2, p0  }
0x20: {  	[sflag:s8] =	ssyncset.s32 @!p0 $0xFFFFF086;
	s6 =	sadd.s32 @!p0 s3, s7;
	s7 =	simm.s32 @!p0 $0x108  }
0x21: {  	s3 =	sadd.s32 s3, s9;
	s6 =	sadd.s32 @!p0 $0x88, s6;
	s7 =	simm.s32 @p2 $0x1082  }
0x22: {  	[simem:s7], [sflag:s8] =	dma.local @!p0 [hbm:s6], $0xF7A  }
0x23: {  	s9 =	sor.u32 $0xD0000000, s2;
	s6 =	simm.s32 $0x108;
	_ =	swait.ge @!p0 [sflag:s8], $0x0  }
0x24: {  	s3 =	sadd.s32 $0x88, s3;
	s6 =	simm.s32 @!p1 $0x1082;
	[sflag:s4] =	ssyncset.s32 $0xFFFFF086  }
0x25: {  	[simem:s6], [sflag:s4] =	dma.local [hbm:s3], $0xF7A  }
0x26: {  	[smem:$0x3F9F] =	sst s1;
	(tag) =	ssettag s2;
	_ =	strace s9  }
0x27: {  	s1 =	sld [smem:$0x3FAF]  }
0x28: {  	s2 =	sld [smem:$0x3FB0]  }
0x29: {  	s4 =	sld [smem:$0x3FB2]  }
0x2a: {  	p0 =	seq.s32 s5, $0x0;
	s5 =	sld [smem:$0x3FB3]  }
0x2b: {  	s6 =	sld [smem:$0x3FB4]  }
0x2c: {  	s7 =	sld [smem:$0x3FB5]  }
0x2d: {  	s3 =	simm.s32 $0x108;
	s8 =	sld [smem:$0x3FB6]  }
0x2e: {  	s3 =	simm.s32 @!p0 $0x1082;
	s9 =	sld [smem:$0x3FB7]  }
0x2f: {  	lr =	sadd.s32 s0, s3;
	s0 =	sld [smem:$0x3FAE]  }
0x30: {  	s3 =	sld [smem:$0x3FB1]  }
0x31: {  	[smem:$0x3FBA] =	sst s10  }
0x32: {  	s10 =	sld [smem:$0x3FB8];
	_ =	sdelay $0x3  }
0x33: {  	p0 =	seq.s32 s10, $0x1;
	s10 =	sld [smem:$0x3FBA];
	_ =	sdelay $0x3  }
0x34: {  	[smem:$0x3FBA] =	sst s10  }
0x35: {  	s10 =	sld [smem:$0x3FB9];
	_ =	sdelay $0x3  }
0x36: {  	p1 =	seq.s32 s10, $0x1;
	s10 =	sld [smem:$0x3FBA];
	_ =	sdelay $0x3  }
0x37: {  	[smem:$0x3FBA] =	sst s10  }
0x38: {  	s10 =	sld [smem:$0x3FBB]  }
0x39: {  	_ = 	snop;
	(pc) =	sbr.ind lr, $3  }
0x3a: {  	_ = 	snop  }
0x3b: {  	_ = 	snop  }
0x3c: {  	p2 =	seq.s32 s10, $0x1;
	s10 =	sld [smem:$0x3FBA]  }
0x3d: {  	_ =	shalt  }
0x3e: {  	_ =	shalt  }
0x3f: {  	_ =	shalt  }
0x40: {  	_ =	shalt  }
0x41: {  	_ =	shalt  }
0x42: {  	_ =	shalt  }
0x43: {  	_ =	shalt  }
0x44: {  	_ =	shalt  }
0x45: {  	_ =	shalt  }
0x46: {  	_ =	shalt  }
0x47: {  	_ =	shalt  }
0x48: {  	_ =	shalt  }
0x49: {  	_ =	shalt  }
0x4a: {  	_ =	shalt  }
0x4b: {  	_ =	shalt  }
0x4c: {  	_ =	shalt  }
0x4d: {  	_ =	shalt  }
0x4e: {  	_ =	shalt  }
0x4f: {  	_ =	shalt  }
0x50: {  	_ =	shalt  }
0x51: {  	_ =	shalt  }
0x52: {  	_ =	shalt  }
0x53: {  	_ =	shalt  }
0x54: {  	_ =	shalt  }
0x55: {  	_ =	shalt  }
0x56: {  	_ =	shalt  }
0x57: {  	_ =	shalt  }
0x58: {  	_ =	shalt  }
0x59: {  	_ =	shalt  }
0x5a: {  	_ =	shalt  }
0x5b: {  	_ =	shalt  }
0x5c: {  	_ =	shalt  }
0x5d: {  	_ =	shalt  }
0x5e: {  	_ =	shalt  }
0x5f: {  	_ =	shalt  }
0x60: {  	_ =	shalt  }
0x61: {  	_ =	shalt  }
0x62: {  	_ =	shalt  }
0x63: {  	_ =	shalt  }
0x64: {  	_ =	shalt  }
0x65: {  	_ =	shalt  }
0x66: {  	_ =	shalt  }
0x67: {  	_ =	shalt  }
0x68: {  	_ =	shalt  }
0x69: {  	_ =	shalt  }
0x6a: {  	_ =	shalt  }
0x6b: {  	_ =	shalt  }
0x6c: {  	_ =	shalt  }
0x6d: {  	_ =	shalt  }
0x6e: {  	_ =	shalt  }
0x6f: {  	_ =	shalt  }
0x70: {  	_ =	shalt  }
0x71: {  	_ =	shalt  }
0x72: {  	_ =	shalt  }
0x73: {  	_ =	shalt  }
0x74: {  	_ =	shalt  }
0x75: {  	_ =	shalt  }
0x76: {  	_ =	shalt  }
0x77: {  	_ =	shalt  }
0x78: {  	_ =	shalt  }
0x79: {  	_ =	shalt  }
0x7a: {  	_ =	shalt  }
0x7b: {  	_ =	shalt  }
0x7c: {  	_ =	shalt  }
0x7d: {  	_ =	shalt  }
0x7e: {  	_ =	shalt  }
0x7f: {  	_ =	shalt  }
0x80: {  	_ =	shalt  }
0x81: {  	_ =	shalt  }
0x82: {  	_ =	shalt  }
0x83: {  	_ =	shalt  }
0x84: {  	_ =	shalt  }
0x85: {  	_ =	shalt  }
0x86: {  	_ =	shalt  }
0x87: {  	_ =	shalt  }
.Lfunc_end0:
.L_simem_size_0:
called_computation_lowered:
.L_overlay_start_0:
0x88: {  	s2 =	sld [smem:$0x3FD9]  }
0x89: {  	s3 =	sld [smem:$0x3FFE];
	_ =	sdelay $0x1  }
0x8a: {  	s1 =	srdreg.scid  }
0x8b: {  	s0 =	sand.u32 $0x1, s1  }
0x8c: {  	s14 =	sshll.u32 s0, $0xA;
	s2 =	sadd.s32 s3, s2  }
0x8d: {  	s2 =	sadd.s32 s2, s14  }
0x8e: {  	[smem:$0x3FC6] =	sst s2  }
0x8f: {  	_ = 	snop  }
0x90: {  	s2 =	sld [smem:$0x3FD0];
	_ =	sdelay $0x2  }
0x91: {  	s15 =	simm.s32 $0xA;
	s4 =	simm.s32 $0x10  }
0x92: {  	[smem:s4], [sflag:s15] =	dma.local [hbm:s2], $0x1  }
0x93: {  	_ =	swait.eq [sflag:s15], $0x1  }
0x94: {  	[sflag:s15] =	ssyncset.done $0x0  }
0x95: {  	[sflag:s15] =	ssyncadd.s32 $0xFFFFFFFF  }
0x96: {  	s16 =	sld [smem:$0x11];
	(tm) =	ssettm $0x1  }
0x97: {  	s17 =	sld [smem:$0x3FFB];
	_ =	sdelay $0x3  }
0x98: {  	_ =	strace s17  }
0x99: {  	s3 =	sld [smem:$0x3FFC];
	_ =	sdelay $0x3  }
0x9a: {  	_ =	strace s3  }
0x9b: {  	s3 =	sld [smem:$0x3FFD];
	_ =	sdelay $0x3  }
0x9c: {  	_ =	strace s3  }
0x9d: {  	_ =	strace $0x8FFFFFFF  }
0x9e: {  	s18 =	sld [smem:$0x3FDB];
	_ =	sdelay $0x1  }
0x9f: {  	s19 =	simm.s32 $_scs_section_size  }
0xa0: {  	s5 =	simm.s32 $_size__tile_overlayer_lowered;
	s6 =	simm.s32 $_tile_overlayer_lowered  }
0xa1: {  	s22 =	simm.s32 $0x1BFF;
	s21 =	sshll.u32 s6, $0x1;
	s3 =	sadd.s32 s19, s18  }
0xa2: {  	s7 =	simm.s32 $0x0;
	s20 =	sshll.u32 s5, $0x1;
	s5 =	sadd.s32 s21, s3  }
0xa3: {  	[timem:s7], [sflag:s22] =	dma.local [hbm:s5], s20  }
0xa4: {  	_ =	swait.ge [sflag:s22], s20  }
0xa5: {  	s4 =	ssub.s32 $0x0, s20;
	[sflag:s22] =	ssyncset.done $0x0  }
0xa6: {  	[sflag:s22] =	ssyncadd.s32 s4;
	_ =	sdelay $0x1  }
0xa7: {  	s23 =	simm.s32 $0x1B8B  }
0xa8: {  	_ =	swait.ge [sflag:s23], $0x1  }
0xa9: {  	[sflag:s23] =	ssyncset.done $0x0  }
0xaa: {  	s25 =	simm.s32 $0x1B8E;
	s24 =	sld [smem:$0x3FFE];
	[sflag:s23] =	ssyncadd.s32 $0xFFFFFFFF  }
0xab: {  	s26 =	simm.s32 $execute0_lowered;
	[smem:$0x3FD2] =	sst s25  }
0xac: {  	s5 =	sshll.u32 s26, $0x1;
	_ =	strace $0x80000046;
	[dreg:$0x1] =	wrdreg $0xFFFFFFFF  }
0xad: {  	s28 =	simm.s32 $_size_execute0_lowered;
	s3 =	sadd.s32 s3, s5;
	[dreg:$0x0] =	wrdreg $0x0  }
0xae: {  	s5 =	sshll.u32 s28, $0x1;
	[dreg:$0x2] =	wrdreg s3  }
0xaf: {  	[dreg:$0x3] =	wrdreg s5  }
0xb0: {  	[dreg:$0x4] =	wrdreg $0xC0  }
0xb1: {  	_ =	task [dreg:s7], $0x5FFFF  }
0xb2: {  	[dreg:$0x1] =	wrdreg $0xFFFFFFFF  }
0xb3: {  	[dreg:$0x0] =	wrdreg $0x60  }
0xb4: {  	[dreg:$0x2] =	wrdreg s24  }
0xb5: {  	[dreg:$0x3] =	wrdreg s16  }
0xb6: {  	[dreg:$0x4] =	wrdreg $0x9  }
0xb7: {  	_ =	task.clear_ibuf [dreg:s7], $0x5FFFF;
	_ =	strace $0x90000046  }
0xb8: {  	s29 =	simm.s32 $0x9;
	_ =	strace $0x80000048  }
0xb9: {  	_ =	swait.ge [sflag:s29], $0x1  }
0xba: {  	[sflag:s29] =	ssyncadd.s32 $0xFFFFFFFF  }
0xbb: {  	_ =	strace $0x90000048  }
0xbc: {  	_ =	sfence  }
0xbd: {  	s30 =	sld [smem:$0x0];
	_ =	sdelay $0x2  }
0xbe: {  	s31 =	sshll.u32 s1, $0xD;
	s1 =	sshrl.u32 s1, $0x2  }
0xbf: {  	s3 =	sand.u32 $0x4000, s31;
	s1 =	sadd.s32 s1, s30  }
0xc0: {  	s0 =	sor.u32 s3, s0;
	s1 =	sshll.u32 s1, $0x11  }
0xc1: {  	s0 =	sor.u32 s1, s0  }
0xc2: {  	s0 =	sadd.s32 $0x8F2B, s0  }
0xc3: {  	[sflag:s0] =	ssyncadd.remote.s32 $0x1  }
0xc4: {  	_ =	sfence.sel $0xFFFF  }
0xc5: {  	[dreg:$0x0] =	wrdreg $0xFFFFFFFF;
	(pc) =	sbr.abs _section_cstart, $3  }
0xc6: {  	[dreg:$0x1] =	wrdreg $0xFFFFFFFF  }
0xc7: {  	_ =	task.clear_ibuf [dreg:s7], $0x2FFFF;
	_ =	strace $0x9FFFFFFF  }
0xc8: {  	(tm) =	ssettm $0x7FFFFFFF  }
0xc9: {  	_ =	shalt  }
tec
execute0_lowered:
.L_overlay_start_1:
0x0: {  	(tag) =	ssettag $0x1  }
0x1: {  	s1 =	srdreg.scid;
	s0 =	stileid.u32  }
0x2: {  	s2 =	rddreg [dreg:$0x0];
	s14 =	sand.u32 $0x1, s1;
	s29 =	sshll.u32 s0, $0x1  }
0x3: {  	s15 =	rddreg [dreg:$0x1];
	s16 =	sor.u32 s14, s29  }
0x4: {  	s3 =	simm.s32 $0x0;
	s1 =	rddreg [dreg:$0x2];
	s4 =	sshll.u32 s16, $0x6  }
0x5: {  	[smem:$0x7FF] =	sst s3;
	s4 =	sadd.s32 s4, s2  }
0x6: {  	_ =	strace $0x80000047;
	s5 =	sadd.s32 $0x20000, s4;
	s4 =	simm.s32 $0x2  }
0x7: {  	[tilespmem:s3], [sflag:$0x2] =	stream.linear.gather [hbm4b:s5+s3], $0x200, $0x38;
	[tilespmem:$0x10200] =	vst v63  }
0x8: {  	_ =	swait.ge [sflag:s4], $0x200  }
0x9: {  	[sflag:s4] =	ssyncset.done $0x0  }
0xa: {  	s6 =	simm.s32 $0x80;
	s7 =	simm.s32 $0x200;
	[sflag:s4] =	ssyncadd.s32 $0xFFFFFE00  }
0xb: {  	[tilespmem:s7], [sflag:$0x1] =	stream.indirect.gather [hbm4b:s2+s6], $0x80, s3, s6, $0xb8;
	[tilespmem:$0x10200] =	vst v63  }
0xc: {  	s8 =	simm.s32 $0x4200  }
0xd: {  	[tilespmem:s8], [sflag:$0x1] =	stream.indirect.gather [hbm4b:s2+s6], $0x80, s6, s6, $0xb8;
	[tilespmem:$0x10200] =	vst v63  }
0xe: {  	s9 =	simm.s32 $0x100;
	s10 =	simm.s32 $0x8200  }
0xf: {  	[tilespmem:s10], [sflag:$0x1] =	stream.indirect.gather [hbm4b:s2+s6], $0x80, s9, s6, $0xb8;
	[tilespmem:$0x10200] =	vst v63  }
0x10: {  	s11 =	simm.s32 $0x180;
	s12 =	simm.s32 $0xC200;
	s13 =	simm.s32 $0x1  }
0x11: {  	[tilespmem:s12], [sflag:$0x1] =	stream.indirect.gather [hbm4b:s2+s6], $0x80, s11, s6, $0xb8;
	[tilespmem:$0x10200] =	vst v63  }
0x12: {  	_ =	swait.ge [sflag:s13], $0x4000  }
0x13: {  	[sflag:s13] =	ssyncset.done $0x0  }
0x14: {  	[sflag:s13] =	ssyncadd.s32 $0xFFFFC000  }
0x15: {  	_ =	swait.ge [sflag:s13], $0x4000  }
0x16: {  	[sflag:s13] =	ssyncset.done $0x0  }
0x17: {  	s14 =	ssub.s32 $0x2, s14;
	[sflag:s13] =	ssyncadd.s32 $0xFFFFC000  }
0x18: {  	s17 =	sshrl.u32 s14, $0x1;
	_ =	swait.ge [sflag:s13], $0x4000  }
0x19: {  	s17 =	ssub.s32 s14, s17;
	[sflag:s13] =	ssyncset.done $0x0  }
0x1a: {  	s31 =	smax.u32 s17, $0x1;
	[sflag:s13] =	ssyncadd.s32 $0xFFFFC000  }
0x1b: {  	p0 =	sne.s32 s31, $0x1;
	_ =	swait.ge [sflag:s13], $0x4000  }
.Ltmp0:
0x1c: {  	s30 =	sshll.u32 s16, $0xD;
	[sflag:s13] =	ssyncset.done $0x0;
	(pc) =	sbr.rel @!p0 .LBB2_2-.Ltmp0, $4  }
0x1d: {  	s14 =	sadd.s32 s15, s30;
	[sflag:s13] =	ssyncadd.s32 $0xFFFFC000  }
0x1e: {  	[hbm4b:s14+s3] =	stream.linear.scatter [tilespmem:s7], [sflag:$0x2], $0x10000, $0x38;
	[tilespmem:$0x10200] =	vst v63  }
0x1f: {  	_ =	swait.ge [sflag:s4], $0x10000  }
0x20: {  	s15 =	sadd.s32 $0xFFFFFFFF, s31;
	[sflag:s4] =	ssyncset.done $0x0  }
.LBB2_1:
0x21: {  	p0 =	sne.s32 s15, $0x1;
	s15 =	sadd.s32 $0xFFFFFFFF, s15;
	[sflag:s4] =	ssyncadd.s32 $0xFFFF0000  }
0x22: {  	[tilespmem:s3], [sflag:$0x2] =	stream.linear.gather [hbm4b:s5+s3], $0x200, $0x38;
	[tilespmem:$0x10200] =	vst v63  }
0x23: {  	_ =	swait.ge [sflag:s4], $0x200  }
0x24: {  	[sflag:s4] =	ssyncset.done $0x0  }
0x25: {  	[sflag:s4] =	ssyncadd.s32 $0xFFFFFE00  }
0x26: {  	[tilespmem:s7], [sflag:$0x1] =	stream.indirect.gather [hbm4b:s2+s6], $0x80, s3, s6, $0xb8;
	[tilespmem:$0x10200] =	vst v63  }
0x27: {  	_ = 	snop  }
0x28: {  	[tilespmem:s8], [sflag:$0x1] =	stream.indirect.gather [hbm4b:s2+s6], $0x80, s6, s6, $0xb8;
	[tilespmem:$0x10200] =	vst v63  }
0x29: {  	_ = 	snop  }
0x2a: {  	[tilespmem:s10], [sflag:$0x1] =	stream.indirect.gather [hbm4b:s2+s6], $0x80, s9, s6, $0xb8;
	[tilespmem:$0x10200] =	vst v63  }
0x2b: {  	_ = 	snop  }
0x2c: {  	[tilespmem:s12], [sflag:$0x1] =	stream.indirect.gather [hbm4b:s2+s6], $0x80, s11, s6, $0xb8;
	[tilespmem:$0x10200] =	vst v63  }
0x2d: {  	_ =	swait.ge [sflag:s13], $0x4000  }
0x2e: {  	[sflag:s13] =	ssyncset.done $0x0  }
0x2f: {  	[sflag:s13] =	ssyncadd.s32 $0xFFFFC000  }
0x30: {  	_ =	swait.ge [sflag:s13], $0x4000  }
0x31: {  	[sflag:s13] =	ssyncset.done $0x0  }
0x32: {  	[sflag:s13] =	ssyncadd.s32 $0xFFFFC000  }
0x33: {  	_ =	swait.ge [sflag:s13], $0x4000  }
0x34: {  	[sflag:s13] =	ssyncset.done $0x0  }
0x35: {  	[sflag:s13] =	ssyncadd.s32 $0xFFFFC000  }
0x36: {  	_ =	swait.ge [sflag:s13], $0x4000  }
.Ltmp1:
0x37: {  	[sflag:s13] =	ssyncset.done $0x0;
	(pc) =	sbr.rel @p0 .LBB2_1-.Ltmp1, $4  }
0x38: {  	[sflag:s13] =	ssyncadd.s32 $0xFFFFC000  }
0x39: {  	[hbm4b:s14+s3] =	stream.linear.scatter [tilespmem:s7], [sflag:$0x2], $0x10000, $0x38;
	[tilespmem:$0x10200] =	vst v63  }
0x3a: {  	_ =	swait.ge [sflag:s4], $0x10000  }
0x3b: {  	[sflag:s4] =	ssyncset.done $0x0  }
.LBB2_2:
0x3c: {  	[sflag:s4] =	ssyncadd.s32 $0xFFFF0000  }
0x3d: {  	_ =	sfence.sel $0x180000  }
0x3e: {  	[bflag:$0x0] =	sbarrier.arrive $0xFFFF  }
0x3f: {  	p0 =	sne.s32 s0, $0x0;
	_ =	strace $0x90000047  }
0x40: {  	s0 =	sadd.s32 @!p0 $0x100000, s1;
	[bflag:$0x2] =	sbarrier.arrive $0xFFFF  }
0x41: {  	[sflag:s0] =	ssyncadd.tile.s32 @!p0 $0x1;
	_ =	shalt  }
.Lfunc_end2:
_tile_overlayer_lowered:
.L_overlay_start_2:
0x42: {  	(tag) =	ssettag $0x2  }
0x43: {  	s0 =	rddreg [dreg:$0x0];
	s2 =	stileid.u32  }
0x44: {  	s1 =	rddreg [dreg:$0x1];
	p0 =	sne.s32 s2, $0x0  }
0x45: {  	s3 =	rddreg [dreg:$0x2];
	[bflag:$0x3] =	sbarrier.arrive $0xFFFF;
	s2 =	simm.s32 @!p0 $0x1C02  }
0x46: {  	[timem:s3], [sflag:s2] =	dma.local @!p0 [hbm:s0], s1  }
0x47: {  	s0 =	simm.s32 @!p0 $0x2  }
0x48: {  	_ =	swait.ge @!p0 [sflag:s0], s1  }
0x49: {  	s1 =	ssub.s32 @!p0 $0x0, s1;
	[sflag:s0] =	ssyncset.done @!p0 $0x0  }
0x4a: {  	[sflag:s0] =	ssyncadd.s32 @!p0 s1  }
0x4b: {  	[bflag:$0x3] =	sbarrier.arrive $0xFFFF  }
0x4c: {  	_ =	shalt  }

</sc_bundles>
